<compile_context>
chip_gen: v7x
topology: tpu7x:2x2x1
jax: 0.10.2.dev20260603
libtpu: 0.0.44.dev20260713+nightly
codegen_flags: <defaults>
</compile_context>

<pallas_src>
import jax
import jax.numpy as jnp
from jax import lax
from jax.experimental import pallas as pl
from jax.experimental.pallas import tpu as pltpu
from jax.experimental.pallas import tpu_sc as plsc

NUM_EMB = 100000
D = 64
S = 200
B = 4096

NC = 2
NS = 16
NW = NC * NS
TOTAL = B * S
PER_W = TOTAL // NW
CHUNK = 128
NCHUNK = PER_W // CHUNK
NBUF = 4
NGRP = NCHUNK // NBUF
VEC = 16


def _body(x_hbm, pe2_hbm, table_hbm, out_hbm,
          idx_v, pe2_v, rows_v, outs_v, gsem, osem):
    wid = lax.axis_index("s") * NC + lax.axis_index("c")
    base = wid * PER_W

    pltpu.sync_copy(x_hbm.at[pl.ds(base, PER_W)], idx_v)
    pltpu.sync_copy(pe2_hbm, pe2_v)

    def fire_gather(c, b):
        pltpu.async_copy(
            table_hbm.at[idx_v.at[pl.ds(c * CHUNK, CHUNK)]],
            rows_v.at[b],
            gsem.at[b],
        )

    for b in range(NBUF):
        fire_gather(b, b)

    def group_body(g, carry):
        for b in range(NBUF):
            c = g * NBUF + b
            start = base + c * CHUNK
            s0 = lax.rem(c * CHUNK, S)

            pltpu.make_async_copy(
                table_hbm.at[idx_v.at[pl.ds(c * CHUNK, CHUNK)]],
                rows_v.at[b],
                gsem.at[b],
            ).wait()

            @pl.when(g > 0)
            def _wait_prev_out():
                pltpu.make_async_copy(
                    outs_v.at[b],
                    out_hbm.at[pl.ds(start, CHUNK)],
                    osem.at[b],
                ).wait()

            def add_body(i, carry2):
                for j in range(D // VEC):
                    outs_v[b, i, pl.ds(j * VEC, VEC)] = (
                        rows_v[b, i, pl.ds(j * VEC, VEC)]
                        + pe2_v[s0 + i, pl.ds(j * VEC, VEC)]
                    )
                return carry2

            lax.fori_loop(0, CHUNK, add_body, 0, unroll=4)

            pltpu.async_copy(
                outs_v.at[b],
                out_hbm.at[pl.ds(start, CHUNK)],
                osem.at[b],
            )

            @pl.when(g < NGRP - 1)
            def _prefetch():
                fire_gather(c + NBUF, b)
        return carry

    lax.fori_loop(0, NGRP, group_body, 0)

    for b in range(NBUF):
        c = (NGRP - 1) * NBUF + b
        pltpu.make_async_copy(
            outs_v.at[b],
            out_hbm.at[pl.ds(base + c * CHUNK, CHUNK)],
            osem.at[b],
        ).wait()


@jax.jit
def kernel(x, table, pe):
    xf = x.reshape(TOTAL)
    pe2 = jnp.concatenate([pe, pe], axis=0)

    mesh = plsc.VectorSubcoreMesh(core_axis_name="c", subcore_axis_name="s")
    out_flat = pl.kernel(
        _body,
        out_type=jax.ShapeDtypeStruct((TOTAL, D), jnp.float32),
        mesh=mesh,
        scratch_types=[
            pltpu.VMEM((PER_W,), jnp.int32),
            pltpu.VMEM((2 * S, D), jnp.float32),
            pltpu.VMEM((NBUF, CHUNK, D), jnp.float32),
            pltpu.VMEM((NBUF, CHUNK, D), jnp.float32),
            pltpu.SemaphoreType.DMA((NBUF,)),
            pltpu.SemaphoreType.DMA((NBUF,)),
        ],
        compiler_params=pltpu.CompilerParams(use_tc_tiling_on_sc=False),
    )(xf, pe2, table)
    return out_flat.reshape(B, S, D)

# --- scband reference (transcript-rebuilt; emitter-appended) ---
"""Pipeline reference for scband-positional-embedding-83116207112310 (READ-ONLY COPY).

The authoritative reference and input builder live on the scoring server;
editing this copy changes nothing except your own understanding.
"""

import jax, jax.numpy as jnp
import numpy as np

NUM_EMBEDDINGS = 100000
EMBEDDING_DIM = 64
SEQ_LENGTH = 200
BATCH = 4096


def _make_positional_encoding(seq_length, embedding_dim):
    position = jnp.arange(seq_length, dtype=jnp.float32)[:, None]
    div = 10000.0 ** (jnp.arange(0, embedding_dim, 2, dtype=jnp.float32) / embedding_dim)
    pe = jnp.zeros((seq_length, embedding_dim), dtype=jnp.float32)
    pe = pe.at[:, 0::2].set(jnp.sin(position / div))
    pe = pe.at[:, 1::2].set(jnp.cos(position / div))
    return pe


def setup_inputs(seed: int = 0) -> dict:
    key = jax.random.key(seed)
    k1, k2 = jax.random.split(key)
    x = jax.random.randint(k1, (BATCH, SEQ_LENGTH), 0, NUM_EMBEDDINGS, dtype=jnp.int32)
    # Learned embedding table (nn.Embedding weight), N(0,1) init like torch default
    table = jax.random.normal(k2, (NUM_EMBEDDINGS, EMBEDDING_DIM), dtype=jnp.float32)
    pe = _make_positional_encoding(SEQ_LENGTH, EMBEDDING_DIM)
    return {"x": x, "table": table, "pe": pe}


def reference(x, table, pe):
    # normal_embedding(x): gather rows of the table (SparseCore-friendly)
    emb = jnp.take(table, x, axis=0)  # [B, S, D]
    # sin_embedding=True: add sinusoidal positional encoding (broadcast over batch)
    out = emb + pe[None, :, :]
    # dropout p=0.0 -> identity in eval/deterministic reference
    return out

if __name__ == "__main__":
    import jax
    _d = setup_inputs()
    print(jax.jit(kernel)(*tuple(_d.values())))

</pallas_src>

<mosaic_0001>
#map = affine_map<(d0, d1) -> (0)>
#map1 = affine_map<(d0, d1) -> (0, 0)>
module attributes {stable_mosaic.version = 14 : i64} {
  func.func @_body(%arg0: i32, %arg1: i32, %arg2: memref<819200xi32, #tpu.memory_space<hbm>>, %arg3: memref<400x64xf32, #tpu.memory_space<hbm>>, %arg4: memref<100000x64xf32, #tpu.memory_space<hbm>>, %arg5: memref<819200x64xf32, #tpu.memory_space<hbm>>, %arg6: memref<25600xi32, #tpu.memory_space<vmem>>, %arg7: memref<400x64xf32, #tpu.memory_space<vmem>>, %arg8: memref<4x128x64xf32, #tpu.memory_space<vmem>>, %arg9: memref<4x128x64xf32, #tpu.memory_space<vmem>>, %arg10: memref<4x!tpu.dma_semaphore, #tpu.memory_space<semaphore_mem>>, %arg11: memref<4x!tpu.dma_semaphore, #tpu.memory_space<semaphore_mem>>) attributes {dimension_semantics = [#tpu.dimension_semantics<core_parallel>, #tpu.dimension_semantics<subcore_parallel>], iteration_bounds = array<i64: 2, 16>, scalar_prefetch = 0 : i64, scratch_operands = 6 : i64, tpu.core_type = #tpu.core_type<sc_vector_subcore>, window_params = [{transform_indices = #map}, {transform_indices = #map1}, {transform_indices = #map1}, {transform_indices = #map1}]} {
    %mul3A = arith.constant 2 : i32
    %mul3A_0 = arith.muli %arg1, %mul3A : i32
    %add3A = arith.addi %mul3A_0, %arg0 : i32
    %mul3A_1 = arith.constant 25600 : i32
    %mul3A_2 = arith.muli %add3A, %mul3A_1 : i32
    "tpu.region"() ({
      %run_scoped3A = tpu.sem_alloc : memref<!tpu.dma_semaphore, #tpu.memory_space<semaphore_mem>>
      %dma_start3A_130 = tpu.memref_slice %arg2[%mul3A_2] : memref<819200xi32, #tpu.memory_space<hbm>> -> memref<25600xi32, #tpu.memory_space<hbm>>
      %dma_start3A_131 = tpu.memref_slice %arg2[%mul3A_2] : memref<819200xi32, #tpu.memory_space<hbm>> -> memref<25600xi32, #tpu.memory_space<hbm>>
      tpu.enqueue_dma source(%dma_start3A_131 : memref<25600xi32, #tpu.memory_space<hbm>>) target(%arg6 : memref<25600xi32, #tpu.memory_space<vmem>>) target_semaphore(%run_scoped3A : memref<!tpu.dma_semaphore, #tpu.memory_space<semaphore_mem>>)
      %dma_wait3A_132 = tpu.memref_slice %arg2[%mul3A_2] : memref<819200xi32, #tpu.memory_space<hbm>> -> memref<25600xi32, #tpu.memory_space<hbm>>
      %dma_wait3A_133 = tpu.memref_slice %arg2[%mul3A_2] : memref<819200xi32, #tpu.memory_space<hbm>> -> memref<25600xi32, #tpu.memory_space<hbm>>
      tpu.wait_dma2 semaphore(%run_scoped3A : memref<!tpu.dma_semaphore, #tpu.memory_space<semaphore_mem>>) src(%dma_wait3A_133 : memref<25600xi32, #tpu.memory_space<hbm>>) dst(%arg6 : memref<25600xi32, #tpu.memory_space<vmem>>)
      tpu.yield
    }) : () -> ()
    "tpu.region"() ({
      %run_scoped3A = tpu.sem_alloc : memref<!tpu.dma_semaphore, #tpu.memory_space<semaphore_mem>>
      tpu.enqueue_dma source(%arg3 : memref<400x64xf32, #tpu.memory_space<hbm>>) target(%arg7 : memref<400x64xf32, #tpu.memory_space<vmem>>) target_semaphore(%run_scoped3A : memref<!tpu.dma_semaphore, #tpu.memory_space<semaphore_mem>>)
      tpu.wait_dma2 semaphore(%run_scoped3A : memref<!tpu.dma_semaphore, #tpu.memory_space<semaphore_mem>>) src(%arg3 : memref<400x64xf32, #tpu.memory_space<hbm>>) dst(%arg7 : memref<400x64xf32, #tpu.memory_space<vmem>>)
      tpu.yield
    }) : () -> ()
    %dma_start3A = arith.constant 0 : i32
    %dma_start3A_3 = arith.constant 0 : i32
    %dma_start3A_4 = arith.constant 0 : i32
    %dma_start3A_5 = arith.constant 0 : i32
    %dma_start3A_6 = tpu.memref_slice %arg8[%dma_start3A, %dma_start3A_4, %dma_start3A_5] : memref<4x128x64xf32, #tpu.memory_space<vmem>> -> memref<1x128x64xf32, #tpu.memory_space<vmem>>
    %dma_start3A_7 = tpu.memref_squeeze %dma_start3A_6 : memref<1x128x64xf32, #tpu.memory_space<vmem>> -> memref<128x64xf32, #tpu.memory_space<vmem>>
    %dma_start3A_8 = arith.constant 0 : i32
    %dma_start3A_9 = tpu.memref_slice %arg6[%dma_start3A_8] : memref<25600xi32, #tpu.memory_space<vmem>> -> memref<128xi32, #tpu.memory_space<vmem>>
    %dma_start3A_10 = arith.constant 0 : i32
    %dma_start3A_11 = arith.constant 0 : i32
    %dma_start3A_12 = tpu.memref_slice %arg4[%dma_start3A_10, %dma_start3A_11] : memref<100000x64xf32, #tpu.memory_space<hbm>> -> memref<100000x64xf32, #tpu.memory_space<hbm>>
    %dma_start3A_13 = tpu.memref_slice %arg10[%dma_start3A_3] : memref<4x!tpu.dma_semaphore, #tpu.memory_space<semaphore_mem>> -> memref<1x!tpu.dma_semaphore, #tpu.memory_space<semaphore_mem>>
    %dma_start3A_14 = tpu.memref_squeeze %dma_start3A_13 : memref<1x!tpu.dma_semaphore, #tpu.memory_space<semaphore_mem>> -> memref<!tpu.dma_semaphore, #tpu.memory_space<semaphore_mem>>
    tpu.enqueue_indirect_dma source(%dma_start3A_12 : memref<100000x64xf32, #tpu.memory_space<hbm>>) target(%dma_start3A_7 : memref<128x64xf32, #tpu.memory_space<vmem>>) offsets(%dma_start3A_9 : memref<128xi32, #tpu.memory_space<vmem>>) semaphore(%dma_start3A_14 : memref<!tpu.dma_semaphore, #tpu.memory_space<semaphore_mem>>)
    %dma_start3A_15 = arith.constant 1 : i32
    %dma_start3A_16 = arith.constant 1 : i32
    %dma_start3A_17 = arith.constant 0 : i32
    %dma_start3A_18 = arith.constant 0 : i32
    %dma_start3A_19 = tpu.memref_slice %arg8[%dma_start3A_15, %dma_start3A_17, %dma_start3A_18] : memref<4x128x64xf32, #tpu.memory_space<vmem>> -> memref<1x128x64xf32, #tpu.memory_space<vmem>>
    %dma_start3A_20 = tpu.memref_squeeze %dma_start3A_19 : memref<1x128x64xf32, #tpu.memory_space<vmem>> -> memref<128x64xf32, #tpu.memory_space<vmem>>
    %dma_start3A_21 = arith.constant 128 : i32
    %dma_start3A_22 = tpu.memref_slice %arg6[%dma_start3A_21] : memref<25600xi32, #tpu.memory_space<vmem>> -> memref<128xi32, #tpu.memory_space<vmem>>
    %dma_start3A_23 = arith.constant 0 : i32
    %dma_start3A_24 = arith.constant 0 : i32
    %dma_start3A_25 = tpu.memref_slice %arg4[%dma_start3A_23, %dma_start3A_24] : memref<100000x64xf32, #tpu.memory_space<hbm>> -> memref<100000x64xf32, #tpu.memory_space<hbm>>
    %dma_start3A_26 = tpu.memref_slice %arg10[%dma_start3A_16] : memref<4x!tpu.dma_semaphore, #tpu.memory_space<semaphore_mem>> -> memref<1x!tpu.dma_semaphore, #tpu.memory_space<semaphore_mem>>
    %dma_start3A_27 = tpu.memref_squeeze %dma_start3A_26 : memref<1x!tpu.dma_semaphore, #tpu.memory_space<semaphore_mem>> -> memref<!tpu.dma_semaphore, #tpu.memory_space<semaphore_mem>>
    tpu.enqueue_indirect_dma source(%dma_start3A_25 : memref<100000x64xf32, #tpu.memory_space<hbm>>) target(%dma_start3A_20 : memref<128x64xf32, #tpu.memory_space<vmem>>) offsets(%dma_start3A_22 : memref<128xi32, #tpu.memory_space<vmem>>) semaphore(%dma_start3A_27 : memref<!tpu.dma_semaphore, #tpu.memory_space<semaphore_mem>>)
    %dma_start3A_28 = arith.constant 2 : i32
    %dma_start3A_29 = arith.constant 2 : i32
    %dma_start3A_30 = arith.constant 0 : i32
    %dma_start3A_31 = arith.constant 0 : i32
    %dma_start3A_32 = tpu.memref_slice %arg8[%dma_start3A_28, %dma_start3A_30, %dma_start3A_31] : memref<4x128x64xf32, #tpu.memory_space<vmem>> -> memref<1x128x64xf32, #tpu.memory_space<vmem>>
    %dma_start3A_33 = tpu.memref_squeeze %dma_start3A_32 : memref<1x128x64xf32, #tpu.memory_space<vmem>> -> memref<128x64xf32, #tpu.memory_space<vmem>>
    %dma_start3A_34 = arith.constant 256 : i32
    %dma_start3A_35 = tpu.memref_slice %arg6[%dma_start3A_34] : memref<25600xi32, #tpu.memory_space<vmem>> -> memref<128xi32, #tpu.memory_space<vmem>>
    %dma_start3A_36 = arith.constant 0 : i32
    %dma_start3A_37 = arith.constant 0 : i32
    %dma_start3A_38 = tpu.memref_slice %arg4[%dma_start3A_36, %dma_start3A_37] : memref<100000x64xf32, #tpu.memory_space<hbm>> -> memref<100000x64xf32, #tpu.memory_space<hbm>>
    %dma_start3A_39 = tpu.memref_slice %arg10[%dma_start3A_29] : memref<4x!tpu.dma_semaphore, #tpu.memory_space<semaphore_mem>> -> memref<1x!tpu.dma_semaphore, #tpu.memory_space<semaphore_mem>>
    %dma_start3A_40 = tpu.memref_squeeze %dma_start3A_39 : memref<1x!tpu.dma_semaphore, #tpu.memory_space<semaphore_mem>> -> memref<!tpu.dma_semaphore, #tpu.memory_space<semaphore_mem>>
    tpu.enqueue_indirect_dma source(%dma_start3A_38 : memref<100000x64xf32, #tpu.memory_space<hbm>>) target(%dma_start3A_33 : memref<128x64xf32, #tpu.memory_space<vmem>>) offsets(%dma_start3A_35 : memref<128xi32, #tpu.memory_space<vmem>>) semaphore(%dma_start3A_40 : memref<!tpu.dma_semaphore, #tpu.memory_space<semaphore_mem>>)
    %dma_start3A_41 = arith.constant 3 : i32
    %dma_start3A_42 = arith.constant 3 : i32
    %dma_start3A_43 = arith.constant 0 : i32
    %dma_start3A_44 = arith.constant 0 : i32
    %dma_start3A_45 = tpu.memref_slice %arg8[%dma_start3A_41, %dma_start3A_43, %dma_start3A_44] : memref<4x128x64xf32, #tpu.memory_space<vmem>> -> memref<1x128x64xf32, #tpu.memory_space<vmem>>
    %dma_start3A_46 = tpu.memref_squeeze %dma_start3A_45 : memref<1x128x64xf32, #tpu.memory_space<vmem>> -> memref<128x64xf32, #tpu.memory_space<vmem>>
    %dma_start3A_47 = arith.constant 384 : i32
    %dma_start3A_48 = tpu.memref_slice %arg6[%dma_start3A_47] : memref<25600xi32, #tpu.memory_space<vmem>> -> memref<128xi32, #tpu.memory_space<vmem>>
    %dma_start3A_49 = arith.constant 0 : i32
    %dma_start3A_50 = arith.constant 0 : i32
    %dma_start3A_51 = tpu.memref_slice %arg4[%dma_start3A_49, %dma_start3A_50] : memref<100000x64xf32, #tpu.memory_space<hbm>> -> memref<100000x64xf32, #tpu.memory_space<hbm>>
    %dma_start3A_52 = tpu.memref_slice %arg10[%dma_start3A_42] : memref<4x!tpu.dma_semaphore, #tpu.memory_space<semaphore_mem>> -> memref<1x!tpu.dma_semaphore, #tpu.memory_space<semaphore_mem>>
    %dma_start3A_53 = tpu.memref_squeeze %dma_start3A_52 : memref<1x!tpu.dma_semaphore, #tpu.memory_space<semaphore_mem>> -> memref<!tpu.dma_semaphore, #tpu.memory_space<semaphore_mem>>
    tpu.enqueue_indirect_dma source(%dma_start3A_51 : memref<100000x64xf32, #tpu.memory_space<hbm>>) target(%dma_start3A_46 : memref<128x64xf32, #tpu.memory_space<vmem>>) offsets(%dma_start3A_48 : memref<128xi32, #tpu.memory_space<vmem>>) semaphore(%dma_start3A_53 : memref<!tpu.dma_semaphore, #tpu.memory_space<semaphore_mem>>)
    %scan3A = arith.constant 0 : i32
    %scan3A_54 = arith.constant 0 : i32
    %scan3A_55 = arith.constant 50 : i32
    %scan3A_56 = arith.addi %scan3A_54, %scan3A_55 : i32
    %scan3A_57 = arith.constant 1 : i32
    scf.for %scan3A_130 = %scan3A_54 to %scan3A_56 step %scan3A_57  : i32 {
      %mul3A_131 = arith.constant 4 : i32
      %mul3A_132 = arith.muli %scan3A_130, %mul3A_131 : i32
      %add3A_133 = arith.constant 0 : i32
      %add3A_134 = arith.addi %mul3A_132, %add3A_133 : i32
      %mul3A_135 = arith.constant 128 : i32
      %mul3A_136 = arith.muli %add3A_134, %mul3A_135 : i32
      %add3A_137 = arith.addi %mul3A_2, %mul3A_136 : i32
      %mul3A_138 = arith.constant 128 : i32
      %mul3A_139 = arith.muli %add3A_134, %mul3A_138 : i32
      %rem3A = arith.constant 200 : i32
      %rem3A_140 = arith.remsi %mul3A_139, %rem3A : i32
      %mul3A_141 = arith.constant 128 : i32
      %mul3A_142 = arith.muli %add3A_134, %mul3A_141 : i32
      %dma_wait3A_143 = arith.constant 0 : i32
      %dma_wait3A_144 = arith.constant 0 : i32
      %dma_wait3A_145 = arith.constant 0 : i32
      %dma_wait3A_146 = arith.constant 0 : i32
      %dma_wait3A_147 = tpu.memref_slice %arg8[%dma_wait3A_143, %dma_wait3A_145, %dma_wait3A_146] : memref<4x128x64xf32, #tpu.memory_space<vmem>> -> memref<1x128x64xf32, #tpu.memory_space<vmem>>
      %dma_wait3A_148 = tpu.memref_squeeze %dma_wait3A_147 : memref<1x128x64xf32, #tpu.memory_space<vmem>> -> memref<128x64xf32, #tpu.memory_space<vmem>>
      %dma_wait3A_149 = tpu.memref_slice %arg6[%mul3A_142] : memref<25600xi32, #tpu.memory_space<vmem>> -> memref<128xi32, #tpu.memory_space<vmem>>
      %dma_wait3A_150 = arith.constant 0 : i32
      %dma_wait3A_151 = arith.constant 0 : i32
      %dma_wait3A_152 = tpu.memref_slice %arg4[%dma_wait3A_150, %dma_wait3A_151] : memref<100000x64xf32, #tpu.memory_space<hbm>> -> memref<100000x64xf32, #tpu.memory_space<hbm>>
      %dma_wait3A_153 = tpu.memref_slice %arg10[%dma_wait3A_144] : memref<4x!tpu.dma_semaphore, #tpu.memory_space<semaphore_mem>> -> memref<1x!tpu.dma_semaphore, #tpu.memory_space<semaphore_mem>>
      %dma_wait3A_154 = tpu.memref_squeeze %dma_wait3A_153 : memref<1x!tpu.dma_semaphore, #tpu.memory_space<semaphore_mem>> -> memref<!tpu.dma_semaphore, #tpu.memory_space<semaphore_mem>>
      tpu.wait_indirect_dma semaphore(%dma_wait3A_154 : memref<!tpu.dma_semaphore, #tpu.memory_space<semaphore_mem>>) src(%dma_wait3A_152 : memref<100000x64xf32, #tpu.memory_space<hbm>>) dst(%dma_wait3A_148 : memref<128x64xf32, #tpu.memory_space<vmem>>)
      %gt3A = arith.constant 0 : i32
      %gt3A_155 = arith.cmpi sgt, %scan3A_130, %gt3A : i32
      %convert_element_type3A = arith.extui %gt3A_155 : i1 to i32
      %cond3A = arith.constant 0 : i32
      %cond3A_156 = arith.cmpi ne, %convert_element_type3A, %cond3A : i32
      scf.if %cond3A_156 {
        %dma_wait3A_354 = arith.constant 0 : i32
        %dma_wait3A_355 = arith.constant 0 : i32
        %dma_wait3A_356 = arith.constant 0 : i32
        %dma_wait3A_357 = arith.constant 0 : i32
        %dma_wait3A_358 = tpu.memref_slice %arg9[%dma_wait3A_354, %dma_wait3A_356, %dma_wait3A_357] : memref<4x128x64xf32, #tpu.memory_space<vmem>> -> memref<1x128x64xf32, #tpu.memory_space<vmem>>
        %dma_wait3A_359 = tpu.memref_squeeze %dma_wait3A_358 : memref<1x128x64xf32, #tpu.memory_space<vmem>> -> memref<128x64xf32, #tpu.memory_space<vmem>>
        %dma_wait3A_360 = arith.constant 0 : i32
        %dma_wait3A_361 = tpu.memref_slice %arg5[%add3A_137, %dma_wait3A_360] : memref<819200x64xf32, #tpu.memory_space<hbm>> -> memref<128x64xf32, #tpu.memory_space<hbm>>
        %dma_wait3A_362 = tpu.memref_slice %arg11[%dma_wait3A_355] : memref<4x!tpu.dma_semaphore, #tpu.memory_space<semaphore_mem>> -> memref<1x!tpu.dma_semaphore, #tpu.memory_space<semaphore_mem>>
        %dma_wait3A_363 = tpu.memref_squeeze %dma_wait3A_362 : memref<1x!tpu.dma_semaphore, #tpu.memory_space<semaphore_mem>> -> memref<!tpu.dma_semaphore, #tpu.memory_space<semaphore_mem>>
        %dma_wait3A_364 = arith.constant 0 : i32
        %dma_wait3A_365 = tpu.memref_slice %arg5[%add3A_137, %dma_wait3A_364] : memref<819200x64xf32, #tpu.memory_space<hbm>> -> memref<128x64xf32, #tpu.memory_space<hbm>>
        %dma_wait3A_366 = arith.constant 0 : i32
        %dma_wait3A_367 = arith.constant 0 : i32
        %dma_wait3A_368 = tpu.memref_slice %arg9[%dma_wait3A_354, %dma_wait3A_366, %dma_wait3A_367] : memref<4x128x64xf32, #tpu.memory_space<vmem>> -> memref<1x128x64xf32, #tpu.memory_space<vmem>>
        %dma_wait3A_369 = tpu.memref_squeeze %dma_wait3A_368 : memref<1x128x64xf32, #tpu.memory_space<vmem>> -> memref<128x64xf32, #tpu.memory_space<vmem>>
        tpu.wait_dma2 semaphore(%dma_wait3A_363 : memref<!tpu.dma_semaphore, #tpu.memory_space<semaphore_mem>>) src(%dma_wait3A_369 : memref<128x64xf32, #tpu.memory_space<vmem>>) dst(%dma_wait3A_365 : memref<128x64xf32, #tpu.memory_space<hbm>>)
      } else {
      }
      %scan3A_157 = arith.constant 0 : i32
      %scan3A_158 = arith.constant 0 : i32
      %scan3A_159 = arith.constant 128 : i32
      %scan3A_160 = arith.addi %scan3A_158, %scan3A_159 : i32
      %scan3A_161 = arith.constant 4 : i32
      scf.for %scan3A_354 = %scan3A_158 to %scan3A_160 step %scan3A_161  : i32 {
        %get3A = arith.constant 0 : i32
        %get3A_355 = arith.index_cast %get3A : i32 to index
        %get3A_356 = arith.index_cast %scan3A_354 : i32 to index
        %get3A_357 = arith.constant 0 : index
        %get3A_358 = tpu.vector_load %arg8[%get3A_355, %get3A_356, %get3A_357] {strides = array<i32>} : memref<4x128x64xf32, #tpu.memory_space<vmem>>, vector<1x1x16xf32>,
        %get3A_359 = vector.shape_cast %get3A_358 : vector<1x1x16xf32> to vector<16xf32>
        %add3A_360 = arith.addi %rem3A_140, %scan3A_354 : i32
        %get3A_361 = arith.index_cast %add3A_360 : i32 to index
        %get3A_362 = arith.constant 0 : index
        %get3A_363 = tpu.vector_load %arg7[%get3A_361, %get3A_362] {strides = array<i32>} : memref<400x64xf32, #tpu.memory_space<vmem>>, vector<1x16xf32>,
        %get3A_364 = vector.shape_cast %get3A_363 : vector<1x16xf32> to vector<16xf32>
        %add3A_365 = arith.addf %get3A_359, %get3A_364 : vector<16xf32>
        %swap3A = arith.constant 0 : i32
        %swap3A_366 = arith.index_cast %swap3A : i32 to index
        %swap3A_367 = arith.index_cast %scan3A_354 : i32 to index
        %swap3A_368 = arith.constant 0 : index
        %swap3A_369 = tpu.vector_load %arg9[%swap3A_366, %swap3A_367, %swap3A_368] {strides = array<i32>} : memref<4x128x64xf32, #tpu.memory_space<vmem>>, vector<1x1x16xf32>,
        %swap3A_370 = vector.shape_cast %swap3A_369 : vector<1x1x16xf32> to vector<16xf32>
        %swap3A_371 = vector.shape_cast %add3A_365 : vector<16xf32> to vector<1x1x16xf32>
        tpu.vector_store %arg9[%swap3A_366, %swap3A_367, %swap3A_368], %swap3A_371 {strides = array<i32>} : memref<4x128x64xf32, #tpu.memory_space<vmem>>, vector<1x1x16xf32>,
        %get3A_372 = arith.constant 0 : i32
        %get3A_373 = arith.index_cast %get3A_372 : i32 to index
        %get3A_374 = arith.index_cast %scan3A_354 : i32 to index
        %get3A_375 = arith.constant 16 : index
        %get3A_376 = tpu.vector_load %arg8[%get3A_373, %get3A_374, %get3A_375] {strides = array<i32>} : memref<4x128x64xf32, #tpu.memory_space<vmem>>, vector<1x1x16xf32>,
        %get3A_377 = vector.shape_cast %get3A_376 : vector<1x1x16xf32> to vector<16xf32>
        %add3A_378 = arith.addi %rem3A_140, %scan3A_354 : i32
        %get3A_379 = arith.index_cast %add3A_378 : i32 to index
        %get3A_380 = arith.constant 16 : index
        %get3A_381 = tpu.vector_load %arg7[%get3A_379, %get3A_380] {strides = array<i32>} : memref<400x64xf32, #tpu.memory_space<vmem>>, vector<1x16xf32>,
        %get3A_382 = vector.shape_cast %get3A_381 : vector<1x16xf32> to vector<16xf32>
        %add3A_383 = arith.addf %get3A_377, %get3A_382 : vector<16xf32>
        %swap3A_384 = arith.constant 0 : i32
        %swap3A_385 = arith.index_cast %swap3A_384 : i32 to index
        %swap3A_386 = arith.index_cast %scan3A_354 : i32 to index
        %swap3A_387 = arith.constant 16 : index
        %swap3A_388 = tpu.vector_load %arg9[%swap3A_385, %swap3A_386, %swap3A_387] {strides = array<i32>} : memref<4x128x64xf32, #tpu.memory_space<vmem>>, vector<1x1x16xf32>,
        %swap3A_389 = vector.shape_cast %swap3A_388 : vector<1x1x16xf32> to vector<16xf32>
        %swap3A_390 = vector.shape_cast %add3A_383 : vector<16xf32> to vector<1x1x16xf32>
        tpu.vector_store %arg9[%swap3A_385, %swap3A_386, %swap3A_387], %swap3A_390 {strides = array<i32>} : memref<4x128x64xf32, #tpu.memory_space<vmem>>, vector<1x1x16xf32>,
        %get3A_391 = arith.constant 0 : i32
        %get3A_392 = arith.index_cast %get3A_391 : i32 to index
        %get3A_393 = arith.index_cast %scan3A_354 : i32 to index
        %get3A_394 = arith.constant 32 : index
        %get3A_395 = tpu.vector_load %arg8[%get3A_392, %get3A_393, %get3A_394] {strides = array<i32>} : memref<4x128x64xf32, #tpu.memory_space<vmem>>, vector<1x1x16xf32>,
        %get3A_396 = vector.shape_cast %get3A_395 : vector<1x1x16xf32> to vector<16xf32>
        %add3A_397 = arith.addi %rem3A_140, %scan3A_354 : i32
        %get3A_398 = arith.index_cast %add3A_397 : i32 to index
        %get3A_399 = arith.constant 32 : index
        %get3A_400 = tpu.vector_load %arg7[%get3A_398, %get3A_399] {strides = array<i32>} : memref<400x64xf32, #tpu.memory_space<vmem>>, vector<1x16xf32>,
        %get3A_401 = vector.shape_cast %get3A_400 : vector<1x16xf32> to vector<16xf32>
        %add3A_402 = arith.addf %get3A_396, %get3A_401 : vector<16xf32>
        %swap3A_403 = arith.constant 0 : i32
        %swap3A_404 = arith.index_cast %swap3A_403 : i32 to index
        %swap3A_405 = arith.index_cast %scan3A_354 : i32 to index
        %swap3A_406 = arith.constant 32 : index
        %swap3A_407 = tpu.vector_load %arg9[%swap3A_404, %swap3A_405, %swap3A_406] {strides = array<i32>} : memref<4x128x64xf32, #tpu.memory_space<vmem>>, vector<1x1x16xf32>,
        %swap3A_408 = vector.shape_cast %swap3A_407 : vector<1x1x16xf32> to vector<16xf32>
        %swap3A_409 = vector.shape_cast %add3A_402 : vector<16xf32> to vector<1x1x16xf32>
        tpu.vector_store %arg9[%swap3A_404, %swap3A_405, %swap3A_406], %swap3A_409 {strides = array<i32>} : memref<4x128x64xf32, #tpu.memory_space<vmem>>, vector<1x1x16xf32>,
        %get3A_410 = arith.constant 0 : i32
        %get3A_411 = arith.index_cast %get3A_410 : i32 to index
        %get3A_412 = arith.index_cast %scan3A_354 : i32 to index
        %get3A_413 = arith.constant 48 : index
        %get3A_414 = tpu.vector_load %arg8[%get3A_411, %get3A_412, %get3A_413] {strides = array<i32>} : memref<4x128x64xf32, #tpu.memory_space<vmem>>, vector<1x1x16xf32>,
        %get3A_415 = vector.shape_cast %get3A_414 : vector<1x1x16xf32> to vector<16xf32>
        %add3A_416 = arith.addi %rem3A_140, %scan3A_354 : i32
        %get3A_417 = arith.index_cast %add3A_416 : i32 to index
        %get3A_418 = arith.constant 48 : index
        %get3A_419 = tpu.vector_load %arg7[%get3A_417, %get3A_418] {strides = array<i32>} : memref<400x64xf32, #tpu.memory_space<vmem>>, vector<1x16xf32>,
        %get3A_420 = vector.shape_cast %get3A_419 : vector<1x16xf32> to vector<16xf32>
        %add3A_421 = arith.addf %get3A_415, %get3A_420 : vector<16xf32>
        %swap3A_422 = arith.constant 0 : i32
        %swap3A_423 = arith.index_cast %swap3A_422 : i32 to index
        %swap3A_424 = arith.index_cast %scan3A_354 : i32 to index
        %swap3A_425 = arith.constant 48 : index
        %swap3A_426 = tpu.vector_load %arg9[%swap3A_423, %swap3A_424, %swap3A_425] {strides = array<i32>} : memref<4x128x64xf32, #tpu.memory_space<vmem>>, vector<1x1x16xf32>,
        %swap3A_427 = vector.shape_cast %swap3A_426 : vector<1x1x16xf32> to vector<16xf32>
        %swap3A_428 = vector.shape_cast %add3A_421 : vector<16xf32> to vector<1x1x16xf32>
        tpu.vector_store %arg9[%swap3A_423, %swap3A_424, %swap3A_425], %swap3A_428 {strides = array<i32>} : memref<4x128x64xf32, #tpu.memory_space<vmem>>, vector<1x1x16xf32>,
        %scan3A_429 = arith.constant 1 : i32
        %scan3A_430 = arith.addi %scan3A_354, %scan3A_429 : i32
        %get3A_431 = arith.constant 0 : i32
        %get3A_432 = arith.index_cast %get3A_431 : i32 to index
        %get3A_433 = arith.index_cast %scan3A_430 : i32 to index
        %get3A_434 = arith.constant 0 : index
        %get3A_435 = tpu.vector_load %arg8[%get3A_432, %get3A_433, %get3A_434] {strides = array<i32>} : memref<4x128x64xf32, #tpu.memory_space<vmem>>, vector<1x1x16xf32>,
        %get3A_436 = vector.shape_cast %get3A_435 : vector<1x1x16xf32> to vector<16xf32>
        %add3A_437 = arith.addi %rem3A_140, %scan3A_430 : i32
        %get3A_438 = arith.index_cast %add3A_437 : i32 to index
        %get3A_439 = arith.constant 0 : index
        %get3A_440 = tpu.vector_load %arg7[%get3A_438, %get3A_439] {strides = array<i32>} : memref<400x64xf32, #tpu.memory_space<vmem>>, vector<1x16xf32>,
        %get3A_441 = vector.shape_cast %get3A_440 : vector<1x16xf32> to vector<16xf32>
        %add3A_442 = arith.addf %get3A_436, %get3A_441 : vector<16xf32>
        %swap3A_443 = arith.constant 0 : i32
        %swap3A_444 = arith.index_cast %swap3A_443 : i32 to index
        %swap3A_445 = arith.index_cast %scan3A_430 : i32 to index
        %swap3A_446 = arith.constant 0 : index
        %swap3A_447 = tpu.vector_load %arg9[%swap3A_444, %swap3A_445, %swap3A_446] {strides = array<i32>} : memref<4x128x64xf32, #tpu.memory_space<vmem>>, vector<1x1x16xf32>,
        %swap3A_448 = vector.shape_cast %swap3A_447 : vector<1x1x16xf32> to vector<16xf32>
        %swap3A_449 = vector.shape_cast %add3A_442 : vector<16xf32> to vector<1x1x16xf32>
        tpu.vector_store %arg9[%swap3A_444, %swap3A_445, %swap3A_446], %swap3A_449 {strides = array<i32>} : memref<4x128x64xf32, #tpu.memory_space<vmem>>, vector<1x1x16xf32>,
        %get3A_450 = arith.constant 0 : i32
        %get3A_451 = arith.index_cast %get3A_450 : i32 to index
        %get3A_452 = arith.index_cast %scan3A_430 : i32 to index
        %get3A_453 = arith.constant 16 : index
        %get3A_454 = tpu.vector_load %arg8[%get3A_451, %get3A_452, %get3A_453] {strides = array<i32>} : memref<4x128x64xf32, #tpu.memory_space<vmem>>, vector<1x1x16xf32>,
        %get3A_455 = vector.shape_cast %get3A_454 : vector<1x1x16xf32> to vector<16xf32>
        %add3A_456 = arith.addi %rem3A_140, %scan3A_430 : i32
        %get3A_457 = arith.index_cast %add3A_456 : i32 to index
        %get3A_458 = arith.constant 16 : index
        %get3A_459 = tpu.vector_load %arg7[%get3A_457, %get3A_458] {strides = array<i32>} : memref<400x64xf32, #tpu.memory_space<vmem>>, vector<1x16xf32>,
        %get3A_460 = vector.shape_cast %get3A_459 : vector<1x16xf32> to vector<16xf32>
        %add3A_461 = arith.addf %get3A_455, %get3A_460 : vector<16xf32>
        %swap3A_462 = arith.constant 0 : i32
        %swap3A_463 = arith.index_cast %swap3A_462 : i32 to index
        %swap3A_464 = arith.index_cast %scan3A_430 : i32 to index
        %swap3A_465 = arith.constant 16 : index
        %swap3A_466 = tpu.vector_load %arg9[%swap3A_463, %swap3A_464, %swap3A_465] {strides = array<i32>} : memref<4x128x64xf32, #tpu.memory_space<vmem>>, vector<1x1x16xf32>,
        %swap3A_467 = vector.shape_cast %swap3A_466 : vector<1x1x16xf32> to vector<16xf32>
        %swap3A_468 = vector.shape_cast %add3A_461 : vector<16xf32> to vector<1x1x16xf32>
        tpu.vector_store %arg9[%swap3A_463, %swap3A_464, %swap3A_465], %swap3A_468 {strides = array<i32>} : memref<4x128x64xf32, #tpu.memory_space<vmem>>, vector<1x1x16xf32>,
        %get3A_469 = arith.constant 0 : i32
        %get3A_470 = arith.index_cast %get3A_469 : i32 to index
        %get3A_471 = arith.index_cast %scan3A_430 : i32 to index
        %get3A_472 = arith.constant 32 : index
        %get3A_473 = tpu.vector_load %arg8[%get3A_470, %get3A_471, %get3A_472] {strides = array<i32>} : memref<4x128x64xf32, #tpu.memory_space<vmem>>, vector<1x1x16xf32>,
        %get3A_474 = vector.shape_cast %get3A_473 : vector<1x1x16xf32> to vector<16xf32>
        %add3A_475 = arith.addi %rem3A_140, %scan3A_430 : i32
        %get3A_476 = arith.index_cast %add3A_475 : i32 to index
        %get3A_477 = arith.constant 32 : index
        %get3A_478 = tpu.vector_load %arg7[%get3A_476, %get3A_477] {strides = array<i32>} : memref<400x64xf32, #tpu.memory_space<vmem>>, vector<1x16xf32>,
        %get3A_479 = vector.shape_cast %get3A_478 : vector<1x16xf32> to vector<16xf32>
        %add3A_480 = arith.addf %get3A_474, %get3A_479 : vector<16xf32>
        %swap3A_481 = arith.constant 0 : i32
        %swap3A_482 = arith.index_cast %swap3A_481 : i32 to index
        %swap3A_483 = arith.index_cast %scan3A_430 : i32 to index
        %swap3A_484 = arith.constant 32 : index
        %swap3A_485 = tpu.vector_load %arg9[%swap3A_482, %swap3A_483, %swap3A_484] {strides = array<i32>} : memref<4x128x64xf32, #tpu.memory_space<vmem>>, vector<1x1x16xf32>,
        %swap3A_486 = vector.shape_cast %swap3A_485 : vector<1x1x16xf32> to vector<16xf32>
        %swap3A_487 = vector.shape_cast %add3A_480 : vector<16xf32> to vector<1x1x16xf32>
        tpu.vector_store %arg9[%swap3A_482, %swap3A_483, %swap3A_484], %swap3A_487 {strides = array<i32>} : memref<4x128x64xf32, #tpu.memory_space<vmem>>, vector<1x1x16xf32>,
        %get3A_488 = arith.constant 0 : i32
        %get3A_489 = arith.index_cast %get3A_488 : i32 to index
        %get3A_490 = arith.index_cast %scan3A_430 : i32 to index
        %get3A_491 = arith.constant 48 : index
        %get3A_492 = tpu.vector_load %arg8[%get3A_489, %get3A_490, %get3A_491] {strides = array<i32>} : memref<4x128x64xf32, #tpu.memory_space<vmem>>, vector<1x1x16xf32>,
        %get3A_493 = vector.shape_cast %get3A_492 : vector<1x1x16xf32> to vector<16xf32>
        %add3A_494 = arith.addi %rem3A_140, %scan3A_430 : i32
        %get3A_495 = arith.index_cast %add3A_494 : i32 to index
        %get3A_496 = arith.constant 48 : index
        %get3A_497 = tpu.vector_load %arg7[%get3A_495, %get3A_496] {strides = array<i32>} : memref<400x64xf32, #tpu.memory_space<vmem>>, vector<1x16xf32>,
        %get3A_498 = vector.shape_cast %get3A_497 : vector<1x16xf32> to vector<16xf32>
        %add3A_499 = arith.addf %get3A_493, %get3A_498 : vector<16xf32>
        %swap3A_500 = arith.constant 0 : i32
        %swap3A_501 = arith.index_cast %swap3A_500 : i32 to index
        %swap3A_502 = arith.index_cast %scan3A_430 : i32 to index
        %swap3A_503 = arith.constant 48 : index
        %swap3A_504 = tpu.vector_load %arg9[%swap3A_501, %swap3A_502, %swap3A_503] {strides = array<i32>} : memref<4x128x64xf32, #tpu.memory_space<vmem>>, vector<1x1x16xf32>,
        %swap3A_505 = vector.shape_cast %swap3A_504 : vector<1x1x16xf32> to vector<16xf32>
        %swap3A_506 = vector.shape_cast %add3A_499 : vector<16xf32> to vector<1x1x16xf32>
        tpu.vector_store %arg9[%swap3A_501, %swap3A_502, %swap3A_503], %swap3A_506 {strides = array<i32>} : memref<4x128x64xf32, #tpu.memory_space<vmem>>, vector<1x1x16xf32>,
        %scan3A_507 = arith.constant 2 : i32
        %scan3A_508 = arith.addi %scan3A_354, %scan3A_507 : i32
        %get3A_509 = arith.constant 0 : i32
        %get3A_510 = arith.index_cast %get3A_509 : i32 to index
        %get3A_511 = arith.index_cast %scan3A_508 : i32 to index
        %get3A_512 = arith.constant 0 : index
        %get3A_513 = tpu.vector_load %arg8[%get3A_510, %get3A_511, %get3A_512] {strides = array<i32>} : memref<4x128x64xf32, #tpu.memory_space<vmem>>, vector<1x1x16xf32>,
        %get3A_514 = vector.shape_cast %get3A_513 : vector<1x1x16xf32> to vector<16xf32>
        %add3A_515 = arith.addi %rem3A_140, %scan3A_508 : i32
        %get3A_516 = arith.index_cast %add3A_515 : i32 to index
        %get3A_517 = arith.constant 0 : index
        %get3A_518 = tpu.vector_load %arg7[%get3A_516, %get3A_517] {strides = array<i32>} : memref<400x64xf32, #tpu.memory_space<vmem>>, vector<1x16xf32>,
        %get3A_519 = vector.shape_cast %get3A_518 : vector<1x16xf32> to vector<16xf32>
        %add3A_520 = arith.addf %get3A_514, %get3A_519 : vector<16xf32>
        %swap3A_521 = arith.constant 0 : i32
        %swap3A_522 = arith.index_cast %swap3A_521 : i32 to index
        %swap3A_523 = arith.index_cast %scan3A_508 : i32 to index
        %swap3A_524 = arith.constant 0 : index
        %swap3A_525 = tpu.vector_load %arg9[%swap3A_522, %swap3A_523, %swap3A_524] {strides = array<i32>} : memref<4x128x64xf32, #tpu.memory_space<vmem>>, vector<1x1x16xf32>,
        %swap3A_526 = vector.shape_cast %swap3A_525 : vector<1x1x16xf32> to vector<16xf32>
        %swap3A_527 = vector.shape_cast %add3A_520 : vector<16xf32> to vector<1x1x16xf32>
        tpu.vector_store %arg9[%swap3A_522, %swap3A_523, %swap3A_524], %swap3A_527 {strides = array<i32>} : memref<4x128x64xf32, #tpu.memory_space<vmem>>, vector<1x1x16xf32>,
        %get3A_528 = arith.constant 0 : i32
        %get3A_529 = arith.index_cast %get3A_528 : i32 to index
        %get3A_530 = arith.index_cast %scan3A_508 : i32 to index
        %get3A_531 = arith.constant 16 : index
        %get3A_532 = tpu.vector_load %arg8[%get3A_529, %get3A_530, %get3A_531] {strides = array<i32>} : memref<4x128x64xf32, #tpu.memory_space<vmem>>, vector<1x1x16xf32>,
        %get3A_533 = vector.shape_cast %get3A_532 : vector<1x1x16xf32> to vector<16xf32>
        %add3A_534 = arith.addi %rem3A_140, %scan3A_508 : i32
        %get3A_535 = arith.index_cast %add3A_534 : i32 to index
        %get3A_536 = arith.constant 16 : index
        %get3A_537 = tpu.vector_load %arg7[%get3A_535, %get3A_536] {strides = array<i32>} : memref<400x64xf32, #tpu.memory_space<vmem>>, vector<1x16xf32>,
        %get3A_538 = vector.shape_cast %get3A_537 : vector<1x16xf32> to vector<16xf32>
        %add3A_539 = arith.addf %get3A_533, %get3A_538 : vector<16xf32>
        %swap3A_540 = arith.constant 0 : i32
        %swap3A_541 = arith.index_cast %swap3A_540 : i32 to index
        %swap3A_542 = arith.index_cast %scan3A_508 : i32 to index
        %swap3A_543 = arith.constant 16 : index
        %swap3A_544 = tpu.vector_load %arg9[%swap3A_541, %swap3A_542, %swap3A_543] {strides = array<i32>} : memref<4x128x64xf32, #tpu.memory_space<vmem>>, vector<1x1x16xf32>,
        %swap3A_545 = vector.shape_cast %swap3A_544 : vector<1x1x16xf32> to vector<16xf32>
        %swap3A_546 = vector.shape_cast %add3A_539 : vector<16xf32> to vector<1x1x16xf32>
        tpu.vector_store %arg9[%swap3A_541, %swap3A_542, %swap3A_543], %swap3A_546 {strides = array<i32>} : memref<4x128x64xf32, #tpu.memory_space<vmem>>, vector<1x1x16xf32>,
        %get3A_547 = arith.constant 0 : i32
        %get3A_548 = arith.index_cast %get3A_547 : i32 to index
        %get3A_549 = arith.index_cast %scan3A_508 : i32 to index
        %get3A_550 = arith.constant 32 : index
        %get3A_551 = tpu.vector_load %arg8[%get3A_548, %get3A_549, %get3A_550] {strides = array<i32>} : memref<4x128x64xf32, #tpu.memory_space<vmem>>, vector<1x1x16xf32>,
        %get3A_552 = vector.shape_cast %get3A_551 : vector<1x1x16xf32> to vector<16xf32>
        %add3A_553 = arith.addi %rem3A_140, %scan3A_508 : i32
        %get3A_554 = arith.index_cast %add3A_553 : i32 to index
        %get3A_555 = arith.constant 32 : index
        %get3A_556 = tpu.vector_load %arg7[%get3A_554, %get3A_555] {strides = array<i32>} : memref<400x64xf32, #tpu.memory_space<vmem>>, vector<1x16xf32>,
        %get3A_557 = vector.shape_cast %get3A_556 : vector<1x16xf32> to vector<16xf32>
        %add3A_558 = arith.addf %get3A_552, %get3A_557 : vector<16xf32>
        %swap3A_559 = arith.constant 0 : i32
        %swap3A_560 = arith.index_cast %swap3A_559 : i32 to index
        %swap3A_561 = arith.index_cast %scan3A_508 : i32 to index
        %swap3A_562 = arith.constant 32 : index
        %swap3A_563 = tpu.vector_load %arg9[%swap3A_560, %swap3A_561, %swap3A_562] {strides = array<i32>} : memref<4x128x64xf32, #tpu.memory_space<vmem>>, vector<1x1x16xf32>,
        %swap3A_564 = vector.shape_cast %swap3A_563 : vector<1x1x16xf32> to vector<16xf32>
        %swap3A_565 = vector.shape_cast %add3A_558 : vector<16xf32> to vector<1x1x16xf32>
        tpu.vector_store %arg9[%swap3A_560, %swap3A_561, %swap3A_562], %swap3A_565 {strides = array<i32>} : memref<4x128x64xf32, #tpu.memory_space<vmem>>, vector<1x1x16xf32>,
        %get3A_566 = arith.constant 0 : i32
        %get3A_567 = arith.index_cast %get3A_566 : i32 to index
        %get3A_568 = arith.index_cast %scan3A_508 : i32 to index
        %get3A_569 = arith.constant 48 : index
        %get3A_570 = tpu.vector_load %arg8[%get3A_567, %get3A_568, %get3A_569] {strides = array<i32>} : memref<4x128x64xf32, #tpu.memory_space<vmem>>, vector<1x1x16xf32>,
        %get3A_571 = vector.shape_cast %get3A_570 : vector<1x1x16xf32> to vector<16xf32>
        %add3A_572 = arith.addi %rem3A_140, %scan3A_508 : i32
        %get3A_573 = arith.index_cast %add3A_572 : i32 to index
        %get3A_574 = arith.constant 48 : index
        %get3A_575 = tpu.vector_load %arg7[%get3A_573, %get3A_574] {strides = array<i32>} : memref<400x64xf32, #tpu.memory_space<vmem>>, vector<1x16xf32>,
        %get3A_576 = vector.shape_cast %get3A_575 : vector<1x16xf32> to vector<16xf32>
        %add3A_577 = arith.addf %get3A_571, %get3A_576 : vector<16xf32>
        %swap3A_578 = arith.constant 0 : i32
        %swap3A_579 = arith.index_cast %swap3A_578 : i32 to index
        %swap3A_580 = arith.index_cast %scan3A_508 : i32 to index
        %swap3A_581 = arith.constant 48 : index
        %swap3A_582 = tpu.vector_load %arg9[%swap3A_579, %swap3A_580, %swap3A_581] {strides = array<i32>} : memref<4x128x64xf32, #tpu.memory_space<vmem>>, vector<1x1x16xf32>,
        %swap3A_583 = vector.shape_cast %swap3A_582 : vector<1x1x16xf32> to vector<16xf32>
        %swap3A_584 = vector.shape_cast %add3A_577 : vector<16xf32> to vector<1x1x16xf32>
        tpu.vector_store %arg9[%swap3A_579, %swap3A_580, %swap3A_581], %swap3A_584 {strides = array<i32>} : memref<4x128x64xf32, #tpu.memory_space<vmem>>, vector<1x1x16xf32>,
        %scan3A_585 = arith.constant 3 : i32
        %scan3A_586 = arith.addi %scan3A_354, %scan3A_585 : i32
        %get3A_587 = arith.constant 0 : i32
        %get3A_588 = arith.index_cast %get3A_587 : i32 to index
        %get3A_589 = arith.index_cast %scan3A_586 : i32 to index
        %get3A_590 = arith.constant 0 : index
        %get3A_591 = tpu.vector_load %arg8[%get3A_588, %get3A_589, %get3A_590] {strides = array<i32>} : memref<4x128x64xf32, #tpu.memory_space<vmem>>, vector<1x1x16xf32>,
        %get3A_592 = vector.shape_cast %get3A_591 : vector<1x1x16xf32> to vector<16xf32>
        %add3A_593 = arith.addi %rem3A_140, %scan3A_586 : i32
        %get3A_594 = arith.index_cast %add3A_593 : i32 to index
        %get3A_595 = arith.constant 0 : index
        %get3A_596 = tpu.vector_load %arg7[%get3A_594, %get3A_595] {strides = array<i32>} : memref<400x64xf32, #tpu.memory_space<vmem>>, vector<1x16xf32>,
        %get3A_597 = vector.shape_cast %get3A_596 : vector<1x16xf32> to vector<16xf32>
        %add3A_598 = arith.addf %get3A_592, %get3A_597 : vector<16xf32>
        %swap3A_599 = arith.constant 0 : i32
        %swap3A_600 = arith.index_cast %swap3A_599 : i32 to index
        %swap3A_601 = arith.index_cast %scan3A_586 : i32 to index
        %swap3A_602 = arith.constant 0 : index
        %swap3A_603 = tpu.vector_load %arg9[%swap3A_600, %swap3A_601, %swap3A_602] {strides = array<i32>} : memref<4x128x64xf32, #tpu.memory_space<vmem>>, vector<1x1x16xf32>,
        %swap3A_604 = vector.shape_cast %swap3A_603 : vector<1x1x16xf32> to vector<16xf32>
        %swap3A_605 = vector.shape_cast %add3A_598 : vector<16xf32> to vector<1x1x16xf32>
        tpu.vector_store %arg9[%swap3A_600, %swap3A_601, %swap3A_602], %swap3A_605 {strides = array<i32>} : memref<4x128x64xf32, #tpu.memory_space<vmem>>, vector<1x1x16xf32>,
        %get3A_606 = arith.constant 0 : i32
        %get3A_607 = arith.index_cast %get3A_606 : i32 to index
        %get3A_608 = arith.index_cast %scan3A_586 : i32 to index
        %get3A_609 = arith.constant 16 : index
        %get3A_610 = tpu.vector_load %arg8[%get3A_607, %get3A_608, %get3A_609] {strides = array<i32>} : memref<4x128x64xf32, #tpu.memory_space<vmem>>, vector<1x1x16xf32>,
        %get3A_611 = vector.shape_cast %get3A_610 : vector<1x1x16xf32> to vector<16xf32>
        %add3A_612 = arith.addi %rem3A_140, %scan3A_586 : i32
        %get3A_613 = arith.index_cast %add3A_612 : i32 to index
        %get3A_614 = arith.constant 16 : index
        %get3A_615 = tpu.vector_load %arg7[%get3A_613, %get3A_614] {strides = array<i32>} : memref<400x64xf32, #tpu.memory_space<vmem>>, vector<1x16xf32>,
        %get3A_616 = vector.shape_cast %get3A_615 : vector<1x16xf32> to vector<16xf32>
        %add3A_617 = arith.addf %get3A_611, %get3A_616 : vector<16xf32>
        %swap3A_618 = arith.constant 0 : i32
        %swap3A_619 = arith.index_cast %swap3A_618 : i32 to index
        %swap3A_620 = arith.index_cast %scan3A_586 : i32 to index
        %swap3A_621 = arith.constant 16 : index
        %swap3A_622 = tpu.vector_load %arg9[%swap3A_619, %swap3A_620, %swap3A_621] {strides = array<i32>} : memref<4x128x64xf32, #tpu.memory_space<vmem>>, vector<1x1x16xf32>,
        %swap3A_623 = vector.shape_cast %swap3A_622 : vector<1x1x16xf32> to vector<16xf32>
        %swap3A_624 = vector.shape_cast %add3A_617 : vector<16xf32> to vector<1x1x16xf32>
        tpu.vector_store %arg9[%swap3A_619, %swap3A_620, %swap3A_621], %swap3A_624 {strides = array<i32>} : memref<4x128x64xf32, #tpu.memory_space<vmem>>, vector<1x1x16xf32>,
        %get3A_625 = arith.constant 0 : i32
        %get3A_626 = arith.index_cast %get3A_625 : i32 to index
        %get3A_627 = arith.index_cast %scan3A_586 : i32 to index
        %get3A_628 = arith.constant 32 : index
        %get3A_629 = tpu.vector_load %arg8[%get3A_626, %get3A_627, %get3A_628] {strides = array<i32>} : memref<4x128x64xf32, #tpu.memory_space<vmem>>, vector<1x1x16xf32>,
        %get3A_630 = vector.shape_cast %get3A_629 : vector<1x1x16xf32> to vector<16xf32>
        %add3A_631 = arith.addi %rem3A_140, %scan3A_586 : i32
        %get3A_632 = arith.index_cast %add3A_631 : i32 to index
        %get3A_633 = arith.constant 32 : index
        %get3A_634 = tpu.vector_load %arg7[%get3A_632, %get3A_633] {strides = array<i32>} : memref<400x64xf32, #tpu.memory_space<vmem>>, vector<1x16xf32>,
        %get3A_635 = vector.shape_cast %get3A_634 : vector<1x16xf32> to vector<16xf32>
        %add3A_636 = arith.addf %get3A_630, %get3A_635 : vector<16xf32>
        %swap3A_637 = arith.constant 0 : i32
        %swap3A_638 = arith.index_cast %swap3A_637 : i32 to index
        %swap3A_639 = arith.index_cast %scan3A_586 : i32 to index
        %swap3A_640 = arith.constant 32 : index
        %swap3A_641 = tpu.vector_load %arg9[%swap3A_638, %swap3A_639, %swap3A_640] {strides = array<i32>} : memref<4x128x64xf32, #tpu.memory_space<vmem>>, vector<1x1x16xf32>,
        %swap3A_642 = vector.shape_cast %swap3A_641 : vector<1x1x16xf32> to vector<16xf32>
        %swap3A_643 = vector.shape_cast %add3A_636 : vector<16xf32> to vector<1x1x16xf32>
        tpu.vector_store %arg9[%swap3A_638, %swap3A_639, %swap3A_640], %swap3A_643 {strides = array<i32>} : memref<4x128x64xf32, #tpu.memory_space<vmem>>, vector<1x1x16xf32>,
        %get3A_644 = arith.constant 0 : i32
        %get3A_645 = arith.index_cast %get3A_644 : i32 to index
        %get3A_646 = arith.index_cast %scan3A_586 : i32 to index
        %get3A_647 = arith.constant 48 : index
        %get3A_648 = tpu.vector_load %arg8[%get3A_645, %get3A_646, %get3A_647] {strides = array<i32>} : memref<4x128x64xf32, #tpu.memory_space<vmem>>, vector<1x1x16xf32>,
        %get3A_649 = vector.shape_cast %get3A_648 : vector<1x1x16xf32> to vector<16xf32>
        %add3A_650 = arith.addi %rem3A_140, %scan3A_586 : i32
        %get3A_651 = arith.index_cast %add3A_650 : i32 to index
        %get3A_652 = arith.constant 48 : index
        %get3A_653 = tpu.vector_load %arg7[%get3A_651, %get3A_652] {strides = array<i32>} : memref<400x64xf32, #tpu.memory_space<vmem>>, vector<1x16xf32>,
        %get3A_654 = vector.shape_cast %get3A_653 : vector<1x16xf32> to vector<16xf32>
        %add3A_655 = arith.addf %get3A_649, %get3A_654 : vector<16xf32>
        %swap3A_656 = arith.constant 0 : i32
        %swap3A_657 = arith.index_cast %swap3A_656 : i32 to index
        %swap3A_658 = arith.index_cast %scan3A_586 : i32 to index
        %swap3A_659 = arith.constant 48 : index
        %swap3A_660 = tpu.vector_load %arg9[%swap3A_657, %swap3A_658, %swap3A_659] {strides = array<i32>} : memref<4x128x64xf32, #tpu.memory_space<vmem>>, vector<1x1x16xf32>,
        %swap3A_661 = vector.shape_cast %swap3A_660 : vector<1x1x16xf32> to vector<16xf32>
        %swap3A_662 = vector.shape_cast %add3A_655 : vector<16xf32> to vector<1x1x16xf32>
        tpu.vector_store %arg9[%swap3A_657, %swap3A_658, %swap3A_659], %swap3A_662 {strides = array<i32>} : memref<4x128x64xf32, #tpu.memory_space<vmem>>, vector<1x1x16xf32>,
      }
      %scan3A_162 = arith.constant 128 : i32
      %dma_start3A_163 = arith.constant 0 : i32
      %dma_start3A_164 = arith.constant 0 : i32
      %dma_start3A_165 = arith.constant 0 : i32
      %dma_start3A_166 = arith.constant 0 : i32
      %dma_start3A_167 = tpu.memref_slice %arg9[%dma_start3A_163, %dma_start3A_165, %dma_start3A_166] : memref<4x128x64xf32, #tpu.memory_space<vmem>> -> memref<1x128x64xf32, #tpu.memory_space<vmem>>
      %dma_start3A_168 = tpu.memref_squeeze %dma_start3A_167 : memref<1x128x64xf32, #tpu.memory_space<vmem>> -> memref<128x64xf32, #tpu.memory_space<vmem>>
      %dma_start3A_169 = arith.constant 0 : i32
      %dma_start3A_170 = tpu.memref_slice %arg5[%add3A_137, %dma_start3A_169] : memref<819200x64xf32, #tpu.memory_space<hbm>> -> memref<128x64xf32, #tpu.memory_space<hbm>>
      %dma_start3A_171 = tpu.memref_slice %arg11[%dma_start3A_164] : memref<4x!tpu.dma_semaphore, #tpu.memory_space<semaphore_mem>> -> memref<1x!tpu.dma_semaphore, #tpu.memory_space<semaphore_mem>>
      %dma_start3A_172 = tpu.memref_squeeze %dma_start3A_171 : memref<1x!tpu.dma_semaphore, #tpu.memory_space<semaphore_mem>> -> memref<!tpu.dma_semaphore, #tpu.memory_space<semaphore_mem>>
      %dma_start3A_173 = arith.constant 0 : i32
      %dma_start3A_174 = tpu.memref_slice %arg5[%add3A_137, %dma_start3A_173] : memref<819200x64xf32, #tpu.memory_space<hbm>> -> memref<128x64xf32, #tpu.memory_space<hbm>>
      %dma_start3A_175 = arith.constant 0 : i32
      %dma_start3A_176 = arith.constant 0 : i32
      %dma_start3A_177 = tpu.memref_slice %arg9[%dma_start3A_163, %dma_start3A_175, %dma_start3A_176] : memref<4x128x64xf32, #tpu.memory_space<vmem>> -> memref<1x128x64xf32, #tpu.memory_space<vmem>>
      %dma_start3A_178 = tpu.memref_squeeze %dma_start3A_177 : memref<1x128x64xf32, #tpu.memory_space<vmem>> -> memref<128x64xf32, #tpu.memory_space<vmem>>
      tpu.enqueue_dma source(%dma_start3A_178 : memref<128x64xf32, #tpu.memory_space<vmem>>) target(%dma_start3A_174 : memref<128x64xf32, #tpu.memory_space<hbm>>) target_semaphore(%dma_start3A_172 : memref<!tpu.dma_semaphore, #tpu.memory_space<semaphore_mem>>)
      %lt3A = arith.constant 49 : i32
      %lt3A_179 = arith.cmpi slt, %scan3A_130, %lt3A : i32
      %convert_element_type3A_180 = arith.extui %lt3A_179 : i1 to i32
      %cond3A_181 = arith.constant 0 : i32
      %cond3A_182 = arith.cmpi ne, %convert_element_type3A_180, %cond3A_181 : i32
      scf.if %cond3A_182 {
        %add3A_354 = arith.constant 4 : i32
        %add3A_355 = arith.addi %add3A_134, %add3A_354 : i32
        %mul3A_356 = arith.constant 128 : i32
        %mul3A_357 = arith.muli %add3A_355, %mul3A_356 : i32
        %dma_start3A_358 = arith.constant 0 : i32
        %dma_start3A_359 = arith.constant 0 : i32
        %dma_start3A_360 = arith.constant 0 : i32
        %dma_start3A_361 = arith.constant 0 : i32
        %dma_start3A_362 = tpu.memref_slice %arg8[%dma_start3A_358, %dma_start3A_360, %dma_start3A_361] : memref<4x128x64xf32, #tpu.memory_space<vmem>> -> memref<1x128x64xf32, #tpu.memory_space<vmem>>
        %dma_start3A_363 = tpu.memref_squeeze %dma_start3A_362 : memref<1x128x64xf32, #tpu.memory_space<vmem>> -> memref<128x64xf32, #tpu.memory_space<vmem>>
        %dma_start3A_364 = tpu.memref_slice %arg6[%mul3A_357] : memref<25600xi32, #tpu.memory_space<vmem>> -> memref<128xi32, #tpu.memory_space<vmem>>
        %dma_start3A_365 = arith.constant 0 : i32
        %dma_start3A_366 = arith.constant 0 : i32
        %dma_start3A_367 = tpu.memref_slice %arg4[%dma_start3A_365, %dma_start3A_366] : memref<100000x64xf32, #tpu.memory_space<hbm>> -> memref<100000x64xf32, #tpu.memory_space<hbm>>
        %dma_start3A_368 = tpu.memref_slice %arg10[%dma_start3A_359] : memref<4x!tpu.dma_semaphore, #tpu.memory_space<semaphore_mem>> -> memref<1x!tpu.dma_semaphore, #tpu.memory_space<semaphore_mem>>
        %dma_start3A_369 = tpu.memref_squeeze %dma_start3A_368 : memref<1x!tpu.dma_semaphore, #tpu.memory_space<semaphore_mem>> -> memref<!tpu.dma_semaphore, #tpu.memory_space<semaphore_mem>>
        tpu.enqueue_indirect_dma source(%dma_start3A_367 : memref<100000x64xf32, #tpu.memory_space<hbm>>) target(%dma_start3A_363 : memref<128x64xf32, #tpu.memory_space<vmem>>) offsets(%dma_start3A_364 : memref<128xi32, #tpu.memory_space<vmem>>) semaphore(%dma_start3A_369 : memref<!tpu.dma_semaphore, #tpu.memory_space<semaphore_mem>>)
      } else {
      }
      %mul3A_183 = arith.constant 4 : i32
      %mul3A_184 = arith.muli %scan3A_130, %mul3A_183 : i32
      %add3A_185 = arith.constant 1 : i32
      %add3A_186 = arith.addi %mul3A_184, %add3A_185 : i32
      %mul3A_187 = arith.constant 128 : i32
      %mul3A_188 = arith.muli %add3A_186, %mul3A_187 : i32
      %add3A_189 = arith.addi %mul3A_2, %mul3A_188 : i32
      %mul3A_190 = arith.constant 128 : i32
      %mul3A_191 = arith.muli %add3A_186, %mul3A_190 : i32
      %rem3A_192 = arith.constant 200 : i32
      %rem3A_193 = arith.remsi %mul3A_191, %rem3A_192 : i32
      %mul3A_194 = arith.constant 128 : i32
      %mul3A_195 = arith.muli %add3A_186, %mul3A_194 : i32
      %dma_wait3A_196 = arith.constant 1 : i32
      %dma_wait3A_197 = arith.constant 1 : i32
      %dma_wait3A_198 = arith.constant 0 : i32
      %dma_wait3A_199 = arith.constant 0 : i32
      %dma_wait3A_200 = tpu.memref_slice %arg8[%dma_wait3A_196, %dma_wait3A_198, %dma_wait3A_199] : memref<4x128x64xf32, #tpu.memory_space<vmem>> -> memref<1x128x64xf32, #tpu.memory_space<vmem>>
      %dma_wait3A_201 = tpu.memref_squeeze %dma_wait3A_200 : memref<1x128x64xf32, #tpu.memory_space<vmem>> -> memref<128x64xf32, #tpu.memory_space<vmem>>
      %dma_wait3A_202 = tpu.memref_slice %arg6[%mul3A_195] : memref<25600xi32, #tpu.memory_space<vmem>> -> memref<128xi32, #tpu.memory_space<vmem>>
      %dma_wait3A_203 = arith.constant 0 : i32
      %dma_wait3A_204 = arith.constant 0 : i32
      %dma_wait3A_205 = tpu.memref_slice %arg4[%dma_wait3A_203, %dma_wait3A_204] : memref<100000x64xf32, #tpu.memory_space<hbm>> -> memref<100000x64xf32, #tpu.memory_space<hbm>>
      %dma_wait3A_206 = tpu.memref_slice %arg10[%dma_wait3A_197] : memref<4x!tpu.dma_semaphore, #tpu.memory_space<semaphore_mem>> -> memref<1x!tpu.dma_semaphore, #tpu.memory_space<semaphore_mem>>
      %dma_wait3A_207 = tpu.memref_squeeze %dma_wait3A_206 : memref<1x!tpu.dma_semaphore, #tpu.memory_space<semaphore_mem>> -> memref<!tpu.dma_semaphore, #tpu.memory_space<semaphore_mem>>
      tpu.wait_indirect_dma semaphore(%dma_wait3A_207 : memref<!tpu.dma_semaphore, #tpu.memory_space<semaphore_mem>>) src(%dma_wait3A_205 : memref<100000x64xf32, #tpu.memory_space<hbm>>) dst(%dma_wait3A_201 : memref<128x64xf32, #tpu.memory_space<vmem>>)
      %gt3A_208 = arith.constant 0 : i32
      %gt3A_209 = arith.cmpi sgt, %scan3A_130, %gt3A_208 : i32
      %convert_element_type3A_210 = arith.extui %gt3A_209 : i1 to i32
      %cond3A_211 = arith.constant 0 : i32
      %cond3A_212 = arith.cmpi ne, %convert_element_type3A_210, %cond3A_211 : i32
      scf.if %cond3A_212 {
        %dma_wait3A_354 = arith.constant 1 : i32
        %dma_wait3A_355 = arith.constant 1 : i32
        %dma_wait3A_356 = arith.constant 0 : i32
        %dma_wait3A_357 = arith.constant 0 : i32
        %dma_wait3A_358 = tpu.memref_slice %arg9[%dma_wait3A_354, %dma_wait3A_356, %dma_wait3A_357] : memref<4x128x64xf32, #tpu.memory_space<vmem>> -> memref<1x128x64xf32, #tpu.memory_space<vmem>>
        %dma_wait3A_359 = tpu.memref_squeeze %dma_wait3A_358 : memref<1x128x64xf32, #tpu.memory_space<vmem>> -> memref<128x64xf32, #tpu.memory_space<vmem>>
        %dma_wait3A_360 = arith.constant 0 : i32
        %dma_wait3A_361 = tpu.memref_slice %arg5[%add3A_189, %dma_wait3A_360] : memref<819200x64xf32, #tpu.memory_space<hbm>> -> memref<128x64xf32, #tpu.memory_space<hbm>>
        %dma_wait3A_362 = tpu.memref_slice %arg11[%dma_wait3A_355] : memref<4x!tpu.dma_semaphore, #tpu.memory_space<semaphore_mem>> -> memref<1x!tpu.dma_semaphore, #tpu.memory_space<semaphore_mem>>
        %dma_wait3A_363 = tpu.memref_squeeze %dma_wait3A_362 : memref<1x!tpu.dma_semaphore, #tpu.memory_space<semaphore_mem>> -> memref<!tpu.dma_semaphore, #tpu.memory_space<semaphore_mem>>
        %dma_wait3A_364 = arith.constant 0 : i32
        %dma_wait3A_365 = tpu.memref_slice %arg5[%add3A_189, %dma_wait3A_364] : memref<819200x64xf32, #tpu.memory_space<hbm>> -> memref<128x64xf32, #tpu.memory_space<hbm>>
        %dma_wait3A_366 = arith.constant 0 : i32
        %dma_wait3A_367 = arith.constant 0 : i32
        %dma_wait3A_368 = tpu.memref_slice %arg9[%dma_wait3A_354, %dma_wait3A_366, %dma_wait3A_367] : memref<4x128x64xf32, #tpu.memory_space<vmem>> -> memref<1x128x64xf32, #tpu.memory_space<vmem>>
        %dma_wait3A_369 = tpu.memref_squeeze %dma_wait3A_368 : memref<1x128x64xf32, #tpu.memory_space<vmem>> -> memref<128x64xf32, #tpu.memory_space<vmem>>
        tpu.wait_dma2 semaphore(%dma_wait3A_363 : memref<!tpu.dma_semaphore, #tpu.memory_space<semaphore_mem>>) src(%dma_wait3A_369 : memref<128x64xf32, #tpu.memory_space<vmem>>) dst(%dma_wait3A_365 : memref<128x64xf32, #tpu.memory_space<hbm>>)
      } else {
      }
      %scan3A_213 = arith.constant 0 : i32
      %scan3A_214 = arith.constant 0 : i32
      %scan3A_215 = arith.constant 128 : i32
      %scan3A_216 = arith.addi %scan3A_214, %scan3A_215 : i32
      %scan3A_217 = arith.constant 4 : i32
      scf.for %scan3A_354 = %scan3A_214 to %scan3A_216 step %scan3A_217  : i32 {
        %get3A = arith.constant 1 : i32
        %get3A_355 = arith.index_cast %get3A : i32 to index
        %get3A_356 = arith.index_cast %scan3A_354 : i32 to index
        %get3A_357 = arith.constant 0 : index
        %get3A_358 = tpu.vector_load %arg8[%get3A_355, %get3A_356, %get3A_357] {strides = array<i32>} : memref<4x128x64xf32, #tpu.memory_space<vmem>>, vector<1x1x16xf32>,
        %get3A_359 = vector.shape_cast %get3A_358 : vector<1x1x16xf32> to vector<16xf32>
        %add3A_360 = arith.addi %rem3A_193, %scan3A_354 : i32
        %get3A_361 = arith.index_cast %add3A_360 : i32 to index
        %get3A_362 = arith.constant 0 : index
        %get3A_363 = tpu.vector_load %arg7[%get3A_361, %get3A_362] {strides = array<i32>} : memref<400x64xf32, #tpu.memory_space<vmem>>, vector<1x16xf32>,
        %get3A_364 = vector.shape_cast %get3A_363 : vector<1x16xf32> to vector<16xf32>
        %add3A_365 = arith.addf %get3A_359, %get3A_364 : vector<16xf32>
        %swap3A = arith.constant 1 : i32
        %swap3A_366 = arith.index_cast %swap3A : i32 to index
        %swap3A_367 = arith.index_cast %scan3A_354 : i32 to index
        %swap3A_368 = arith.constant 0 : index
        %swap3A_369 = tpu.vector_load %arg9[%swap3A_366, %swap3A_367, %swap3A_368] {strides = array<i32>} : memref<4x128x64xf32, #tpu.memory_space<vmem>>, vector<1x1x16xf32>,
        %swap3A_370 = vector.shape_cast %swap3A_369 : vector<1x1x16xf32> to vector<16xf32>
        %swap3A_371 = vector.shape_cast %add3A_365 : vector<16xf32> to vector<1x1x16xf32>
        tpu.vector_store %arg9[%swap3A_366, %swap3A_367, %swap3A_368], %swap3A_371 {strides = array<i32>} : memref<4x128x64xf32, #tpu.memory_space<vmem>>, vector<1x1x16xf32>,
        %get3A_372 = arith.constant 1 : i32
        %get3A_373 = arith.index_cast %get3A_372 : i32 to index
        %get3A_374 = arith.index_cast %scan3A_354 : i32 to index
        %get3A_375 = arith.constant 16 : index
        %get3A_376 = tpu.vector_load %arg8[%get3A_373, %get3A_374, %get3A_375] {strides = array<i32>} : memref<4x128x64xf32, #tpu.memory_space<vmem>>, vector<1x1x16xf32>,
        %get3A_377 = vector.shape_cast %get3A_376 : vector<1x1x16xf32> to vector<16xf32>
        %add3A_378 = arith.addi %rem3A_193, %scan3A_354 : i32
        %get3A_379 = arith.index_cast %add3A_378 : i32 to index
        %get3A_380 = arith.constant 16 : index
        %get3A_381 = tpu.vector_load %arg7[%get3A_379, %get3A_380] {strides = array<i32>} : memref<400x64xf32, #tpu.memory_space<vmem>>, vector<1x16xf32>,
        %get3A_382 = vector.shape_cast %get3A_381 : vector<1x16xf32> to vector<16xf32>
        %add3A_383 = arith.addf %get3A_377, %get3A_382 : vector<16xf32>
        %swap3A_384 = arith.constant 1 : i32
        %swap3A_385 = arith.index_cast %swap3A_384 : i32 to index
        %swap3A_386 = arith.index_cast %scan3A_354 : i32 to index
        %swap3A_387 = arith.constant 16 : index
        %swap3A_388 = tpu.vector_load %arg9[%swap3A_385, %swap3A_386, %swap3A_387] {strides = array<i32>} : memref<4x128x64xf32, #tpu.memory_space<vmem>>, vector<1x1x16xf32>,
        %swap3A_389 = vector.shape_cast %swap3A_388 : vector<1x1x16xf32> to vector<16xf32>
        %swap3A_390 = vector.shape_cast %add3A_383 : vector<16xf32> to vector<1x1x16xf32>
        tpu.vector_store %arg9[%swap3A_385, %swap3A_386, %swap3A_387], %swap3A_390 {strides = array<i32>} : memref<4x128x64xf32, #tpu.memory_space<vmem>>, vector<1x1x16xf32>,
        %get3A_391 = arith.constant 1 : i32
        %get3A_392 = arith.index_cast %get3A_391 : i32 to index
        %get3A_393 = arith.index_cast %scan3A_354 : i32 to index
        %get3A_394 = arith.constant 32 : index
        %get3A_395 = tpu.vector_load %arg8[%get3A_392, %get3A_393, %get3A_394] {strides = array<i32>} : memref<4x128x64xf32, #tpu.memory_space<vmem>>, vector<1x1x16xf32>,
        %get3A_396 = vector.shape_cast %get3A_395 : vector<1x1x16xf32> to vector<16xf32>
        %add3A_397 = arith.addi %rem3A_193, %scan3A_354 : i32
        %get3A_398 = arith.index_cast %add3A_397 : i32 to index
        %get3A_399 = arith.constant 32 : index
        %get3A_400 = tpu.vector_load %arg7[%get3A_398, %get3A_399] {strides = array<i32>} : memref<400x64xf32, #tpu.memory_space<vmem>>, vector<1x16xf32>,
        %get3A_401 = vector.shape_cast %get3A_400 : vector<1x16xf32> to vector<16xf32>
        %add3A_402 = arith.addf %get3A_396, %get3A_401 : vector<16xf32>
        %swap3A_403 = arith.constant 1 : i32
        %swap3A_404 = arith.index_cast %swap3A_403 : i32 to index
        %swap3A_405 = arith.index_cast %scan3A_354 : i32 to index
        %swap3A_406 = arith.constant 32 : index
        %swap3A_407 = tpu.vector_load %arg9[%swap3A_404, %swap3A_405, %swap3A_406] {strides = array<i32>} : memref<4x128x64xf32, #tpu.memory_space<vmem>>, vector<1x1x16xf32>,
        %swap3A_408 = vector.shape_cast %swap3A_407 : vector<1x1x16xf32> to vector<16xf32>
        %swap3A_409 = vector.shape_cast %add3A_402 : vector<16xf32> to vector<1x1x16xf32>
        tpu.vector_store %arg9[%swap3A_404, %swap3A_405, %swap3A_406], %swap3A_409 {strides = array<i32>} : memref<4x128x64xf32, #tpu.memory_space<vmem>>, vector<1x1x16xf32>,
        %get3A_410 = arith.constant 1 : i32
        %get3A_411 = arith.index_cast %get3A_410 : i32 to index
        %get3A_412 = arith.index_cast %scan3A_354 : i32 to index
        %get3A_413 = arith.constant 48 : index
        %get3A_414 = tpu.vector_load %arg8[%get3A_411, %get3A_412, %get3A_413] {strides = array<i32>} : memref<4x128x64xf32, #tpu.memory_space<vmem>>, vector<1x1x16xf32>,
        %get3A_415 = vector.shape_cast %get3A_414 : vector<1x1x16xf32> to vector<16xf32>
        %add3A_416 = arith.addi %rem3A_193, %scan3A_354 : i32
        %get3A_417 = arith.index_cast %add3A_416 : i32 to index
        %get3A_418 = arith.constant 48 : index
        %get3A_419 = tpu.vector_load %arg7[%get3A_417, %get3A_418] {strides = array<i32>} : memref<400x64xf32, #tpu.memory_space<vmem>>, vector<1x16xf32>,
        %get3A_420 = vector.shape_cast %get3A_419 : vector<1x16xf32> to vector<16xf32>
        %add3A_421 = arith.addf %get3A_415, %get3A_420 : vector<16xf32>
        %swap3A_422 = arith.constant 1 : i32
        %swap3A_423 = arith.index_cast %swap3A_422 : i32 to index
        %swap3A_424 = arith.index_cast %scan3A_354 : i32 to index
        %swap3A_425 = arith.constant 48 : index
        %swap3A_426 = tpu.vector_load %arg9[%swap3A_423, %swap3A_424, %swap3A_425] {strides = array<i32>} : memref<4x128x64xf32, #tpu.memory_space<vmem>>, vector<1x1x16xf32>,
        %swap3A_427 = vector.shape_cast %swap3A_426 : vector<1x1x16xf32> to vector<16xf32>
        %swap3A_428 = vector.shape_cast %add3A_421 : vector<16xf32> to vector<1x1x16xf32>
        tpu.vector_store %arg9[%swap3A_423, %swap3A_424, %swap3A_425], %swap3A_428 {strides = array<i32>} : memref<4x128x64xf32, #tpu.memory_space<vmem>>, vector<1x1x16xf32>,
        %scan3A_429 = arith.constant 1 : i32
        %scan3A_430 = arith.addi %scan3A_354, %scan3A_429 : i32
        %get3A_431 = arith.constant 1 : i32
        %get3A_432 = arith.index_cast %get3A_431 : i32 to index
        %get3A_433 = arith.index_cast %scan3A_430 : i32 to index
        %get3A_434 = arith.constant 0 : index
        %get3A_435 = tpu.vector_load %arg8[%get3A_432, %get3A_433, %get3A_434] {strides = array<i32>} : memref<4x128x64xf32, #tpu.memory_space<vmem>>, vector<1x1x16xf32>,
        %get3A_436 = vector.shape_cast %get3A_435 : vector<1x1x16xf32> to vector<16xf32>
        %add3A_437 = arith.addi %rem3A_193, %scan3A_430 : i32
        %get3A_438 = arith.index_cast %add3A_437 : i32 to index
        %get3A_439 = arith.constant 0 : index
        %get3A_440 = tpu.vector_load %arg7[%get3A_438, %get3A_439] {strides = array<i32>} : memref<400x64xf32, #tpu.memory_space<vmem>>, vector<1x16xf32>,
        %get3A_441 = vector.shape_cast %get3A_440 : vector<1x16xf32> to vector<16xf32>
        %add3A_442 = arith.addf %get3A_436, %get3A_441 : vector<16xf32>
        %swap3A_443 = arith.constant 1 : i32
        %swap3A_444 = arith.index_cast %swap3A_443 : i32 to index
        %swap3A_445 = arith.index_cast %scan3A_430 : i32 to index
        %swap3A_446 = arith.constant 0 : index
        %swap3A_447 = tpu.vector_load %arg9[%swap3A_444, %swap3A_445, %swap3A_446] {strides = array<i32>} : memref<4x128x64xf32, #tpu.memory_space<vmem>>, vector<1x1x16xf32>,
        %swap3A_448 = vector.shape_cast %swap3A_447 : vector<1x1x16xf32> to vector<16xf32>
        %swap3A_449 = vector.shape_cast %add3A_442 : vector<16xf32> to vector<1x1x16xf32>
        tpu.vector_store %arg9[%swap3A_444, %swap3A_445, %swap3A_446], %swap3A_449 {strides = array<i32>} : memref<4x128x64xf32, #tpu.memory_space<vmem>>, vector<1x1x16xf32>,
        %get3A_450 = arith.constant 1 : i32
        %get3A_451 = arith.index_cast %get3A_450 : i32 to index
        %get3A_452 = arith.index_cast %scan3A_430 : i32 to index
        %get3A_453 = arith.constant 16 : index
        %get3A_454 = tpu.vector_load %arg8[%get3A_451, %get3A_452, %get3A_453] {strides = array<i32>} : memref<4x128x64xf32, #tpu.memory_space<vmem>>, vector<1x1x16xf32>,
        %get3A_455 = vector.shape_cast %get3A_454 : vector<1x1x16xf32> to vector<16xf32>
        %add3A_456 = arith.addi %rem3A_193, %scan3A_430 : i32
        %get3A_457 = arith.index_cast %add3A_456 : i32 to index
        %get3A_458 = arith.constant 16 : index
        %get3A_459 = tpu.vector_load %arg7[%get3A_457, %get3A_458] {strides = array<i32>} : memref<400x64xf32, #tpu.memory_space<vmem>>, vector<1x16xf32>,
        %get3A_460 = vector.shape_cast %get3A_459 : vector<1x16xf32> to vector<16xf32>
        %add3A_461 = arith.addf %get3A_455, %get3A_460 : vector<16xf32>
        %swap3A_462 = arith.constant 1 : i32
        %swap3A_463 = arith.index_cast %swap3A_462 : i32 to index
        %swap3A_464 = arith.index_cast %scan3A_430 : i32 to index
        %swap3A_465 = arith.constant 16 : index
        %swap3A_466 = tpu.vector_load %arg9[%swap3A_463, %swap3A_464, %swap3A_465] {strides = array<i32>} : memref<4x128x64xf32, #tpu.memory_space<vmem>>, vector<1x1x16xf32>,
        %swap3A_467 = vector.shape_cast %swap3A_466 : vector<1x1x16xf32> to vector<16xf32>
        %swap3A_468 = vector.shape_cast %add3A_461 : vector<16xf32> to vector<1x1x16xf32>
        tpu.vector_store %arg9[%swap3A_463, %swap3A_464, %swap3A_465], %swap3A_468 {strides = array<i32>} : memref<4x128x64xf32, #tpu.memory_space<vmem>>, vector<1x1x16xf32>,
        %get3A_469 = arith.constant 1 : i32
        %get3A_470 = arith.index_cast %get3A_469 : i32 to index
        %get3A_471 = arith.index_cast %scan3A_430 : i32 to index
        %get3A_472 = arith.constant 32 : index
        %get3A_473 = tpu.vector_load %arg8[%get3A_470, %get3A_471, %get3A_472] {strides = array<i32>} : memref<4x128x64xf32, #tpu.memory_space<vmem>>, vector<1x1x16xf32>,
        %get3A_474 = vector.shape_cast %get3A_473 : vector<1x1x16xf32> to vector<16xf32>
        %add3A_475 = arith.addi %rem3A_193, %scan3A_430 : i32
        %get3A_476 = arith.index_cast %add3A_475 : i32 to index
        %get3A_477 = arith.constant 32 : index
        %get3A_478 = tpu.vector_load %arg7[%get3A_476, %get3A_477] {strides = array<i32>} : memref<400x64xf32, #tpu.memory_space<vmem>>, vector<1x16xf32>,
        %get3A_479 = vector.shape_cast %get3A_478 : vector<1x16xf32> to vector<16xf32>
        %add3A_480 = arith.addf %get3A_474, %get3A_479 : vector<16xf32>
        %swap3A_481 = arith.constant 1 : i32
        %swap3A_482 = arith.index_cast %swap3A_481 : i32 to index
        %swap3A_483 = arith.index_cast %scan3A_430 : i32 to index
        %swap3A_484 = arith.constant 32 : index
        %swap3A_485 = tpu.vector_load %arg9[%swap3A_482, %swap3A_483, %swap3A_484] {strides = array<i32>} : memref<4x128x64xf32, #tpu.memory_space<vmem>>, vector<1x1x16xf32>,
        %swap3A_486 = vector.shape_cast %swap3A_485 : vector<1x1x16xf32> to vector<16xf32>
        %swap3A_487 = vector.shape_cast %add3A_480 : vector<16xf32> to vector<1x1x16xf32>
        tpu.vector_store %arg9[%swap3A_482, %swap3A_483, %swap3A_484], %swap3A_487 {strides = array<i32>} : memref<4x128x64xf32, #tpu.memory_space<vmem>>, vector<1x1x16xf32>,
        %get3A_488 = arith.constant 1 : i32
        %get3A_489 = arith.index_cast %get3A_488 : i32 to index
        %get3A_490 = arith.index_cast %scan3A_430 : i32 to index
        %get3A_491 = arith.constant 48 : index
        %get3A_492 = tpu.vector_load %arg8[%get3A_489, %get3A_490, %get3A_491] {strides = array<i32>} : memref<4x128x64xf32, #tpu.memory_space<vmem>>, vector<1x1x16xf32>,
        %get3A_493 = vector.shape_cast %get3A_492 : vector<1x1x16xf32> to vector<16xf32>
        %add3A_494 = arith.addi %rem3A_193, %scan3A_430 : i32
        %get3A_495 = arith.index_cast %add3A_494 : i32 to index
        %get3A_496 = arith.constant 48 : index
        %get3A_497 = tpu.vector_load %arg7[%get3A_495, %get3A_496] {strides = array<i32>} : memref<400x64xf32, #tpu.memory_space<vmem>>, vector<1x16xf32>,
        %get3A_498 = vector.shape_cast %get3A_497 : vector<1x16xf32> to vector<16xf32>
        %add3A_499 = arith.addf %get3A_493, %get3A_498 : vector<16xf32>
        %swap3A_500 = arith.constant 1 : i32
        %swap3A_501 = arith.index_cast %swap3A_500 : i32 to index
        %swap3A_502 = arith.index_cast %scan3A_430 : i32 to index
        %swap3A_503 = arith.constant 48 : index
        %swap3A_504 = tpu.vector_load %arg9[%swap3A_501, %swap3A_502, %swap3A_503] {strides = array<i32>} : memref<4x128x64xf32, #tpu.memory_space<vmem>>, vector<1x1x16xf32>,
        %swap3A_505 = vector.shape_cast %swap3A_504 : vector<1x1x16xf32> to vector<16xf32>
        %swap3A_506 = vector.shape_cast %add3A_499 : vector<16xf32> to vector<1x1x16xf32>
        tpu.vector_store %arg9[%swap3A_501, %swap3A_502, %swap3A_503], %swap3A_506 {strides = array<i32>} : memref<4x128x64xf32, #tpu.memory_space<vmem>>, vector<1x1x16xf32>,
        %scan3A_507 = arith.constant 2 : i32
        %scan3A_508 = arith.addi %scan3A_354, %scan3A_507 : i32
        %get3A_509 = arith.constant 1 : i32
        %get3A_510 = arith.index_cast %get3A_509 : i32 to index
        %get3A_511 = arith.index_cast %scan3A_508 : i32 to index
        %get3A_512 = arith.constant 0 : index
        %get3A_513 = tpu.vector_load %arg8[%get3A_510, %get3A_511, %get3A_512] {strides = array<i32>} : memref<4x128x64xf32, #tpu.memory_space<vmem>>, vector<1x1x16xf32>,
        %get3A_514 = vector.shape_cast %get3A_513 : vector<1x1x16xf32> to vector<16xf32>
        %add3A_515 = arith.addi %rem3A_193, %scan3A_508 : i32
        %get3A_516 = arith.index_cast %add3A_515 : i32 to index
        %get3A_517 = arith.constant 0 : index
        %get3A_518 = tpu.vector_load %arg7[%get3A_516, %get3A_517] {strides = array<i32>} : memref<400x64xf32, #tpu.memory_space<vmem>>, vector<1x16xf32>,
        %get3A_519 = vector.shape_cast %get3A_518 : vector<1x16xf32> to vector<16xf32>
        %add3A_520 = arith.addf %get3A_514, %get3A_519 : vector<16xf32>
        %swap3A_521 = arith.constant 1 : i32
        %swap3A_522 = arith.index_cast %swap3A_521 : i32 to index
        %swap3A_523 = arith.index_cast %scan3A_508 : i32 to index
        %swap3A_524 = arith.constant 0 : index
        %swap3A_525 = tpu.vector_load %arg9[%swap3A_522, %swap3A_523, %swap3A_524] {strides = array<i32>} : memref<4x128x64xf32, #tpu.memory_space<vmem>>, vector<1x1x16xf32>,
        %swap3A_526 = vector.shape_cast %swap3A_525 : vector<1x1x16xf32> to vector<16xf32>
        %swap3A_527 = vector.shape_cast %add3A_520 : vector<16xf32> to vector<1x1x16xf32>
        tpu.vector_store %arg9[%swap3A_522, %swap3A_523, %swap3A_524], %swap3A_527 {strides = array<i32>} : memref<4x128x64xf32, #tpu.memory_space<vmem>>, vector<1x1x16xf32>,
        %get3A_528 = arith.constant 1 : i32
        %get3A_529 = arith.index_cast %get3A_528 : i32 to index
        %get3A_530 = arith.index_cast %scan3A_508 : i32 to index
        %get3A_531 = arith.constant 16 : index
        %get3A_532 = tpu.vector_load %arg8[%get3A_529, %get3A_530, %get3A_531] {strides = array<i32>} : memref<4x128x64xf32, #tpu.memory_space<vmem>>, vector<1x1x16xf32>,
        %get3A_533 = vector.shape_cast %get3A_532 : vector<1x1x16xf32> to vector<16xf32>
        %add3A_534 = arith.addi %rem3A_193, %scan3A_508 : i32
        %get3A_535 = arith.index_cast %add3A_534 : i32 to index
        %get3A_536 = arith.constant 16 : index
        %get3A_537 = tpu.vector_load %arg7[%get3A_535, %get3A_536] {strides = array<i32>} : memref<400x64xf32, #tpu.memory_space<vmem>>, vector<1x16xf32>,
        %get3A_538 = vector.shape_cast %get3A_537 : vector<1x16xf32> to vector<16xf32>
        %add3A_539 = arith.addf %get3A_533, %get3A_538 : vector<16xf32>
        %swap3A_540 = arith.constant 1 : i32
        %swap3A_541 = arith.index_cast %swap3A_540 : i32 to index
        %swap3A_542 = arith.index_cast %scan3A_508 : i32 to index
        %swap3A_543 = arith.constant 16 : index
        %swap3A_544 = tpu.vector_load %arg9[%swap3A_541, %swap3A_542, %swap3A_543] {strides = array<i32>} : memref<4x128x64xf32, #tpu.memory_space<vmem>>, vector<1x1x16xf32>,
        %swap3A_545 = vector.shape_cast %swap3A_544 : vector<1x1x16xf32> to vector<16xf32>
        %swap3A_546 = vector.shape_cast %add3A_539 : vector<16xf32> to vector<1x1x16xf32>
        tpu.vector_store %arg9[%swap3A_541, %swap3A_542, %swap3A_543], %swap3A_546 {strides = array<i32>} : memref<4x128x64xf32, #tpu.memory_space<vmem>>, vector<1x1x16xf32>,
        %get3A_547 = arith.constant 1 : i32
        %get3A_548 = arith.index_cast %get3A_547 : i32 to index
        %get3A_549 = arith.index_cast %scan3A_508 : i32 to index
        %get3A_550 = arith.constant 32 : index
        %get3A_551 = tpu.vector_load %arg8[%get3A_548, %get3A_549, %get3A_550] {strides = array<i32>} : memref<4x128x64xf32, #tpu.memory_space<vmem>>, vector<1x1x16xf32>,
        %get3A_552 = vector.shape_cast %get3A_551 : vector<1x1x16xf32> to vector<16xf32>
        %add3A_553 = arith.addi %rem3A_193, %scan3A_508 : i32
        %get3A_554 = arith.index_cast %add3A_553 : i32 to index
        %get3A_555 = arith.constant 32 : index
        %get3A_556 = tpu.vector_load %arg7[%get3A_554, %get3A_555] {strides = array<i32>} : memref<400x64xf32, #tpu.memory_space<vmem>>, vector<1x16xf32>,
        %get3A_557 = vector.shape_cast %get3A_556 : vector<1x16xf32> to vector<16xf32>
        %add3A_558 = arith.addf %get3A_552, %get3A_557 : vector<16xf32>
        %swap3A_559 = arith.constant 1 : i32
        %swap3A_560 = arith.index_cast %swap3A_559 : i32 to index
        %swap3A_561 = arith.index_cast %scan3A_508 : i32 to index
        %swap3A_562 = arith.constant 32 : index
        %swap3A_563 = tpu.vector_load %arg9[%swap3A_560, %swap3A_561, %swap3A_562] {strides = array<i32>} : memref<4x128x64xf32, #tpu.memory_space<vmem>>, vector<1x1x16xf32>,
        %swap3A_564 = vector.shape_cast %swap3A_563 : vector<1x1x16xf32> to vector<16xf32>
        %swap3A_565 = vector.shape_cast %add3A_558 : vector<16xf32> to vector<1x1x16xf32>
        tpu.vector_store %arg9[%swap3A_560, %swap3A_561, %swap3A_562], %swap3A_565 {strides = array<i32>} : memref<4x128x64xf32, #tpu.memory_space<vmem>>, vector<1x1x16xf32>,
        %get3A_566 = arith.constant 1 : i32
        %get3A_567 = arith.index_cast %get3A_566 : i32 to index
        %get3A_568 = arith.index_cast %scan3A_508 : i32 to index
        %get3A_569 = arith.constant 48 : index
        %get3A_570 = tpu.vector_load %arg8[%get3A_567, %get3A_568, %get3A_569] {strides = array<i32>} : memref<4x128x64xf32, #tpu.memory_space<vmem>>, vector<1x1x16xf32>,
        %get3A_571 = vector.shape_cast %get3A_570 : vector<1x1x16xf32> to vector<16xf32>
        %add3A_572 = arith.addi %rem3A_193, %scan3A_508 : i32
        %get3A_573 = arith.index_cast %add3A_572 : i32 to index
        %get3A_574 = arith.constant 48 : index
        %get3A_575 = tpu.vector_load %arg7[%get3A_573, %get3A_574] {strides = array<i32>} : memref<400x64xf32, #tpu.memory_space<vmem>>, vector<1x16xf32>,
        %get3A_576 = vector.shape_cast %get3A_575 : vector<1x16xf32> to vector<16xf32>
        %add3A_577 = arith.addf %get3A_571, %get3A_576 : vector<16xf32>
        %swap3A_578 = arith.constant 1 : i32
        %swap3A_579 = arith.index_cast %swap3A_578 : i32 to index
        %swap3A_580 = arith.index_cast %scan3A_508 : i32 to index
        %swap3A_581 = arith.constant 48 : index
        %swap3A_582 = tpu.vector_load %arg9[%swap3A_579, %swap3A_580, %swap3A_581] {strides = array<i32>} : memref<4x128x64xf32, #tpu.memory_space<vmem>>, vector<1x1x16xf32>,
        %swap3A_583 = vector.shape_cast %swap3A_582 : vector<1x1x16xf32> to vector<16xf32>
        %swap3A_584 = vector.shape_cast %add3A_577 : vector<16xf32> to vector<1x1x16xf32>
        tpu.vector_store %arg9[%swap3A_579, %swap3A_580, %swap3A_581], %swap3A_584 {strides = array<i32>} : memref<4x128x64xf32, #tpu.memory_space<vmem>>, vector<1x1x16xf32>,
        %scan3A_585 = arith.constant 3 : i32
        %scan3A_586 = arith.addi %scan3A_354, %scan3A_585 : i32
        %get3A_587 = arith.constant 1 : i32
        %get3A_588 = arith.index_cast %get3A_587 : i32 to index
        %get3A_589 = arith.index_cast %scan3A_586 : i32 to index
        %get3A_590 = arith.constant 0 : index
        %get3A_591 = tpu.vector_load %arg8[%get3A_588, %get3A_589, %get3A_590] {strides = array<i32>} : memref<4x128x64xf32, #tpu.memory_space<vmem>>, vector<1x1x16xf32>,
        %get3A_592 = vector.shape_cast %get3A_591 : vector<1x1x16xf32> to vector<16xf32>
        %add3A_593 = arith.addi %rem3A_193, %scan3A_586 : i32
        %get3A_594 = arith.index_cast %add3A_593 : i32 to index
        %get3A_595 = arith.constant 0 : index
        %get3A_596 = tpu.vector_load %arg7[%get3A_594, %get3A_595] {strides = array<i32>} : memref<400x64xf32, #tpu.memory_space<vmem>>, vector<1x16xf32>,
        %get3A_597 = vector.shape_cast %get3A_596 : vector<1x16xf32> to vector<16xf32>
        %add3A_598 = arith.addf %get3A_592, %get3A_597 : vector<16xf32>
        %swap3A_599 = arith.constant 1 : i32
        %swap3A_600 = arith.index_cast %swap3A_599 : i32 to index
        %swap3A_601 = arith.index_cast %scan3A_586 : i32 to index
        %swap3A_602 = arith.constant 0 : index
        %swap3A_603 = tpu.vector_load %arg9[%swap3A_600, %swap3A_601, %swap3A_602] {strides = array<i32>} : memref<4x128x64xf32, #tpu.memory_space<vmem>>, vector<1x1x16xf32>,
        %swap3A_604 = vector.shape_cast %swap3A_603 : vector<1x1x16xf32> to vector<16xf32>
        %swap3A_605 = vector.shape_cast %add3A_598 : vector<16xf32> to vector<1x1x16xf32>
        tpu.vector_store %arg9[%swap3A_600, %swap3A_601, %swap3A_602], %swap3A_605 {strides = array<i32>} : memref<4x128x64xf32, #tpu.memory_space<vmem>>, vector<1x1x16xf32>,
        %get3A_606 = arith.constant 1 : i32
        %get3A_607 = arith.index_cast %get3A_606 : i32 to index
        %get3A_608 = arith.index_cast %scan3A_586 : i32 to index
        %get3A_609 = arith.constant 16 : index
        %get3A_610 = tpu.vector_load %arg8[%get3A_607, %get3A_608, %get3A_609] {strides = array<i32>} : memref<4x128x64xf32, #tpu.memory_space<vmem>>, vector<1x1x16xf32>,
        %get3A_611 = vector.shape_cast %get3A_610 : vector<1x1x16xf32> to vector<16xf32>
        %add3A_612 = arith.addi %rem3A_193, %scan3A_586 : i32
        %get3A_613 = arith.index_cast %add3A_612 : i32 to index
        %get3A_614 = arith.constant 16 : index
        %get3A_615 = tpu.vector_load %arg7[%get3A_613, %get3A_614] {strides = array<i32>} : memref<400x64xf32, #tpu.memory_space<vmem>>, vector<1x16xf32>,
        %get3A_616 = vector.shape_cast %get3A_615 : vector<1x16xf32> to vector<16xf32>
        %add3A_617 = arith.addf %get3A_611, %get3A_616 : vector<16xf32>
        %swap3A_618 = arith.constant 1 : i32
        %swap3A_619 = arith.index_cast %swap3A_618 : i32 to index
        %swap3A_620 = arith.index_cast %scan3A_586 : i32 to index
        %swap3A_621 = arith.constant 16 : index
        %swap3A_622 = tpu.vector_load %arg9[%swap3A_619, %swap3A_620, %swap3A_621] {strides = array<i32>} : memref<4x128x64xf32, #tpu.memory_space<vmem>>, vector<1x1x16xf32>,
        %swap3A_623 = vector.shape_cast %swap3A_622 : vector<1x1x16xf32> to vector<16xf32>
        %swap3A_624 = vector.shape_cast %add3A_617 : vector<16xf32> to vector<1x1x16xf32>
        tpu.vector_store %arg9[%swap3A_619, %swap3A_620, %swap3A_621], %swap3A_624 {strides = array<i32>} : memref<4x128x64xf32, #tpu.memory_space<vmem>>, vector<1x1x16xf32>,
        %get3A_625 = arith.constant 1 : i32
        %get3A_626 = arith.index_cast %get3A_625 : i32 to index
        %get3A_627 = arith.index_cast %scan3A_586 : i32 to index
        %get3A_628 = arith.constant 32 : index
        %get3A_629 = tpu.vector_load %arg8[%get3A_626, %get3A_627, %get3A_628] {strides = array<i32>} : memref<4x128x64xf32, #tpu.memory_space<vmem>>, vector<1x1x16xf32>,
        %get3A_630 = vector.shape_cast %get3A_629 : vector<1x1x16xf32> to vector<16xf32>
        %add3A_631 = arith.addi %rem3A_193, %scan3A_586 : i32
        %get3A_632 = arith.index_cast %add3A_631 : i32 to index
        %get3A_633 = arith.constant 32 : index
        %get3A_634 = tpu.vector_load %arg7[%get3A_632, %get3A_633] {strides = array<i32>} : memref<400x64xf32, #tpu.memory_space<vmem>>, vector<1x16xf32>,
        %get3A_635 = vector.shape_cast %get3A_634 : vector<1x16xf32> to vector<16xf32>
        %add3A_636 = arith.addf %get3A_630, %get3A_635 : vector<16xf32>
        %swap3A_637 = arith.constant 1 : i32
        %swap3A_638 = arith.index_cast %swap3A_637 : i32 to index
        %swap3A_639 = arith.index_cast %scan3A_586 : i32 to index
        %swap3A_640 = arith.constant 32 : index
        %swap3A_641 = tpu.vector_load %arg9[%swap3A_638, %swap3A_639, %swap3A_640] {strides = array<i32>} : memref<4x128x64xf32, #tpu.memory_space<vmem>>, vector<1x1x16xf32>,
        %swap3A_642 = vector.shape_cast %swap3A_641 : vector<1x1x16xf32> to vector<16xf32>
        %swap3A_643 = vector.shape_cast %add3A_636 : vector<16xf32> to vector<1x1x16xf32>
        tpu.vector_store %arg9[%swap3A_638, %swap3A_639, %swap3A_640], %swap3A_643 {strides = array<i32>} : memref<4x128x64xf32, #tpu.memory_space<vmem>>, vector<1x1x16xf32>,
        %get3A_644 = arith.constant 1 : i32
        %get3A_645 = arith.index_cast %get3A_644 : i32 to index
        %get3A_646 = arith.index_cast %scan3A_586 : i32 to index
        %get3A_647 = arith.constant 48 : index
        %get3A_648 = tpu.vector_load %arg8[%get3A_645, %get3A_646, %get3A_647] {strides = array<i32>} : memref<4x128x64xf32, #tpu.memory_space<vmem>>, vector<1x1x16xf32>,
        %get3A_649 = vector.shape_cast %get3A_648 : vector<1x1x16xf32> to vector<16xf32>
        %add3A_650 = arith.addi %rem3A_193, %scan3A_586 : i32
        %get3A_651 = arith.index_cast %add3A_650 : i32 to index
        %get3A_652 = arith.constant 48 : index
        %get3A_653 = tpu.vector_load %arg7[%get3A_651, %get3A_652] {strides = array<i32>} : memref<400x64xf32, #tpu.memory_space<vmem>>, vector<1x16xf32>,
        %get3A_654 = vector.shape_cast %get3A_653 : vector<1x16xf32> to vector<16xf32>
        %add3A_655 = arith.addf %get3A_649, %get3A_654 : vector<16xf32>
        %swap3A_656 = arith.constant 1 : i32
        %swap3A_657 = arith.index_cast %swap3A_656 : i32 to index
        %swap3A_658 = arith.index_cast %scan3A_586 : i32 to index
        %swap3A_659 = arith.constant 48 : index
        %swap3A_660 = tpu.vector_load %arg9[%swap3A_657, %swap3A_658, %swap3A_659] {strides = array<i32>} : memref<4x128x64xf32, #tpu.memory_space<vmem>>, vector<1x1x16xf32>,
        %swap3A_661 = vector.shape_cast %swap3A_660 : vector<1x1x16xf32> to vector<16xf32>
        %swap3A_662 = vector.shape_cast %add3A_655 : vector<16xf32> to vector<1x1x16xf32>
        tpu.vector_store %arg9[%swap3A_657, %swap3A_658, %swap3A_659], %swap3A_662 {strides = array<i32>} : memref<4x128x64xf32, #tpu.memory_space<vmem>>, vector<1x1x16xf32>,
      }
      %scan3A_218 = arith.constant 128 : i32
      %dma_start3A_219 = arith.constant 1 : i32
      %dma_start3A_220 = arith.constant 1 : i32
      %dma_start3A_221 = arith.constant 0 : i32
      %dma_start3A_222 = arith.constant 0 : i32
      %dma_start3A_223 = tpu.memref_slice %arg9[%dma_start3A_219, %dma_start3A_221, %dma_start3A_222] : memref<4x128x64xf32, #tpu.memory_space<vmem>> -> memref<1x128x64xf32, #tpu.memory_space<vmem>>
      %dma_start3A_224 = tpu.memref_squeeze %dma_start3A_223 : memref<1x128x64xf32, #tpu.memory_space<vmem>> -> memref<128x64xf32, #tpu.memory_space<vmem>>
      %dma_start3A_225 = arith.constant 0 : i32
      %dma_start3A_226 = tpu.memref_slice %arg5[%add3A_189, %dma_start3A_225] : memref<819200x64xf32, #tpu.memory_space<hbm>> -> memref<128x64xf32, #tpu.memory_space<hbm>>
      %dma_start3A_227 = tpu.memref_slice %arg11[%dma_start3A_220] : memref<4x!tpu.dma_semaphore, #tpu.memory_space<semaphore_mem>> -> memref<1x!tpu.dma_semaphore, #tpu.memory_space<semaphore_mem>>
      %dma_start3A_228 = tpu.memref_squeeze %dma_start3A_227 : memref<1x!tpu.dma_semaphore, #tpu.memory_space<semaphore_mem>> -> memref<!tpu.dma_semaphore, #tpu.memory_space<semaphore_mem>>
      %dma_start3A_229 = arith.constant 0 : i32
      %dma_start3A_230 = tpu.memref_slice %arg5[%add3A_189, %dma_start3A_229] : memref<819200x64xf32, #tpu.memory_space<hbm>> -> memref<128x64xf32, #tpu.memory_space<hbm>>
      %dma_start3A_231 = arith.constant 0 : i32
      %dma_start3A_232 = arith.constant 0 : i32
      %dma_start3A_233 = tpu.memref_slice %arg9[%dma_start3A_219, %dma_start3A_231, %dma_start3A_232] : memref<4x128x64xf32, #tpu.memory_space<vmem>> -> memref<1x128x64xf32, #tpu.memory_space<vmem>>
      %dma_start3A_234 = tpu.memref_squeeze %dma_start3A_233 : memref<1x128x64xf32, #tpu.memory_space<vmem>> -> memref<128x64xf32, #tpu.memory_space<vmem>>
      tpu.enqueue_dma source(%dma_start3A_234 : memref<128x64xf32, #tpu.memory_space<vmem>>) target(%dma_start3A_230 : memref<128x64xf32, #tpu.memory_space<hbm>>) target_semaphore(%dma_start3A_228 : memref<!tpu.dma_semaphore, #tpu.memory_space<semaphore_mem>>)
      %lt3A_235 = arith.constant 49 : i32
      %lt3A_236 = arith.cmpi slt, %scan3A_130, %lt3A_235 : i32
      %convert_element_type3A_237 = arith.extui %lt3A_236 : i1 to i32
      %cond3A_238 = arith.constant 0 : i32
      %cond3A_239 = arith.cmpi ne, %convert_element_type3A_237, %cond3A_238 : i32
      scf.if %cond3A_239 {
        %add3A_354 = arith.constant 4 : i32
        %add3A_355 = arith.addi %add3A_186, %add3A_354 : i32
        %mul3A_356 = arith.constant 128 : i32
        %mul3A_357 = arith.muli %add3A_355, %mul3A_356 : i32
        %dma_start3A_358 = arith.constant 1 : i32
        %dma_start3A_359 = arith.constant 1 : i32
        %dma_start3A_360 = arith.constant 0 : i32
        %dma_start3A_361 = arith.constant 0 : i32
        %dma_start3A_362 = tpu.memref_slice %arg8[%dma_start3A_358, %dma_start3A_360, %dma_start3A_361] : memref<4x128x64xf32, #tpu.memory_space<vmem>> -> memref<1x128x64xf32, #tpu.memory_space<vmem>>
        %dma_start3A_363 = tpu.memref_squeeze %dma_start3A_362 : memref<1x128x64xf32, #tpu.memory_space<vmem>> -> memref<128x64xf32, #tpu.memory_space<vmem>>
        %dma_start3A_364 = tpu.memref_slice %arg6[%mul3A_357] : memref<25600xi32, #tpu.memory_space<vmem>> -> memref<128xi32, #tpu.memory_space<vmem>>
        %dma_start3A_365 = arith.constant 0 : i32
        %dma_start3A_366 = arith.constant 0 : i32
        %dma_start3A_367 = tpu.memref_slice %arg4[%dma_start3A_365, %dma_start3A_366] : memref<100000x64xf32, #tpu.memory_space<hbm>> -> memref<100000x64xf32, #tpu.memory_space<hbm>>
        %dma_start3A_368 = tpu.memref_slice %arg10[%dma_start3A_359] : memref<4x!tpu.dma_semaphore, #tpu.memory_space<semaphore_mem>> -> memref<1x!tpu.dma_semaphore, #tpu.memory_space<semaphore_mem>>
        %dma_start3A_369 = tpu.memref_squeeze %dma_start3A_368 : memref<1x!tpu.dma_semaphore, #tpu.memory_space<semaphore_mem>> -> memref<!tpu.dma_semaphore, #tpu.memory_space<semaphore_mem>>
        tpu.enqueue_indirect_dma source(%dma_start3A_367 : memref<100000x64xf32, #tpu.memory_space<hbm>>) target(%dma_start3A_363 : memref<128x64xf32, #tpu.memory_space<vmem>>) offsets(%dma_start3A_364 : memref<128xi32, #tpu.memory_space<vmem>>) semaphore(%dma_start3A_369 : memref<!tpu.dma_semaphore, #tpu.memory_space<semaphore_mem>>)
      } else {
      }
      %mul3A_240 = arith.constant 4 : i32
      %mul3A_241 = arith.muli %scan3A_130, %mul3A_240 : i32
      %add3A_242 = arith.constant 2 : i32
      %add3A_243 = arith.addi %mul3A_241, %add3A_242 : i32
      %mul3A_244 = arith.constant 128 : i32
      %mul3A_245 = arith.muli %add3A_243, %mul3A_244 : i32
      %add3A_246 = arith.addi %mul3A_2, %mul3A_245 : i32
      %mul3A_247 = arith.constant 128 : i32
      %mul3A_248 = arith.muli %add3A_243, %mul3A_247 : i32
      %rem3A_249 = arith.constant 200 : i32
      %rem3A_250 = arith.remsi %mul3A_248, %rem3A_249 : i32
      %mul3A_251 = arith.constant 128 : i32
      %mul3A_252 = arith.muli %add3A_243, %mul3A_251 : i32
      %dma_wait3A_253 = arith.constant 2 : i32
      %dma_wait3A_254 = arith.constant 2 : i32
      %dma_wait3A_255 = arith.constant 0 : i32
      %dma_wait3A_256 = arith.constant 0 : i32
      %dma_wait3A_257 = tpu.memref_slice %arg8[%dma_wait3A_253, %dma_wait3A_255, %dma_wait3A_256] : memref<4x128x64xf32, #tpu.memory_space<vmem>> -> memref<1x128x64xf32, #tpu.memory_space<vmem>>
      %dma_wait3A_258 = tpu.memref_squeeze %dma_wait3A_257 : memref<1x128x64xf32, #tpu.memory_space<vmem>> -> memref<128x64xf32, #tpu.memory_space<vmem>>
      %dma_wait3A_259 = tpu.memref_slice %arg6[%mul3A_252] : memref<25600xi32, #tpu.memory_space<vmem>> -> memref<128xi32, #tpu.memory_space<vmem>>
      %dma_wait3A_260 = arith.constant 0 : i32
      %dma_wait3A_261 = arith.constant 0 : i32
      %dma_wait3A_262 = tpu.memref_slice %arg4[%dma_wait3A_260, %dma_wait3A_261] : memref<100000x64xf32, #tpu.memory_space<hbm>> -> memref<100000x64xf32, #tpu.memory_space<hbm>>
      %dma_wait3A_263 = tpu.memref_slice %arg10[%dma_wait3A_254] : memref<4x!tpu.dma_semaphore, #tpu.memory_space<semaphore_mem>> -> memref<1x!tpu.dma_semaphore, #tpu.memory_space<semaphore_mem>>
      %dma_wait3A_264 = tpu.memref_squeeze %dma_wait3A_263 : memref<1x!tpu.dma_semaphore, #tpu.memory_space<semaphore_mem>> -> memref<!tpu.dma_semaphore, #tpu.memory_space<semaphore_mem>>
      tpu.wait_indirect_dma semaphore(%dma_wait3A_264 : memref<!tpu.dma_semaphore, #tpu.memory_space<semaphore_mem>>) src(%dma_wait3A_262 : memref<100000x64xf32, #tpu.memory_space<hbm>>) dst(%dma_wait3A_258 : memref<128x64xf32, #tpu.memory_space<vmem>>)
      %gt3A_265 = arith.constant 0 : i32
      %gt3A_266 = arith.cmpi sgt, %scan3A_130, %gt3A_265 : i32
      %convert_element_type3A_267 = arith.extui %gt3A_266 : i1 to i32
      %cond3A_268 = arith.constant 0 : i32
      %cond3A_269 = arith.cmpi ne, %convert_element_type3A_267, %cond3A_268 : i32
      scf.if %cond3A_269 {
        %dma_wait3A_354 = arith.constant 2 : i32
        %dma_wait3A_355 = arith.constant 2 : i32
        %dma_wait3A_356 = arith.constant 0 : i32
        %dma_wait3A_357 = arith.constant 0 : i32
        %dma_wait3A_358 = tpu.memref_slice %arg9[%dma_wait3A_354, %dma_wait3A_356, %dma_wait3A_357] : memref<4x128x64xf32, #tpu.memory_space<vmem>> -> memref<1x128x64xf32, #tpu.memory_space<vmem>>
        %dma_wait3A_359 = tpu.memref_squeeze %dma_wait3A_358 : memref<1x128x64xf32, #tpu.memory_space<vmem>> -> memref<128x64xf32, #tpu.memory_space<vmem>>
        %dma_wait3A_360 = arith.constant 0 : i32
        %dma_wait3A_361 = tpu.memref_slice %arg5[%add3A_246, %dma_wait3A_360] : memref<819200x64xf32, #tpu.memory_space<hbm>> -> memref<128x64xf32, #tpu.memory_space<hbm>>
        %dma_wait3A_362 = tpu.memref_slice %arg11[%dma_wait3A_355] : memref<4x!tpu.dma_semaphore, #tpu.memory_space<semaphore_mem>> -> memref<1x!tpu.dma_semaphore, #tpu.memory_space<semaphore_mem>>
        %dma_wait3A_363 = tpu.memref_squeeze %dma_wait3A_362 : memref<1x!tpu.dma_semaphore, #tpu.memory_space<semaphore_mem>> -> memref<!tpu.dma_semaphore, #tpu.memory_space<semaphore_mem>>
        %dma_wait3A_364 = arith.constant 0 : i32
        %dma_wait3A_365 = tpu.memref_slice %arg5[%add3A_246, %dma_wait3A_364] : memref<819200x64xf32, #tpu.memory_space<hbm>> -> memref<128x64xf32, #tpu.memory_space<hbm>>
        %dma_wait3A_366 = arith.constant 0 : i32
        %dma_wait3A_367 = arith.constant 0 : i32
        %dma_wait3A_368 = tpu.memref_slice %arg9[%dma_wait3A_354, %dma_wait3A_366, %dma_wait3A_367] : memref<4x128x64xf32, #tpu.memory_space<vmem>> -> memref<1x128x64xf32, #tpu.memory_space<vmem>>
        %dma_wait3A_369 = tpu.memref_squeeze %dma_wait3A_368 : memref<1x128x64xf32, #tpu.memory_space<vmem>> -> memref<128x64xf32, #tpu.memory_space<vmem>>
        tpu.wait_dma2 semaphore(%dma_wait3A_363 : memref<!tpu.dma_semaphore, #tpu.memory_space<semaphore_mem>>) src(%dma_wait3A_369 : memref<128x64xf32, #tpu.memory_space<vmem>>) dst(%dma_wait3A_365 : memref<128x64xf32, #tpu.memory_space<hbm>>)
      } else {
      }
      %scan3A_270 = arith.constant 0 : i32
      %scan3A_271 = arith.constant 0 : i32
      %scan3A_272 = arith.constant 128 : i32
      %scan3A_273 = arith.addi %scan3A_271, %scan3A_272 : i32
      %scan3A_274 = arith.constant 4 : i32
      scf.for %scan3A_354 = %scan3A_271 to %scan3A_273 step %scan3A_274  : i32 {
        %get3A = arith.constant 2 : i32
        %get3A_355 = arith.index_cast %get3A : i32 to index
        %get3A_356 = arith.index_cast %scan3A_354 : i32 to index
        %get3A_357 = arith.constant 0 : index
        %get3A_358 = tpu.vector_load %arg8[%get3A_355, %get3A_356, %get3A_357] {strides = array<i32>} : memref<4x128x64xf32, #tpu.memory_space<vmem>>, vector<1x1x16xf32>,
        %get3A_359 = vector.shape_cast %get3A_358 : vector<1x1x16xf32> to vector<16xf32>
        %add3A_360 = arith.addi %rem3A_250, %scan3A_354 : i32
        %get3A_361 = arith.index_cast %add3A_360 : i32 to index
        %get3A_362 = arith.constant 0 : index
        %get3A_363 = tpu.vector_load %arg7[%get3A_361, %get3A_362] {strides = array<i32>} : memref<400x64xf32, #tpu.memory_space<vmem>>, vector<1x16xf32>,
        %get3A_364 = vector.shape_cast %get3A_363 : vector<1x16xf32> to vector<16xf32>
        %add3A_365 = arith.addf %get3A_359, %get3A_364 : vector<16xf32>
        %swap3A = arith.constant 2 : i32
        %swap3A_366 = arith.index_cast %swap3A : i32 to index
        %swap3A_367 = arith.index_cast %scan3A_354 : i32 to index
        %swap3A_368 = arith.constant 0 : index
        %swap3A_369 = tpu.vector_load %arg9[%swap3A_366, %swap3A_367, %swap3A_368] {strides = array<i32>} : memref<4x128x64xf32, #tpu.memory_space<vmem>>, vector<1x1x16xf32>,
        %swap3A_370 = vector.shape_cast %swap3A_369 : vector<1x1x16xf32> to vector<16xf32>
        %swap3A_371 = vector.shape_cast %add3A_365 : vector<16xf32> to vector<1x1x16xf32>
        tpu.vector_store %arg9[%swap3A_366, %swap3A_367, %swap3A_368], %swap3A_371 {strides = array<i32>} : memref<4x128x64xf32, #tpu.memory_space<vmem>>, vector<1x1x16xf32>,
        %get3A_372 = arith.constant 2 : i32
        %get3A_373 = arith.index_cast %get3A_372 : i32 to index
        %get3A_374 = arith.index_cast %scan3A_354 : i32 to index
        %get3A_375 = arith.constant 16 : index
        %get3A_376 = tpu.vector_load %arg8[%get3A_373, %get3A_374, %get3A_375] {strides = array<i32>} : memref<4x128x64xf32, #tpu.memory_space<vmem>>, vector<1x1x16xf32>,
        %get3A_377 = vector.shape_cast %get3A_376 : vector<1x1x16xf32> to vector<16xf32>
        %add3A_378 = arith.addi %rem3A_250, %scan3A_354 : i32
        %get3A_379 = arith.index_cast %add3A_378 : i32 to index
        %get3A_380 = arith.constant 16 : index
        %get3A_381 = tpu.vector_load %arg7[%get3A_379, %get3A_380] {strides = array<i32>} : memref<400x64xf32, #tpu.memory_space<vmem>>, vector<1x16xf32>,
        %get3A_382 = vector.shape_cast %get3A_381 : vector<1x16xf32> to vector<16xf32>
        %add3A_383 = arith.addf %get3A_377, %get3A_382 : vector<16xf32>
        %swap3A_384 = arith.constant 2 : i32
        %swap3A_385 = arith.index_cast %swap3A_384 : i32 to index
        %swap3A_386 = arith.index_cast %scan3A_354 : i32 to index
        %swap3A_387 = arith.constant 16 : index
        %swap3A_388 = tpu.vector_load %arg9[%swap3A_385, %swap3A_386, %swap3A_387] {strides = array<i32>} : memref<4x128x64xf32, #tpu.memory_space<vmem>>, vector<1x1x16xf32>,
        %swap3A_389 = vector.shape_cast %swap3A_388 : vector<1x1x16xf32> to vector<16xf32>
        %swap3A_390 = vector.shape_cast %add3A_383 : vector<16xf32> to vector<1x1x16xf32>
        tpu.vector_store %arg9[%swap3A_385, %swap3A_386, %swap3A_387], %swap3A_390 {strides = array<i32>} : memref<4x128x64xf32, #tpu.memory_space<vmem>>, vector<1x1x16xf32>,
        %get3A_391 = arith.constant 2 : i32
        %get3A_392 = arith.index_cast %get3A_391 : i32 to index
        %get3A_393 = arith.index_cast %scan3A_354 : i32 to index
        %get3A_394 = arith.constant 32 : index
        %get3A_395 = tpu.vector_load %arg8[%get3A_392, %get3A_393, %get3A_394] {strides = array<i32>} : memref<4x128x64xf32, #tpu.memory_space<vmem>>, vector<1x1x16xf32>,
        %get3A_396 = vector.shape_cast %get3A_395 : vector<1x1x16xf32> to vector<16xf32>
        %add3A_397 = arith.addi %rem3A_250, %scan3A_354 : i32
        %get3A_398 = arith.index_cast %add3A_397 : i32 to index
        %get3A_399 = arith.constant 32 : index
        %get3A_400 = tpu.vector_load %arg7[%get3A_398, %get3A_399] {strides = array<i32>} : memref<400x64xf32, #tpu.memory_space<vmem>>, vector<1x16xf32>,
        %get3A_401 = vector.shape_cast %get3A_400 : vector<1x16xf32> to vector<16xf32>
        %add3A_402 = arith.addf %get3A_396, %get3A_401 : vector<16xf32>
        %swap3A_403 = arith.constant 2 : i32
        %swap3A_404 = arith.index_cast %swap3A_403 : i32 to index
        %swap3A_405 = arith.index_cast %scan3A_354 : i32 to index
        %swap3A_406 = arith.constant 32 : index
        %swap3A_407 = tpu.vector_load %arg9[%swap3A_404, %swap3A_405, %swap3A_406] {strides = array<i32>} : memref<4x128x64xf32, #tpu.memory_space<vmem>>, vector<1x1x16xf32>,
        %swap3A_408 = vector.shape_cast %swap3A_407 : vector<1x1x16xf32> to vector<16xf32>
        %swap3A_409 = vector.shape_cast %add3A_402 : vector<16xf32> to vector<1x1x16xf32>
        tpu.vector_store %arg9[%swap3A_404, %swap3A_405, %swap3A_406], %swap3A_409 {strides = array<i32>} : memref<4x128x64xf32, #tpu.memory_space<vmem>>, vector<1x1x16xf32>,
        %get3A_410 = arith.constant 2 : i32
        %get3A_411 = arith.index_cast %get3A_410 : i32 to index
        %get3A_412 = arith.index_cast %scan3A_354 : i32 to index
        %get3A_413 = arith.constant 48 : index
        %get3A_414 = tpu.vector_load %arg8[%get3A_411, %get3A_412, %get3A_413] {strides = array<i32>} : memref<4x128x64xf32, #tpu.memory_space<vmem>>, vector<1x1x16xf32>,
        %get3A_415 = vector.shape_cast %get3A_414 : vector<1x1x16xf32> to vector<16xf32>
        %add3A_416 = arith.addi %rem3A_250, %scan3A_354 : i32
        %get3A_417 = arith.index_cast %add3A_416 : i32 to index
        %get3A_418 = arith.constant 48 : index
        %get3A_419 = tpu.vector_load %arg7[%get3A_417, %get3A_418] {strides = array<i32>} : memref<400x64xf32, #tpu.memory_space<vmem>>, vector<1x16xf32>,
        %get3A_420 = vector.shape_cast %get3A_419 : vector<1x16xf32> to vector<16xf32>
        %add3A_421 = arith.addf %get3A_415, %get3A_420 : vector<16xf32>
        %swap3A_422 = arith.constant 2 : i32
        %swap3A_423 = arith.index_cast %swap3A_422 : i32 to index
        %swap3A_424 = arith.index_cast %scan3A_354 : i32 to index
        %swap3A_425 = arith.constant 48 : index
        %swap3A_426 = tpu.vector_load %arg9[%swap3A_423, %swap3A_424, %swap3A_425] {strides = array<i32>} : memref<4x128x64xf32, #tpu.memory_space<vmem>>, vector<1x1x16xf32>,
        %swap3A_427 = vector.shape_cast %swap3A_426 : vector<1x1x16xf32> to vector<16xf32>
        %swap3A_428 = vector.shape_cast %add3A_421 : vector<16xf32> to vector<1x1x16xf32>
        tpu.vector_store %arg9[%swap3A_423, %swap3A_424, %swap3A_425], %swap3A_428 {strides = array<i32>} : memref<4x128x64xf32, #tpu.memory_space<vmem>>, vector<1x1x16xf32>,
        %scan3A_429 = arith.constant 1 : i32
        %scan3A_430 = arith.addi %scan3A_354, %scan3A_429 : i32
        %get3A_431 = arith.constant 2 : i32
        %get3A_432 = arith.index_cast %get3A_431 : i32 to index
        %get3A_433 = arith.index_cast %scan3A_430 : i32 to index
        %get3A_434 = arith.constant 0 : index
        %get3A_435 = tpu.vector_load %arg8[%get3A_432, %get3A_433, %get3A_434] {strides = array<i32>} : memref<4x128x64xf32, #tpu.memory_space<vmem>>, vector<1x1x16xf32>,
        %get3A_436 = vector.shape_cast %get3A_435 : vector<1x1x16xf32> to vector<16xf32>
        %add3A_437 = arith.addi %rem3A_250, %scan3A_430 : i32
        %get3A_438 = arith.index_cast %add3A_437 : i32 to index
        %get3A_439 = arith.constant 0 : index
        %get3A_440 = tpu.vector_load %arg7[%get3A_438, %get3A_439] {strides = array<i32>} : memref<400x64xf32, #tpu.memory_space<vmem>>, vector<1x16xf32>,
        %get3A_441 = vector.shape_cast %get3A_440 : vector<1x16xf32> to vector<16xf32>
        %add3A_442 = arith.addf %get3A_436, %get3A_441 : vector<16xf32>
        %swap3A_443 = arith.constant 2 : i32
        %swap3A_444 = arith.index_cast %swap3A_443 : i32 to index
        %swap3A_445 = arith.index_cast %scan3A_430 : i32 to index
        %swap3A_446 = arith.constant 0 : index
        %swap3A_447 = tpu.vector_load %arg9[%swap3A_444, %swap3A_445, %swap3A_446] {strides = array<i32>} : memref<4x128x64xf32, #tpu.memory_space<vmem>>, vector<1x1x16xf32>,
        %swap3A_448 = vector.shape_cast %swap3A_447 : vector<1x1x16xf32> to vector<16xf32>
        %swap3A_449 = vector.shape_cast %add3A_442 : vector<16xf32> to vector<1x1x16xf32>
        tpu.vector_store %arg9[%swap3A_444, %swap3A_445, %swap3A_446], %swap3A_449 {strides = array<i32>} : memref<4x128x64xf32, #tpu.memory_space<vmem>>, vector<1x1x16xf32>,
        %get3A_450 = arith.constant 2 : i32
        %get3A_451 = arith.index_cast %get3A_450 : i32 to index
        %get3A_452 = arith.index_cast %scan3A_430 : i32 to index
        %get3A_453 = arith.constant 16 : index
        %get3A_454 = tpu.vector_load %arg8[%get3A_451, %get3A_452, %get3A_453] {strides = array<i32>} : memref<4x128x64xf32, #tpu.memory_space<vmem>>, vector<1x1x16xf32>,
        %get3A_455 = vector.shape_cast %get3A_454 : vector<1x1x16xf32> to vector<16xf32>
        %add3A_456 = arith.addi %rem3A_250, %scan3A_430 : i32
        %get3A_457 = arith.index_cast %add3A_456 : i32 to index
        %get3A_458 = arith.constant 16 : index
        %get3A_459 = tpu.vector_load %arg7[%get3A_457, %get3A_458] {strides = array<i32>} : memref<400x64xf32, #tpu.memory_space<vmem>>, vector<1x16xf32>,
        %get3A_460 = vector.shape_cast %get3A_459 : vector<1x16xf32> to vector<16xf32>
        %add3A_461 = arith.addf %get3A_455, %get3A_460 : vector<16xf32>
        %swap3A_462 = arith.constant 2 : i32
        %swap3A_463 = arith.index_cast %swap3A_462 : i32 to index
        %swap3A_464 = arith.index_cast %scan3A_430 : i32 to index
        %swap3A_465 = arith.constant 16 : index
        %swap3A_466 = tpu.vector_load %arg9[%swap3A_463, %swap3A_464, %swap3A_465] {strides = array<i32>} : memref<4x128x64xf32, #tpu.memory_space<vmem>>, vector<1x1x16xf32>,
        %swap3A_467 = vector.shape_cast %swap3A_466 : vector<1x1x16xf32> to vector<16xf32>
        %swap3A_468 = vector.shape_cast %add3A_461 : vector<16xf32> to vector<1x1x16xf32>
        tpu.vector_store %arg9[%swap3A_463, %swap3A_464, %swap3A_465], %swap3A_468 {strides = array<i32>} : memref<4x128x64xf32, #tpu.memory_space<vmem>>, vector<1x1x16xf32>,
        %get3A_469 = arith.constant 2 : i32
        %get3A_470 = arith.index_cast %get3A_469 : i32 to index
        %get3A_471 = arith.index_cast %scan3A_430 : i32 to index
        %get3A_472 = arith.constant 32 : index
        %get3A_473 = tpu.vector_load %arg8[%get3A_470, %get3A_471, %get3A_472] {strides = array<i32>} : memref<4x128x64xf32, #tpu.memory_space<vmem>>, vector<1x1x16xf32>,
        %get3A_474 = vector.shape_cast %get3A_473 : vector<1x1x16xf32> to vector<16xf32>
        %add3A_475 = arith.addi %rem3A_250, %scan3A_430 : i32
        %get3A_476 = arith.index_cast %add3A_475 : i32 to index
        %get3A_477 = arith.constant 32 : index
        %get3A_478 = tpu.vector_load %arg7[%get3A_476, %get3A_477] {strides = array<i32>} : memref<400x64xf32, #tpu.memory_space<vmem>>, vector<1x16xf32>,
        %get3A_479 = vector.shape_cast %get3A_478 : vector<1x16xf32> to vector<16xf32>
        %add3A_480 = arith.addf %get3A_474, %get3A_479 : vector<16xf32>
        %swap3A_481 = arith.constant 2 : i32
        %swap3A_482 = arith.index_cast %swap3A_481 : i32 to index
        %swap3A_483 = arith.index_cast %scan3A_430 : i32 to index
        %swap3A_484 = arith.constant 32 : index
        %swap3A_485 = tpu.vector_load %arg9[%swap3A_482, %swap3A_483, %swap3A_484] {strides = array<i32>} : memref<4x128x64xf32, #tpu.memory_space<vmem>>, vector<1x1x16xf32>,
        %swap3A_486 = vector.shape_cast %swap3A_485 : vector<1x1x16xf32> to vector<16xf32>
        %swap3A_487 = vector.shape_cast %add3A_480 : vector<16xf32> to vector<1x1x16xf32>
        tpu.vector_store %arg9[%swap3A_482, %swap3A_483, %swap3A_484], %swap3A_487 {strides = array<i32>} : memref<4x128x64xf32, #tpu.memory_space<vmem>>, vector<1x1x16xf32>,
        %get3A_488 = arith.constant 2 : i32
        %get3A_489 = arith.index_cast %get3A_488 : i32 to index
        %get3A_490 = arith.index_cast %scan3A_430 : i32 to index
        %get3A_491 = arith.constant 48 : index
        %get3A_492 = tpu.vector_load %arg8[%get3A_489, %get3A_490, %get3A_491] {strides = array<i32>} : memref<4x128x64xf32, #tpu.memory_space<vmem>>, vector<1x1x16xf32>,
        %get3A_493 = vector.shape_cast %get3A_492 : vector<1x1x16xf32> to vector<16xf32>
        %add3A_494 = arith.addi %rem3A_250, %scan3A_430 : i32
        %get3A_495 = arith.index_cast %add3A_494 : i32 to index
        %get3A_496 = arith.constant 48 : index
        %get3A_497 = tpu.vector_load %arg7[%get3A_495, %get3A_496] {strides = array<i32>} : memref<400x64xf32, #tpu.memory_space<vmem>>, vector<1x16xf32>,
        %get3A_498 = vector.shape_cast %get3A_497 : vector<1x16xf32> to vector<16xf32>
        %add3A_499 = arith.addf %get3A_493, %get3A_498 : vector<16xf32>
        %swap3A_500 = arith.constant 2 : i32
        %swap3A_501 = arith.index_cast %swap3A_500 : i32 to index
        %swap3A_502 = arith.index_cast %scan3A_430 : i32 to index
        %swap3A_503 = arith.constant 48 : index
        %swap3A_504 = tpu.vector_load %arg9[%swap3A_501, %swap3A_502, %swap3A_503] {strides = array<i32>} : memref<4x128x64xf32, #tpu.memory_space<vmem>>, vector<1x1x16xf32>,
        %swap3A_505 = vector.shape_cast %swap3A_504 : vector<1x1x16xf32> to vector<16xf32>
        %swap3A_506 = vector.shape_cast %add3A_499 : vector<16xf32> to vector<1x1x16xf32>
        tpu.vector_store %arg9[%swap3A_501, %swap3A_502, %swap3A_503], %swap3A_506 {strides = array<i32>} : memref<4x128x64xf32, #tpu.memory_space<vmem>>, vector<1x1x16xf32>,
        %scan3A_507 = arith.constant 2 : i32
        %scan3A_508 = arith.addi %scan3A_354, %scan3A_507 : i32
        %get3A_509 = arith.constant 2 : i32
        %get3A_510 = arith.index_cast %get3A_509 : i32 to index
        %get3A_511 = arith.index_cast %scan3A_508 : i32 to index
        %get3A_512 = arith.constant 0 : index
        %get3A_513 = tpu.vector_load %arg8[%get3A_510, %get3A_511, %get3A_512] {strides = array<i32>} : memref<4x128x64xf32, #tpu.memory_space<vmem>>, vector<1x1x16xf32>,
        %get3A_514 = vector.shape_cast %get3A_513 : vector<1x1x16xf32> to vector<16xf32>
        %add3A_515 = arith.addi %rem3A_250, %scan3A_508 : i32
        %get3A_516 = arith.index_cast %add3A_515 : i32 to index
        %get3A_517 = arith.constant 0 : index
        %get3A_518 = tpu.vector_load %arg7[%get3A_516, %get3A_517] {strides = array<i32>} : memref<400x64xf32, #tpu.memory_space<vmem>>, vector<1x16xf32>,
        %get3A_519 = vector.shape_cast %get3A_518 : vector<1x16xf32> to vector<16xf32>
        %add3A_520 = arith.addf %get3A_514, %get3A_519 : vector<16xf32>
        %swap3A_521 = arith.constant 2 : i32
        %swap3A_522 = arith.index_cast %swap3A_521 : i32 to index
        %swap3A_523 = arith.index_cast %scan3A_508 : i32 to index
        %swap3A_524 = arith.constant 0 : index
        %swap3A_525 = tpu.vector_load %arg9[%swap3A_522, %swap3A_523, %swap3A_524] {strides = array<i32>} : memref<4x128x64xf32, #tpu.memory_space<vmem>>, vector<1x1x16xf32>,
        %swap3A_526 = vector.shape_cast %swap3A_525 : vector<1x1x16xf32> to vector<16xf32>
        %swap3A_527 = vector.shape_cast %add3A_520 : vector<16xf32> to vector<1x1x16xf32>
        tpu.vector_store %arg9[%swap3A_522, %swap3A_523, %swap3A_524], %swap3A_527 {strides = array<i32>} : memref<4x128x64xf32, #tpu.memory_space<vmem>>, vector<1x1x16xf32>,
        %get3A_528 = arith.constant 2 : i32
        %get3A_529 = arith.index_cast %get3A_528 : i32 to index
        %get3A_530 = arith.index_cast %scan3A_508 : i32 to index
        %get3A_531 = arith.constant 16 : index
        %get3A_532 = tpu.vector_load %arg8[%get3A_529, %get3A_530, %get3A_531] {strides = array<i32>} : memref<4x128x64xf32, #tpu.memory_space<vmem>>, vector<1x1x16xf32>,
        %get3A_533 = vector.shape_cast %get3A_532 : vector<1x1x16xf32> to vector<16xf32>
        %add3A_534 = arith.addi %rem3A_250, %scan3A_508 : i32
        %get3A_535 = arith.index_cast %add3A_534 : i32 to index
        %get3A_536 = arith.constant 16 : index
        %get3A_537 = tpu.vector_load %arg7[%get3A_535, %get3A_536] {strides = array<i32>} : memref<400x64xf32, #tpu.memory_space<vmem>>, vector<1x16xf32>,
        %get3A_538 = vector.shape_cast %get3A_537 : vector<1x16xf32> to vector<16xf32>
        %add3A_539 = arith.addf %get3A_533, %get3A_538 : vector<16xf32>
        %swap3A_540 = arith.constant 2 : i32
        %swap3A_541 = arith.index_cast %swap3A_540 : i32 to index
        %swap3A_542 = arith.index_cast %scan3A_508 : i32 to index
        %swap3A_543 = arith.constant 16 : index
        %swap3A_544 = tpu.vector_load %arg9[%swap3A_541, %swap3A_542, %swap3A_543] {strides = array<i32>} : memref<4x128x64xf32, #tpu.memory_space<vmem>>, vector<1x1x16xf32>,
        %swap3A_545 = vector.shape_cast %swap3A_544 : vector<1x1x16xf32> to vector<16xf32>
        %swap3A_546 = vector.shape_cast %add3A_539 : vector<16xf32> to vector<1x1x16xf32>
        tpu.vector_store %arg9[%swap3A_541, %swap3A_542, %swap3A_543], %swap3A_546 {strides = array<i32>} : memref<4x128x64xf32, #tpu.memory_space<vmem>>, vector<1x1x16xf32>,
        %get3A_547 = arith.constant 2 : i32
        %get3A_548 = arith.index_cast %get3A_547 : i32 to index
        %get3A_549 = arith.index_cast %scan3A_508 : i32 to index
        %get3A_550 = arith.constant 32 : index
        %get3A_551 = tpu.vector_load %arg8[%get3A_548, %get3A_549, %get3A_550] {strides = array<i32>} : memref<4x128x64xf32, #tpu.memory_space<vmem>>, vector<1x1x16xf32>,
        %get3A_552 = vector.shape_cast %get3A_551 : vector<1x1x16xf32> to vector<16xf32>
        %add3A_553 = arith.addi %rem3A_250, %scan3A_508 : i32
        %get3A_554 = arith.index_cast %add3A_553 : i32 to index
        %get3A_555 = arith.constant 32 : index
        %get3A_556 = tpu.vector_load %arg7[%get3A_554, %get3A_555] {strides = array<i32>} : memref<400x64xf32, #tpu.memory_space<vmem>>, vector<1x16xf32>,
        %get3A_557 = vector.shape_cast %get3A_556 : vector<1x16xf32> to vector<16xf32>
        %add3A_558 = arith.addf %get3A_552, %get3A_557 : vector<16xf32>
        %swap3A_559 = arith.constant 2 : i32
        %swap3A_560 = arith.index_cast %swap3A_559 : i32 to index
        %swap3A_561 = arith.index_cast %scan3A_508 : i32 to index
        %swap3A_562 = arith.constant 32 : index
        %swap3A_563 = tpu.vector_load %arg9[%swap3A_560, %swap3A_561, %swap3A_562] {strides = array<i32>} : memref<4x128x64xf32, #tpu.memory_space<vmem>>, vector<1x1x16xf32>,
        %swap3A_564 = vector.shape_cast %swap3A_563 : vector<1x1x16xf32> to vector<16xf32>
        %swap3A_565 = vector.shape_cast %add3A_558 : vector<16xf32> to vector<1x1x16xf32>
        tpu.vector_store %arg9[%swap3A_560, %swap3A_561, %swap3A_562], %swap3A_565 {strides = array<i32>} : memref<4x128x64xf32, #tpu.memory_space<vmem>>, vector<1x1x16xf32>,
        %get3A_566 = arith.constant 2 : i32
        %get3A_567 = arith.index_cast %get3A_566 : i32 to index
        %get3A_568 = arith.index_cast %scan3A_508 : i32 to index
        %get3A_569 = arith.constant 48 : index
        %get3A_570 = tpu.vector_load %arg8[%get3A_567, %get3A_568, %get3A_569] {strides = array<i32>} : memref<4x128x64xf32, #tpu.memory_space<vmem>>, vector<1x1x16xf32>,
        %get3A_571 = vector.shape_cast %get3A_570 : vector<1x1x16xf32> to vector<16xf32>
        %add3A_572 = arith.addi %rem3A_250, %scan3A_508 : i32
        %get3A_573 = arith.index_cast %add3A_572 : i32 to index
        %get3A_574 = arith.constant 48 : index
        %get3A_575 = tpu.vector_load %arg7[%get3A_573, %get3A_574] {strides = array<i32>} : memref<400x64xf32, #tpu.memory_space<vmem>>, vector<1x16xf32>,
        %get3A_576 = vector.shape_cast %get3A_575 : vector<1x16xf32> to vector<16xf32>
        %add3A_577 = arith.addf %get3A_571, %get3A_576 : vector<16xf32>
        %swap3A_578 = arith.constant 2 : i32
        %swap3A_579 = arith.index_cast %swap3A_578 : i32 to index
        %swap3A_580 = arith.index_cast %scan3A_508 : i32 to index
        %swap3A_581 = arith.constant 48 : index
        %swap3A_582 = tpu.vector_load %arg9[%swap3A_579, %swap3A_580, %swap3A_581] {strides = array<i32>} : memref<4x128x64xf32, #tpu.memory_space<vmem>>, vector<1x1x16xf32>,
        %swap3A_583 = vector.shape_cast %swap3A_582 : vector<1x1x16xf32> to vector<16xf32>
        %swap3A_584 = vector.shape_cast %add3A_577 : vector<16xf32> to vector<1x1x16xf32>
        tpu.vector_store %arg9[%swap3A_579, %swap3A_580, %swap3A_581], %swap3A_584 {strides = array<i32>} : memref<4x128x64xf32, #tpu.memory_space<vmem>>, vector<1x1x16xf32>,
        %scan3A_585 = arith.constant 3 : i32
        %scan3A_586 = arith.addi %scan3A_354, %scan3A_585 : i32
        %get3A_587 = arith.constant 2 : i32
        %get3A_588 = arith.index_cast %get3A_587 : i32 to index
        %get3A_589 = arith.index_cast %scan3A_586 : i32 to index
        %get3A_590 = arith.constant 0 : index
        %get3A_591 = tpu.vector_load %arg8[%get3A_588, %get3A_589, %get3A_590] {strides = array<i32>} : memref<4x128x64xf32, #tpu.memory_space<vmem>>, vector<1x1x16xf32>,
        %get3A_592 = vector.shape_cast %get3A_591 : vector<1x1x16xf32> to vector<16xf32>
        %add3A_593 = arith.addi %rem3A_250, %scan3A_586 : i32
        %get3A_594 = arith.index_cast %add3A_593 : i32 to index
        %get3A_595 = arith.constant 0 : index
        %get3A_596 = tpu.vector_load %arg7[%get3A_594, %get3A_595] {strides = array<i32>} : memref<400x64xf32, #tpu.memory_space<vmem>>, vector<1x16xf32>,
        %get3A_597 = vector.shape_cast %get3A_596 : vector<1x16xf32> to vector<16xf32>
        %add3A_598 = arith.addf %get3A_592, %get3A_597 : vector<16xf32>
        %swap3A_599 = arith.constant 2 : i32
        %swap3A_600 = arith.index_cast %swap3A_599 : i32 to index
        %swap3A_601 = arith.index_cast %scan3A_586 : i32 to index
        %swap3A_602 = arith.constant 0 : index
        %swap3A_603 = tpu.vector_load %arg9[%swap3A_600, %swap3A_601, %swap3A_602] {strides = array<i32>} : memref<4x128x64xf32, #tpu.memory_space<vmem>>, vector<1x1x16xf32>,
        %swap3A_604 = vector.shape_cast %swap3A_603 : vector<1x1x16xf32> to vector<16xf32>
        %swap3A_605 = vector.shape_cast %add3A_598 : vector<16xf32> to vector<1x1x16xf32>
        tpu.vector_store %arg9[%swap3A_600, %swap3A_601, %swap3A_602], %swap3A_605 {strides = array<i32>} : memref<4x128x64xf32, #tpu.memory_space<vmem>>, vector<1x1x16xf32>,
        %get3A_606 = arith.constant 2 : i32
        %get3A_607 = arith.index_cast %get3A_606 : i32 to index
        %get3A_608 = arith.index_cast %scan3A_586 : i32 to index
        %get3A_609 = arith.constant 16 : index
        %get3A_610 = tpu.vector_load %arg8[%get3A_607, %get3A_608, %get3A_609] {strides = array<i32>} : memref<4x128x64xf32, #tpu.memory_space<vmem>>, vector<1x1x16xf32>,
        %get3A_611 = vector.shape_cast %get3A_610 : vector<1x1x16xf32> to vector<16xf32>
        %add3A_612 = arith.addi %rem3A_250, %scan3A_586 : i32
        %get3A_613 = arith.index_cast %add3A_612 : i32 to index
        %get3A_614 = arith.constant 16 : index
        %get3A_615 = tpu.vector_load %arg7[%get3A_613, %get3A_614] {strides = array<i32>} : memref<400x64xf32, #tpu.memory_space<vmem>>, vector<1x16xf32>,
        %get3A_616 = vector.shape_cast %get3A_615 : vector<1x16xf32> to vector<16xf32>
        %add3A_617 = arith.addf %get3A_611, %get3A_616 : vector<16xf32>
        %swap3A_618 = arith.constant 2 : i32
        %swap3A_619 = arith.index_cast %swap3A_618 : i32 to index
        %swap3A_620 = arith.index_cast %scan3A_586 : i32 to index
        %swap3A_621 = arith.constant 16 : index
        %swap3A_622 = tpu.vector_load %arg9[%swap3A_619, %swap3A_620, %swap3A_621] {strides = array<i32>} : memref<4x128x64xf32, #tpu.memory_space<vmem>>, vector<1x1x16xf32>,
        %swap3A_623 = vector.shape_cast %swap3A_622 : vector<1x1x16xf32> to vector<16xf32>
        %swap3A_624 = vector.shape_cast %add3A_617 : vector<16xf32> to vector<1x1x16xf32>
        tpu.vector_store %arg9[%swap3A_619, %swap3A_620, %swap3A_621], %swap3A_624 {strides = array<i32>} : memref<4x128x64xf32, #tpu.memory_space<vmem>>, vector<1x1x16xf32>,
        %get3A_625 = arith.constant 2 : i32
        %get3A_626 = arith.index_cast %get3A_625 : i32 to index
        %get3A_627 = arith.index_cast %scan3A_586 : i32 to index
        %get3A_628 = arith.constant 32 : index
        %get3A_629 = tpu.vector_load %arg8[%get3A_626, %get3A_627, %get3A_628] {strides = array<i32>} : memref<4x128x64xf32, #tpu.memory_space<vmem>>, vector<1x1x16xf32>,
        %get3A_630 = vector.shape_cast %get3A_629 : vector<1x1x16xf32> to vector<16xf32>
        %add3A_631 = arith.addi %rem3A_250, %scan3A_586 : i32
        %get3A_632 = arith.index_cast %add3A_631 : i32 to index
        %get3A_633 = arith.constant 32 : index
        %get3A_634 = tpu.vector_load %arg7[%get3A_632, %get3A_633] {strides = array<i32>} : memref<400x64xf32, #tpu.memory_space<vmem>>, vector<1x16xf32>,
        %get3A_635 = vector.shape_cast %get3A_634 : vector<1x16xf32> to vector<16xf32>
        %add3A_636 = arith.addf %get3A_630, %get3A_635 : vector<16xf32>
        %swap3A_637 = arith.constant 2 : i32
        %swap3A_638 = arith.index_cast %swap3A_637 : i32 to index
        %swap3A_639 = arith.index_cast %scan3A_586 : i32 to index
        %swap3A_640 = arith.constant 32 : index
        %swap3A_641 = tpu.vector_load %arg9[%swap3A_638, %swap3A_639, %swap3A_640] {strides = array<i32>} : memref<4x128x64xf32, #tpu.memory_space<vmem>>, vector<1x1x16xf32>,
        %swap3A_642 = vector.shape_cast %swap3A_641 : vector<1x1x16xf32> to vector<16xf32>
        %swap3A_643 = vector.shape_cast %add3A_636 : vector<16xf32> to vector<1x1x16xf32>
        tpu.vector_store %arg9[%swap3A_638, %swap3A_639, %swap3A_640], %swap3A_643 {strides = array<i32>} : memref<4x128x64xf32, #tpu.memory_space<vmem>>, vector<1x1x16xf32>,
        %get3A_644 = arith.constant 2 : i32
        %get3A_645 = arith.index_cast %get3A_644 : i32 to index
        %get3A_646 = arith.index_cast %scan3A_586 : i32 to index
        %get3A_647 = arith.constant 48 : index
        %get3A_648 = tpu.vector_load %arg8[%get3A_645, %get3A_646, %get3A_647] {strides = array<i32>} : memref<4x128x64xf32, #tpu.memory_space<vmem>>, vector<1x1x16xf32>,
        %get3A_649 = vector.shape_cast %get3A_648 : vector<1x1x16xf32> to vector<16xf32>
        %add3A_650 = arith.addi %rem3A_250, %scan3A_586 : i32
        %get3A_651 = arith.index_cast %add3A_650 : i32 to index
        %get3A_652 = arith.constant 48 : index
        %get3A_653 = tpu.vector_load %arg7[%get3A_651, %get3A_652] {strides = array<i32>} : memref<400x64xf32, #tpu.memory_space<vmem>>, vector<1x16xf32>,
        %get3A_654 = vector.shape_cast %get3A_653 : vector<1x16xf32> to vector<16xf32>
        %add3A_655 = arith.addf %get3A_649, %get3A_654 : vector<16xf32>
        %swap3A_656 = arith.constant 2 : i32
        %swap3A_657 = arith.index_cast %swap3A_656 : i32 to index
        %swap3A_658 = arith.index_cast %scan3A_586 : i32 to index
        %swap3A_659 = arith.constant 48 : index
        %swap3A_660 = tpu.vector_load %arg9[%swap3A_657, %swap3A_658, %swap3A_659] {strides = array<i32>} : memref<4x128x64xf32, #tpu.memory_space<vmem>>, vector<1x1x16xf32>,
        %swap3A_661 = vector.shape_cast %swap3A_660 : vector<1x1x16xf32> to vector<16xf32>
        %swap3A_662 = vector.shape_cast %add3A_655 : vector<16xf32> to vector<1x1x16xf32>
        tpu.vector_store %arg9[%swap3A_657, %swap3A_658, %swap3A_659], %swap3A_662 {strides = array<i32>} : memref<4x128x64xf32, #tpu.memory_space<vmem>>, vector<1x1x16xf32>,
      }
      %scan3A_275 = arith.constant 128 : i32
      %dma_start3A_276 = arith.constant 2 : i32
      %dma_start3A_277 = arith.constant 2 : i32
      %dma_start3A_278 = arith.constant 0 : i32
      %dma_start3A_279 = arith.constant 0 : i32
      %dma_start3A_280 = tpu.memref_slice %arg9[%dma_start3A_276, %dma_start3A_278, %dma_start3A_279] : memref<4x128x64xf32, #tpu.memory_space<vmem>> -> memref<1x128x64xf32, #tpu.memory_space<vmem>>
      %dma_start3A_281 = tpu.memref_squeeze %dma_start3A_280 : memref<1x128x64xf32, #tpu.memory_space<vmem>> -> memref<128x64xf32, #tpu.memory_space<vmem>>
      %dma_start3A_282 = arith.constant 0 : i32
      %dma_start3A_283 = tpu.memref_slice %arg5[%add3A_246, %dma_start3A_282] : memref<819200x64xf32, #tpu.memory_space<hbm>> -> memref<128x64xf32, #tpu.memory_space<hbm>>
      %dma_start3A_284 = tpu.memref_slice %arg11[%dma_start3A_277] : memref<4x!tpu.dma_semaphore, #tpu.memory_space<semaphore_mem>> -> memref<1x!tpu.dma_semaphore, #tpu.memory_space<semaphore_mem>>
      %dma_start3A_285 = tpu.memref_squeeze %dma_start3A_284 : memref<1x!tpu.dma_semaphore, #tpu.memory_space<semaphore_mem>> -> memref<!tpu.dma_semaphore, #tpu.memory_space<semaphore_mem>>
      %dma_start3A_286 = arith.constant 0 : i32
      %dma_start3A_287 = tpu.memref_slice %arg5[%add3A_246, %dma_start3A_286] : memref<819200x64xf32, #tpu.memory_space<hbm>> -> memref<128x64xf32, #tpu.memory_space<hbm>>
      %dma_start3A_288 = arith.constant 0 : i32
      %dma_start3A_289 = arith.constant 0 : i32
      %dma_start3A_290 = tpu.memref_slice %arg9[%dma_start3A_276, %dma_start3A_288, %dma_start3A_289] : memref<4x128x64xf32, #tpu.memory_space<vmem>> -> memref<1x128x64xf32, #tpu.memory_space<vmem>>
      %dma_start3A_291 = tpu.memref_squeeze %dma_start3A_290 : memref<1x128x64xf32, #tpu.memory_space<vmem>> -> memref<128x64xf32, #tpu.memory_space<vmem>>
      tpu.enqueue_dma source(%dma_start3A_291 : memref<128x64xf32, #tpu.memory_space<vmem>>) target(%dma_start3A_287 : memref<128x64xf32, #tpu.memory_space<hbm>>) target_semaphore(%dma_start3A_285 : memref<!tpu.dma_semaphore, #tpu.memory_space<semaphore_mem>>)
      %lt3A_292 = arith.constant 49 : i32
      %lt3A_293 = arith.cmpi slt, %scan3A_130, %lt3A_292 : i32
      %convert_element_type3A_294 = arith.extui %lt3A_293 : i1 to i32
      %cond3A_295 = arith.constant 0 : i32
      %cond3A_296 = arith.cmpi ne, %convert_element_type3A_294, %cond3A_295 : i32
      scf.if %cond3A_296 {
        %add3A_354 = arith.constant 4 : i32
        %add3A_355 = arith.addi %add3A_243, %add3A_354 : i32
        %mul3A_356 = arith.constant 128 : i32
        %mul3A_357 = arith.muli %add3A_355, %mul3A_356 : i32
        %dma_start3A_358 = arith.constant 2 : i32
        %dma_start3A_359 = arith.constant 2 : i32
        %dma_start3A_360 = arith.constant 0 : i32
        %dma_start3A_361 = arith.constant 0 : i32
        %dma_start3A_362 = tpu.memref_slice %arg8[%dma_start3A_358, %dma_start3A_360, %dma_start3A_361] : memref<4x128x64xf32, #tpu.memory_space<vmem>> -> memref<1x128x64xf32, #tpu.memory_space<vmem>>
        %dma_start3A_363 = tpu.memref_squeeze %dma_start3A_362 : memref<1x128x64xf32, #tpu.memory_space<vmem>> -> memref<128x64xf32, #tpu.memory_space<vmem>>
        %dma_start3A_364 = tpu.memref_slice %arg6[%mul3A_357] : memref<25600xi32, #tpu.memory_space<vmem>> -> memref<128xi32, #tpu.memory_space<vmem>>
        %dma_start3A_365 = arith.constant 0 : i32
        %dma_start3A_366 = arith.constant 0 : i32
        %dma_start3A_367 = tpu.memref_slice %arg4[%dma_start3A_365, %dma_start3A_366] : memref<100000x64xf32, #tpu.memory_space<hbm>> -> memref<100000x64xf32, #tpu.memory_space<hbm>>
        %dma_start3A_368 = tpu.memref_slice %arg10[%dma_start3A_359] : memref<4x!tpu.dma_semaphore, #tpu.memory_space<semaphore_mem>> -> memref<1x!tpu.dma_semaphore, #tpu.memory_space<semaphore_mem>>
        %dma_start3A_369 = tpu.memref_squeeze %dma_start3A_368 : memref<1x!tpu.dma_semaphore, #tpu.memory_space<semaphore_mem>> -> memref<!tpu.dma_semaphore, #tpu.memory_space<semaphore_mem>>
        tpu.enqueue_indirect_dma source(%dma_start3A_367 : memref<100000x64xf32, #tpu.memory_space<hbm>>) target(%dma_start3A_363 : memref<128x64xf32, #tpu.memory_space<vmem>>) offsets(%dma_start3A_364 : memref<128xi32, #tpu.memory_space<vmem>>) semaphore(%dma_start3A_369 : memref<!tpu.dma_semaphore, #tpu.memory_space<semaphore_mem>>)
      } else {
      }
      %mul3A_297 = arith.constant 4 : i32
      %mul3A_298 = arith.muli %scan3A_130, %mul3A_297 : i32
      %add3A_299 = arith.constant 3 : i32
      %add3A_300 = arith.addi %mul3A_298, %add3A_299 : i32
      %mul3A_301 = arith.constant 128 : i32
      %mul3A_302 = arith.muli %add3A_300, %mul3A_301 : i32
      %add3A_303 = arith.addi %mul3A_2, %mul3A_302 : i32
      %mul3A_304 = arith.constant 128 : i32
      %mul3A_305 = arith.muli %add3A_300, %mul3A_304 : i32
      %rem3A_306 = arith.constant 200 : i32
      %rem3A_307 = arith.remsi %mul3A_305, %rem3A_306 : i32
      %mul3A_308 = arith.constant 128 : i32
      %mul3A_309 = arith.muli %add3A_300, %mul3A_308 : i32
      %dma_wait3A_310 = arith.constant 3 : i32
      %dma_wait3A_311 = arith.constant 3 : i32
      %dma_wait3A_312 = arith.constant 0 : i32
      %dma_wait3A_313 = arith.constant 0 : i32
      %dma_wait3A_314 = tpu.memref_slice %arg8[%dma_wait3A_310, %dma_wait3A_312, %dma_wait3A_313] : memref<4x128x64xf32, #tpu.memory_space<vmem>> -> memref<1x128x64xf32, #tpu.memory_space<vmem>>
      %dma_wait3A_315 = tpu.memref_squeeze %dma_wait3A_314 : memref<1x128x64xf32, #tpu.memory_space<vmem>> -> memref<128x64xf32, #tpu.memory_space<vmem>>
      %dma_wait3A_316 = tpu.memref_slice %arg6[%mul3A_309] : memref<25600xi32, #tpu.memory_space<vmem>> -> memref<128xi32, #tpu.memory_space<vmem>>
      %dma_wait3A_317 = arith.constant 0 : i32
      %dma_wait3A_318 = arith.constant 0 : i32
      %dma_wait3A_319 = tpu.memref_slice %arg4[%dma_wait3A_317, %dma_wait3A_318] : memref<100000x64xf32, #tpu.memory_space<hbm>> -> memref<100000x64xf32, #tpu.memory_space<hbm>>
      %dma_wait3A_320 = tpu.memref_slice %arg10[%dma_wait3A_311] : memref<4x!tpu.dma_semaphore, #tpu.memory_space<semaphore_mem>> -> memref<1x!tpu.dma_semaphore, #tpu.memory_space<semaphore_mem>>
      %dma_wait3A_321 = tpu.memref_squeeze %dma_wait3A_320 : memref<1x!tpu.dma_semaphore, #tpu.memory_space<semaphore_mem>> -> memref<!tpu.dma_semaphore, #tpu.memory_space<semaphore_mem>>
      tpu.wait_indirect_dma semaphore(%dma_wait3A_321 : memref<!tpu.dma_semaphore, #tpu.memory_space<semaphore_mem>>) src(%dma_wait3A_319 : memref<100000x64xf32, #tpu.memory_space<hbm>>) dst(%dma_wait3A_315 : memref<128x64xf32, #tpu.memory_space<vmem>>)
      %gt3A_322 = arith.constant 0 : i32
      %gt3A_323 = arith.cmpi sgt, %scan3A_130, %gt3A_322 : i32
      %convert_element_type3A_324 = arith.extui %gt3A_323 : i1 to i32
      %cond3A_325 = arith.constant 0 : i32
      %cond3A_326 = arith.cmpi ne, %convert_element_type3A_324, %cond3A_325 : i32
      scf.if %cond3A_326 {
        %dma_wait3A_354 = arith.constant 3 : i32
        %dma_wait3A_355 = arith.constant 3 : i32
        %dma_wait3A_356 = arith.constant 0 : i32
        %dma_wait3A_357 = arith.constant 0 : i32
        %dma_wait3A_358 = tpu.memref_slice %arg9[%dma_wait3A_354, %dma_wait3A_356, %dma_wait3A_357] : memref<4x128x64xf32, #tpu.memory_space<vmem>> -> memref<1x128x64xf32, #tpu.memory_space<vmem>>
        %dma_wait3A_359 = tpu.memref_squeeze %dma_wait3A_358 : memref<1x128x64xf32, #tpu.memory_space<vmem>> -> memref<128x64xf32, #tpu.memory_space<vmem>>
        %dma_wait3A_360 = arith.constant 0 : i32
        %dma_wait3A_361 = tpu.memref_slice %arg5[%add3A_303, %dma_wait3A_360] : memref<819200x64xf32, #tpu.memory_space<hbm>> -> memref<128x64xf32, #tpu.memory_space<hbm>>
        %dma_wait3A_362 = tpu.memref_slice %arg11[%dma_wait3A_355] : memref<4x!tpu.dma_semaphore, #tpu.memory_space<semaphore_mem>> -> memref<1x!tpu.dma_semaphore, #tpu.memory_space<semaphore_mem>>
        %dma_wait3A_363 = tpu.memref_squeeze %dma_wait3A_362 : memref<1x!tpu.dma_semaphore, #tpu.memory_space<semaphore_mem>> -> memref<!tpu.dma_semaphore, #tpu.memory_space<semaphore_mem>>
        %dma_wait3A_364 = arith.constant 0 : i32
        %dma_wait3A_365 = tpu.memref_slice %arg5[%add3A_303, %dma_wait3A_364] : memref<819200x64xf32, #tpu.memory_space<hbm>> -> memref<128x64xf32, #tpu.memory_space<hbm>>
        %dma_wait3A_366 = arith.constant 0 : i32
        %dma_wait3A_367 = arith.constant 0 : i32
        %dma_wait3A_368 = tpu.memref_slice %arg9[%dma_wait3A_354, %dma_wait3A_366, %dma_wait3A_367] : memref<4x128x64xf32, #tpu.memory_space<vmem>> -> memref<1x128x64xf32, #tpu.memory_space<vmem>>
        %dma_wait3A_369 = tpu.memref_squeeze %dma_wait3A_368 : memref<1x128x64xf32, #tpu.memory_space<vmem>> -> memref<128x64xf32, #tpu.memory_space<vmem>>
        tpu.wait_dma2 semaphore(%dma_wait3A_363 : memref<!tpu.dma_semaphore, #tpu.memory_space<semaphore_mem>>) src(%dma_wait3A_369 : memref<128x64xf32, #tpu.memory_space<vmem>>) dst(%dma_wait3A_365 : memref<128x64xf32, #tpu.memory_space<hbm>>)
      } else {
      }
      %scan3A_327 = arith.constant 0 : i32
      %scan3A_328 = arith.constant 0 : i32
      %scan3A_329 = arith.constant 128 : i32
      %scan3A_330 = arith.addi %scan3A_328, %scan3A_329 : i32
      %scan3A_331 = arith.constant 4 : i32
      scf.for %scan3A_354 = %scan3A_328 to %scan3A_330 step %scan3A_331  : i32 {
        %get3A = arith.constant 3 : i32
        %get3A_355 = arith.index_cast %get3A : i32 to index
        %get3A_356 = arith.index_cast %scan3A_354 : i32 to index
        %get3A_357 = arith.constant 0 : index
        %get3A_358 = tpu.vector_load %arg8[%get3A_355, %get3A_356, %get3A_357] {strides = array<i32>} : memref<4x128x64xf32, #tpu.memory_space<vmem>>, vector<1x1x16xf32>,
        %get3A_359 = vector.shape_cast %get3A_358 : vector<1x1x16xf32> to vector<16xf32>
        %add3A_360 = arith.addi %rem3A_307, %scan3A_354 : i32
        %get3A_361 = arith.index_cast %add3A_360 : i32 to index
        %get3A_362 = arith.constant 0 : index
        %get3A_363 = tpu.vector_load %arg7[%get3A_361, %get3A_362] {strides = array<i32>} : memref<400x64xf32, #tpu.memory_space<vmem>>, vector<1x16xf32>,
        %get3A_364 = vector.shape_cast %get3A_363 : vector<1x16xf32> to vector<16xf32>
        %add3A_365 = arith.addf %get3A_359, %get3A_364 : vector<16xf32>
        %swap3A = arith.constant 3 : i32
        %swap3A_366 = arith.index_cast %swap3A : i32 to index
        %swap3A_367 = arith.index_cast %scan3A_354 : i32 to index
        %swap3A_368 = arith.constant 0 : index
        %swap3A_369 = tpu.vector_load %arg9[%swap3A_366, %swap3A_367, %swap3A_368] {strides = array<i32>} : memref<4x128x64xf32, #tpu.memory_space<vmem>>, vector<1x1x16xf32>,
        %swap3A_370 = vector.shape_cast %swap3A_369 : vector<1x1x16xf32> to vector<16xf32>
        %swap3A_371 = vector.shape_cast %add3A_365 : vector<16xf32> to vector<1x1x16xf32>
        tpu.vector_store %arg9[%swap3A_366, %swap3A_367, %swap3A_368], %swap3A_371 {strides = array<i32>} : memref<4x128x64xf32, #tpu.memory_space<vmem>>, vector<1x1x16xf32>,
        %get3A_372 = arith.constant 3 : i32
        %get3A_373 = arith.index_cast %get3A_372 : i32 to index
        %get3A_374 = arith.index_cast %scan3A_354 : i32 to index
        %get3A_375 = arith.constant 16 : index
        %get3A_376 = tpu.vector_load %arg8[%get3A_373, %get3A_374, %get3A_375] {strides = array<i32>} : memref<4x128x64xf32, #tpu.memory_space<vmem>>, vector<1x1x16xf32>,
        %get3A_377 = vector.shape_cast %get3A_376 : vector<1x1x16xf32> to vector<16xf32>
        %add3A_378 = arith.addi %rem3A_307, %scan3A_354 : i32
        %get3A_379 = arith.index_cast %add3A_378 : i32 to index
        %get3A_380 = arith.constant 16 : index
        %get3A_381 = tpu.vector_load %arg7[%get3A_379, %get3A_380] {strides = array<i32>} : memref<400x64xf32, #tpu.memory_space<vmem>>, vector<1x16xf32>,
        %get3A_382 = vector.shape_cast %get3A_381 : vector<1x16xf32> to vector<16xf32>
        %add3A_383 = arith.addf %get3A_377, %get3A_382 : vector<16xf32>
        %swap3A_384 = arith.constant 3 : i32
        %swap3A_385 = arith.index_cast %swap3A_384 : i32 to index
        %swap3A_386 = arith.index_cast %scan3A_354 : i32 to index
        %swap3A_387 = arith.constant 16 : index
        %swap3A_388 = tpu.vector_load %arg9[%swap3A_385, %swap3A_386, %swap3A_387] {strides = array<i32>} : memref<4x128x64xf32, #tpu.memory_space<vmem>>, vector<1x1x16xf32>,
        %swap3A_389 = vector.shape_cast %swap3A_388 : vector<1x1x16xf32> to vector<16xf32>
        %swap3A_390 = vector.shape_cast %add3A_383 : vector<16xf32> to vector<1x1x16xf32>
        tpu.vector_store %arg9[%swap3A_385, %swap3A_386, %swap3A_387], %swap3A_390 {strides = array<i32>} : memref<4x128x64xf32, #tpu.memory_space<vmem>>, vector<1x1x16xf32>,
        %get3A_391 = arith.constant 3 : i32
        %get3A_392 = arith.index_cast %get3A_391 : i32 to index
        %get3A_393 = arith.index_cast %scan3A_354 : i32 to index
        %get3A_394 = arith.constant 32 : index
        %get3A_395 = tpu.vector_load %arg8[%get3A_392, %get3A_393, %get3A_394] {strides = array<i32>} : memref<4x128x64xf32, #tpu.memory_space<vmem>>, vector<1x1x16xf32>,
        %get3A_396 = vector.shape_cast %get3A_395 : vector<1x1x16xf32> to vector<16xf32>
        %add3A_397 = arith.addi %rem3A_307, %scan3A_354 : i32
        %get3A_398 = arith.index_cast %add3A_397 : i32 to index
        %get3A_399 = arith.constant 32 : index
        %get3A_400 = tpu.vector_load %arg7[%get3A_398, %get3A_399] {strides = array<i32>} : memref<400x64xf32, #tpu.memory_space<vmem>>, vector<1x16xf32>,
        %get3A_401 = vector.shape_cast %get3A_400 : vector<1x16xf32> to vector<16xf32>
        %add3A_402 = arith.addf %get3A_396, %get3A_401 : vector<16xf32>
        %swap3A_403 = arith.constant 3 : i32
        %swap3A_404 = arith.index_cast %swap3A_403 : i32 to index
        %swap3A_405 = arith.index_cast %scan3A_354 : i32 to index
        %swap3A_406 = arith.constant 32 : index
        %swap3A_407 = tpu.vector_load %arg9[%swap3A_404, %swap3A_405, %swap3A_406] {strides = array<i32>} : memref<4x128x64xf32, #tpu.memory_space<vmem>>, vector<1x1x16xf32>,
        %swap3A_408 = vector.shape_cast %swap3A_407 : vector<1x1x16xf32> to vector<16xf32>
        %swap3A_409 = vector.shape_cast %add3A_402 : vector<16xf32> to vector<1x1x16xf32>
        tpu.vector_store %arg9[%swap3A_404, %swap3A_405, %swap3A_406], %swap3A_409 {strides = array<i32>} : memref<4x128x64xf32, #tpu.memory_space<vmem>>, vector<1x1x16xf32>,
        %get3A_410 = arith.constant 3 : i32
        %get3A_411 = arith.index_cast %get3A_410 : i32 to index
        %get3A_412 = arith.index_cast %scan3A_354 : i32 to index
        %get3A_413 = arith.constant 48 : index
        %get3A_414 = tpu.vector_load %arg8[%get3A_411, %get3A_412, %get3A_413] {strides = array<i32>} : memref<4x128x64xf32, #tpu.memory_space<vmem>>, vector<1x1x16xf32>,
        %get3A_415 = vector.shape_cast %get3A_414 : vector<1x1x16xf32> to vector<16xf32>
        %add3A_416 = arith.addi %rem3A_307, %scan3A_354 : i32
        %get3A_417 = arith.index_cast %add3A_416 : i32 to index
        %get3A_418 = arith.constant 48 : index
        %get3A_419 = tpu.vector_load %arg7[%get3A_417, %get3A_418] {strides = array<i32>} : memref<400x64xf32, #tpu.memory_space<vmem>>, vector<1x16xf32>,
        %get3A_420 = vector.shape_cast %get3A_419 : vector<1x16xf32> to vector<16xf32>
        %add3A_421 = arith.addf %get3A_415, %get3A_420 : vector<16xf32>
        %swap3A_422 = arith.constant 3 : i32
        %swap3A_423 = arith.index_cast %swap3A_422 : i32 to index
        %swap3A_424 = arith.index_cast %scan3A_354 : i32 to index
        %swap3A_425 = arith.constant 48 : index
        %swap3A_426 = tpu.vector_load %arg9[%swap3A_423, %swap3A_424, %swap3A_425] {strides = array<i32>} : memref<4x128x64xf32, #tpu.memory_space<vmem>>, vector<1x1x16xf32>,
        %swap3A_427 = vector.shape_cast %swap3A_426 : vector<1x1x16xf32> to vector<16xf32>
        %swap3A_428 = vector.shape_cast %add3A_421 : vector<16xf32> to vector<1x1x16xf32>
        tpu.vector_store %arg9[%swap3A_423, %swap3A_424, %swap3A_425], %swap3A_428 {strides = array<i32>} : memref<4x128x64xf32, #tpu.memory_space<vmem>>, vector<1x1x16xf32>,
        %scan3A_429 = arith.constant 1 : i32
        %scan3A_430 = arith.addi %scan3A_354, %scan3A_429 : i32
        %get3A_431 = arith.constant 3 : i32
        %get3A_432 = arith.index_cast %get3A_431 : i32 to index
        %get3A_433 = arith.index_cast %scan3A_430 : i32 to index
        %get3A_434 = arith.constant 0 : index
        %get3A_435 = tpu.vector_load %arg8[%get3A_432, %get3A_433, %get3A_434] {strides = array<i32>} : memref<4x128x64xf32, #tpu.memory_space<vmem>>, vector<1x1x16xf32>,
        %get3A_436 = vector.shape_cast %get3A_435 : vector<1x1x16xf32> to vector<16xf32>
        %add3A_437 = arith.addi %rem3A_307, %scan3A_430 : i32
        %get3A_438 = arith.index_cast %add3A_437 : i32 to index
        %get3A_439 = arith.constant 0 : index
        %get3A_440 = tpu.vector_load %arg7[%get3A_438, %get3A_439] {strides = array<i32>} : memref<400x64xf32, #tpu.memory_space<vmem>>, vector<1x16xf32>,
        %get3A_441 = vector.shape_cast %get3A_440 : vector<1x16xf32> to vector<16xf32>
        %add3A_442 = arith.addf %get3A_436, %get3A_441 : vector<16xf32>
        %swap3A_443 = arith.constant 3 : i32
        %swap3A_444 = arith.index_cast %swap3A_443 : i32 to index
        %swap3A_445 = arith.index_cast %scan3A_430 : i32 to index
        %swap3A_446 = arith.constant 0 : index
        %swap3A_447 = tpu.vector_load %arg9[%swap3A_444, %swap3A_445, %swap3A_446] {strides = array<i32>} : memref<4x128x64xf32, #tpu.memory_space<vmem>>, vector<1x1x16xf32>,
        %swap3A_448 = vector.shape_cast %swap3A_447 : vector<1x1x16xf32> to vector<16xf32>
        %swap3A_449 = vector.shape_cast %add3A_442 : vector<16xf32> to vector<1x1x16xf32>
        tpu.vector_store %arg9[%swap3A_444, %swap3A_445, %swap3A_446], %swap3A_449 {strides = array<i32>} : memref<4x128x64xf32, #tpu.memory_space<vmem>>, vector<1x1x16xf32>,
        %get3A_450 = arith.constant 3 : i32
        %get3A_451 = arith.index_cast %get3A_450 : i32 to index
        %get3A_452 = arith.index_cast %scan3A_430 : i32 to index
        %get3A_453 = arith.constant 16 : index
        %get3A_454 = tpu.vector_load %arg8[%get3A_451, %get3A_452, %get3A_453] {strides = array<i32>} : memref<4x128x64xf32, #tpu.memory_space<vmem>>, vector<1x1x16xf32>,
        %get3A_455 = vector.shape_cast %get3A_454 : vector<1x1x16xf32> to vector<16xf32>
        %add3A_456 = arith.addi %rem3A_307, %scan3A_430 : i32
        %get3A_457 = arith.index_cast %add3A_456 : i32 to index
        %get3A_458 = arith.constant 16 : index
        %get3A_459 = tpu.vector_load %arg7[%get3A_457, %get3A_458] {strides = array<i32>} : memref<400x64xf32, #tpu.memory_space<vmem>>, vector<1x16xf32>,
        %get3A_460 = vector.shape_cast %get3A_459 : vector<1x16xf32> to vector<16xf32>
        %add3A_461 = arith.addf %get3A_455, %get3A_460 : vector<16xf32>
        %swap3A_462 = arith.constant 3 : i32
        %swap3A_463 = arith.index_cast %swap3A_462 : i32 to index
        %swap3A_464 = arith.index_cast %scan3A_430 : i32 to index
        %swap3A_465 = arith.constant 16 : index
        %swap3A_466 = tpu.vector_load %arg9[%swap3A_463, %swap3A_464, %swap3A_465] {strides = array<i32>} : memref<4x128x64xf32, #tpu.memory_space<vmem>>, vector<1x1x16xf32>,
        %swap3A_467 = vector.shape_cast %swap3A_466 : vector<1x1x16xf32> to vector<16xf32>
        %swap3A_468 = vector.shape_cast %add3A_461 : vector<16xf32> to vector<1x1x16xf32>
        tpu.vector_store %arg9[%swap3A_463, %swap3A_464, %swap3A_465], %swap3A_468 {strides = array<i32>} : memref<4x128x64xf32, #tpu.memory_space<vmem>>, vector<1x1x16xf32>,
        %get3A_469 = arith.constant 3 : i32
        %get3A_470 = arith.index_cast %get3A_469 : i32 to index
        %get3A_471 = arith.index_cast %scan3A_430 : i32 to index
        %get3A_472 = arith.constant 32 : index
        %get3A_473 = tpu.vector_load %arg8[%get3A_470, %get3A_471, %get3A_472] {strides = array<i32>} : memref<4x128x64xf32, #tpu.memory_space<vmem>>, vector<1x1x16xf32>,
        %get3A_474 = vector.shape_cast %get3A_473 : vector<1x1x16xf32> to vector<16xf32>
        %add3A_475 = arith.addi %rem3A_307, %scan3A_430 : i32
        %get3A_476 = arith.index_cast %add3A_475 : i32 to index
        %get3A_477 = arith.constant 32 : index
        %get3A_478 = tpu.vector_load %arg7[%get3A_476, %get3A_477] {strides = array<i32>} : memref<400x64xf32, #tpu.memory_space<vmem>>, vector<1x16xf32>,
        %get3A_479 = vector.shape_cast %get3A_478 : vector<1x16xf32> to vector<16xf32>
        %add3A_480 = arith.addf %get3A_474, %get3A_479 : vector<16xf32>
        %swap3A_481 = arith.constant 3 : i32
        %swap3A_482 = arith.index_cast %swap3A_481 : i32 to index
        %swap3A_483 = arith.index_cast %scan3A_430 : i32 to index
        %swap3A_484 = arith.constant 32 : index
        %swap3A_485 = tpu.vector_load %arg9[%swap3A_482, %swap3A_483, %swap3A_484] {strides = array<i32>} : memref<4x128x64xf32, #tpu.memory_space<vmem>>, vector<1x1x16xf32>,
        %swap3A_486 = vector.shape_cast %swap3A_485 : vector<1x1x16xf32> to vector<16xf32>
        %swap3A_487 = vector.shape_cast %add3A_480 : vector<16xf32> to vector<1x1x16xf32>
        tpu.vector_store %arg9[%swap3A_482, %swap3A_483, %swap3A_484], %swap3A_487 {strides = array<i32>} : memref<4x128x64xf32, #tpu.memory_space<vmem>>, vector<1x1x16xf32>,
        %get3A_488 = arith.constant 3 : i32
        %get3A_489 = arith.index_cast %get3A_488 : i32 to index
        %get3A_490 = arith.index_cast %scan3A_430 : i32 to index
        %get3A_491 = arith.constant 48 : index
        %get3A_492 = tpu.vector_load %arg8[%get3A_489, %get3A_490, %get3A_491] {strides = array<i32>} : memref<4x128x64xf32, #tpu.memory_space<vmem>>, vector<1x1x16xf32>,
        %get3A_493 = vector.shape_cast %get3A_492 : vector<1x1x16xf32> to vector<16xf32>
        %add3A_494 = arith.addi %rem3A_307, %scan3A_430 : i32
        %get3A_495 = arith.index_cast %add3A_494 : i32 to index
        %get3A_496 = arith.constant 48 : index
        %get3A_497 = tpu.vector_load %arg7[%get3A_495, %get3A_496] {strides = array<i32>} : memref<400x64xf32, #tpu.memory_space<vmem>>, vector<1x16xf32>,
        %get3A_498 = vector.shape_cast %get3A_497 : vector<1x16xf32> to vector<16xf32>
        %add3A_499 = arith.addf %get3A_493, %get3A_498 : vector<16xf32>
        %swap3A_500 = arith.constant 3 : i32
        %swap3A_501 = arith.index_cast %swap3A_500 : i32 to index
        %swap3A_502 = arith.index_cast %scan3A_430 : i32 to index
        %swap3A_503 = arith.constant 48 : index
        %swap3A_504 = tpu.vector_load %arg9[%swap3A_501, %swap3A_502, %swap3A_503] {strides = array<i32>} : memref<4x128x64xf32, #tpu.memory_space<vmem>>, vector<1x1x16xf32>,
        %swap3A_505 = vector.shape_cast %swap3A_504 : vector<1x1x16xf32> to vector<16xf32>
        %swap3A_506 = vector.shape_cast %add3A_499 : vector<16xf32> to vector<1x1x16xf32>
        tpu.vector_store %arg9[%swap3A_501, %swap3A_502, %swap3A_503], %swap3A_506 {strides = array<i32>} : memref<4x128x64xf32, #tpu.memory_space<vmem>>, vector<1x1x16xf32>,
        %scan3A_507 = arith.constant 2 : i32
        %scan3A_508 = arith.addi %scan3A_354, %scan3A_507 : i32
        %get3A_509 = arith.constant 3 : i32
        %get3A_510 = arith.index_cast %get3A_509 : i32 to index
        %get3A_511 = arith.index_cast %scan3A_508 : i32 to index
        %get3A_512 = arith.constant 0 : index
        %get3A_513 = tpu.vector_load %arg8[%get3A_510, %get3A_511, %get3A_512] {strides = array<i32>} : memref<4x128x64xf32, #tpu.memory_space<vmem>>, vector<1x1x16xf32>,
        %get3A_514 = vector.shape_cast %get3A_513 : vector<1x1x16xf32> to vector<16xf32>
        %add3A_515 = arith.addi %rem3A_307, %scan3A_508 : i32
        %get3A_516 = arith.index_cast %add3A_515 : i32 to index
        %get3A_517 = arith.constant 0 : index
        %get3A_518 = tpu.vector_load %arg7[%get3A_516, %get3A_517] {strides = array<i32>} : memref<400x64xf32, #tpu.memory_space<vmem>>, vector<1x16xf32>,
        %get3A_519 = vector.shape_cast %get3A_518 : vector<1x16xf32> to vector<16xf32>
        %add3A_520 = arith.addf %get3A_514, %get3A_519 : vector<16xf32>
        %swap3A_521 = arith.constant 3 : i32
        %swap3A_522 = arith.index_cast %swap3A_521 : i32 to index
        %swap3A_523 = arith.index_cast %scan3A_508 : i32 to index
        %swap3A_524 = arith.constant 0 : index
        %swap3A_525 = tpu.vector_load %arg9[%swap3A_522, %swap3A_523, %swap3A_524] {strides = array<i32>} : memref<4x128x64xf32, #tpu.memory_space<vmem>>, vector<1x1x16xf32>,
        %swap3A_526 = vector.shape_cast %swap3A_525 : vector<1x1x16xf32> to vector<16xf32>
        %swap3A_527 = vector.shape_cast %add3A_520 : vector<16xf32> to vector<1x1x16xf32>
        tpu.vector_store %arg9[%swap3A_522, %swap3A_523, %swap3A_524], %swap3A_527 {strides = array<i32>} : memref<4x128x64xf32, #tpu.memory_space<vmem>>, vector<1x1x16xf32>,
        %get3A_528 = arith.constant 3 : i32
        %get3A_529 = arith.index_cast %get3A_528 : i32 to index
        %get3A_530 = arith.index_cast %scan3A_508 : i32 to index
        %get3A_531 = arith.constant 16 : index
        %get3A_532 = tpu.vector_load %arg8[%get3A_529, %get3A_530, %get3A_531] {strides = array<i32>} : memref<4x128x64xf32, #tpu.memory_space<vmem>>, vector<1x1x16xf32>,
        %get3A_533 = vector.shape_cast %get3A_532 : vector<1x1x16xf32> to vector<16xf32>
        %add3A_534 = arith.addi %rem3A_307, %scan3A_508 : i32
        %get3A_535 = arith.index_cast %add3A_534 : i32 to index
        %get3A_536 = arith.constant 16 : index
        %get3A_537 = tpu.vector_load %arg7[%get3A_535, %get3A_536] {strides = array<i32>} : memref<400x64xf32, #tpu.memory_space<vmem>>, vector<1x16xf32>,
        %get3A_538 = vector.shape_cast %get3A_537 : vector<1x16xf32> to vector<16xf32>
        %add3A_539 = arith.addf %get3A_533, %get3A_538 : vector<16xf32>
        %swap3A_540 = arith.constant 3 : i32
        %swap3A_541 = arith.index_cast %swap3A_540 : i32 to index
        %swap3A_542 = arith.index_cast %scan3A_508 : i32 to index
        %swap3A_543 = arith.constant 16 : index
        %swap3A_544 = tpu.vector_load %arg9[%swap3A_541, %swap3A_542, %swap3A_543] {strides = array<i32>} : memref<4x128x64xf32, #tpu.memory_space<vmem>>, vector<1x1x16xf32>,
        %swap3A_545 = vector.shape_cast %swap3A_544 : vector<1x1x16xf32> to vector<16xf32>
        %swap3A_546 = vector.shape_cast %add3A_539 : vector<16xf32> to vector<1x1x16xf32>
        tpu.vector_store %arg9[%swap3A_541, %swap3A_542, %swap3A_543], %swap3A_546 {strides = array<i32>} : memref<4x128x64xf32, #tpu.memory_space<vmem>>, vector<1x1x16xf32>,
        %get3A_547 = arith.constant 3 : i32
        %get3A_548 = arith.index_cast %get3A_547 : i32 to index
        %get3A_549 = arith.index_cast %scan3A_508 : i32 to index
        %get3A_550 = arith.constant 32 : index
        %get3A_551 = tpu.vector_load %arg8[%get3A_548, %get3A_549, %get3A_550] {strides = array<i32>} : memref<4x128x64xf32, #tpu.memory_space<vmem>>, vector<1x1x16xf32>,
        %get3A_552 = vector.shape_cast %get3A_551 : vector<1x1x16xf32> to vector<16xf32>
        %add3A_553 = arith.addi %rem3A_307, %scan3A_508 : i32
        %get3A_554 = arith.index_cast %add3A_553 : i32 to index
        %get3A_555 = arith.constant 32 : index
        %get3A_556 = tpu.vector_load %arg7[%get3A_554, %get3A_555] {strides = array<i32>} : memref<400x64xf32, #tpu.memory_space<vmem>>, vector<1x16xf32>,
        %get3A_557 = vector.shape_cast %get3A_556 : vector<1x16xf32> to vector<16xf32>
        %add3A_558 = arith.addf %get3A_552, %get3A_557 : vector<16xf32>
        %swap3A_559 = arith.constant 3 : i32
        %swap3A_560 = arith.index_cast %swap3A_559 : i32 to index
        %swap3A_561 = arith.index_cast %scan3A_508 : i32 to index
        %swap3A_562 = arith.constant 32 : index
        %swap3A_563 = tpu.vector_load %arg9[%swap3A_560, %swap3A_561, %swap3A_562] {strides = array<i32>} : memref<4x128x64xf32, #tpu.memory_space<vmem>>, vector<1x1x16xf32>,
        %swap3A_564 = vector.shape_cast %swap3A_563 : vector<1x1x16xf32> to vector<16xf32>
        %swap3A_565 = vector.shape_cast %add3A_558 : vector<16xf32> to vector<1x1x16xf32>
        tpu.vector_store %arg9[%swap3A_560, %swap3A_561, %swap3A_562], %swap3A_565 {strides = array<i32>} : memref<4x128x64xf32, #tpu.memory_space<vmem>>, vector<1x1x16xf32>,
        %get3A_566 = arith.constant 3 : i32
        %get3A_567 = arith.index_cast %get3A_566 : i32 to index
        %get3A_568 = arith.index_cast %scan3A_508 : i32 to index
        %get3A_569 = arith.constant 48 : index
        %get3A_570 = tpu.vector_load %arg8[%get3A_567, %get3A_568, %get3A_569] {strides = array<i32>} : memref<4x128x64xf32, #tpu.memory_space<vmem>>, vector<1x1x16xf32>,
        %get3A_571 = vector.shape_cast %get3A_570 : vector<1x1x16xf32> to vector<16xf32>
        %add3A_572 = arith.addi %rem3A_307, %scan3A_508 : i32
        %get3A_573 = arith.index_cast %add3A_572 : i32 to index
        %get3A_574 = arith.constant 48 : index
        %get3A_575 = tpu.vector_load %arg7[%get3A_573, %get3A_574] {strides = array<i32>} : memref<400x64xf32, #tpu.memory_space<vmem>>, vector<1x16xf32>,
        %get3A_576 = vector.shape_cast %get3A_575 : vector<1x16xf32> to vector<16xf32>
        %add3A_577 = arith.addf %get3A_571, %get3A_576 : vector<16xf32>
        %swap3A_578 = arith.constant 3 : i32
        %swap3A_579 = arith.index_cast %swap3A_578 : i32 to index
        %swap3A_580 = arith.index_cast %scan3A_508 : i32 to index
        %swap3A_581 = arith.constant 48 : index
        %swap3A_582 = tpu.vector_load %arg9[%swap3A_579, %swap3A_580, %swap3A_581] {strides = array<i32>} : memref<4x128x64xf32, #tpu.memory_space<vmem>>, vector<1x1x16xf32>,
        %swap3A_583 = vector.shape_cast %swap3A_582 : vector<1x1x16xf32> to vector<16xf32>
        %swap3A_584 = vector.shape_cast %add3A_577 : vector<16xf32> to vector<1x1x16xf32>
        tpu.vector_store %arg9[%swap3A_579, %swap3A_580, %swap3A_581], %swap3A_584 {strides = array<i32>} : memref<4x128x64xf32, #tpu.memory_space<vmem>>, vector<1x1x16xf32>,
        %scan3A_585 = arith.constant 3 : i32
        %scan3A_586 = arith.addi %scan3A_354, %scan3A_585 : i32
        %get3A_587 = arith.constant 3 : i32
        %get3A_588 = arith.index_cast %get3A_587 : i32 to index
        %get3A_589 = arith.index_cast %scan3A_586 : i32 to index
        %get3A_590 = arith.constant 0 : index
        %get3A_591 = tpu.vector_load %arg8[%get3A_588, %get3A_589, %get3A_590] {strides = array<i32>} : memref<4x128x64xf32, #tpu.memory_space<vmem>>, vector<1x1x16xf32>,
        %get3A_592 = vector.shape_cast %get3A_591 : vector<1x1x16xf32> to vector<16xf32>
        %add3A_593 = arith.addi %rem3A_307, %scan3A_586 : i32
        %get3A_594 = arith.index_cast %add3A_593 : i32 to index
        %get3A_595 = arith.constant 0 : index
        %get3A_596 = tpu.vector_load %arg7[%get3A_594, %get3A_595] {strides = array<i32>} : memref<400x64xf32, #tpu.memory_space<vmem>>, vector<1x16xf32>,
        %get3A_597 = vector.shape_cast %get3A_596 : vector<1x16xf32> to vector<16xf32>
        %add3A_598 = arith.addf %get3A_592, %get3A_597 : vector<16xf32>
        %swap3A_599 = arith.constant 3 : i32
        %swap3A_600 = arith.index_cast %swap3A_599 : i32 to index
        %swap3A_601 = arith.index_cast %scan3A_586 : i32 to index
        %swap3A_602 = arith.constant 0 : index
        %swap3A_603 = tpu.vector_load %arg9[%swap3A_600, %swap3A_601, %swap3A_602] {strides = array<i32>} : memref<4x128x64xf32, #tpu.memory_space<vmem>>, vector<1x1x16xf32>,
        %swap3A_604 = vector.shape_cast %swap3A_603 : vector<1x1x16xf32> to vector<16xf32>
        %swap3A_605 = vector.shape_cast %add3A_598 : vector<16xf32> to vector<1x1x16xf32>
        tpu.vector_store %arg9[%swap3A_600, %swap3A_601, %swap3A_602], %swap3A_605 {strides = array<i32>} : memref<4x128x64xf32, #tpu.memory_space<vmem>>, vector<1x1x16xf32>,
        %get3A_606 = arith.constant 3 : i32
        %get3A_607 = arith.index_cast %get3A_606 : i32 to index
        %get3A_608 = arith.index_cast %scan3A_586 : i32 to index
        %get3A_609 = arith.constant 16 : index
        %get3A_610 = tpu.vector_load %arg8[%get3A_607, %get3A_608, %get3A_609] {strides = array<i32>} : memref<4x128x64xf32, #tpu.memory_space<vmem>>, vector<1x1x16xf32>,
        %get3A_611 = vector.shape_cast %get3A_610 : vector<1x1x16xf32> to vector<16xf32>
        %add3A_612 = arith.addi %rem3A_307, %scan3A_586 : i32
        %get3A_613 = arith.index_cast %add3A_612 : i32 to index
        %get3A_614 = arith.constant 16 : index
        %get3A_615 = tpu.vector_load %arg7[%get3A_613, %get3A_614] {strides = array<i32>} : memref<400x64xf32, #tpu.memory_space<vmem>>, vector<1x16xf32>,
        %get3A_616 = vector.shape_cast %get3A_615 : vector<1x16xf32> to vector<16xf32>
        %add3A_617 = arith.addf %get3A_611, %get3A_616 : vector<16xf32>
        %swap3A_618 = arith.constant 3 : i32
        %swap3A_619 = arith.index_cast %swap3A_618 : i32 to index
        %swap3A_620 = arith.index_cast %scan3A_586 : i32 to index
        %swap3A_621 = arith.constant 16 : index
        %swap3A_622 = tpu.vector_load %arg9[%swap3A_619, %swap3A_620, %swap3A_621] {strides = array<i32>} : memref<4x128x64xf32, #tpu.memory_space<vmem>>, vector<1x1x16xf32>,
        %swap3A_623 = vector.shape_cast %swap3A_622 : vector<1x1x16xf32> to vector<16xf32>
        %swap3A_624 = vector.shape_cast %add3A_617 : vector<16xf32> to vector<1x1x16xf32>
        tpu.vector_store %arg9[%swap3A_619, %swap3A_620, %swap3A_621], %swap3A_624 {strides = array<i32>} : memref<4x128x64xf32, #tpu.memory_space<vmem>>, vector<1x1x16xf32>,
        %get3A_625 = arith.constant 3 : i32
        %get3A_626 = arith.index_cast %get3A_625 : i32 to index
        %get3A_627 = arith.index_cast %scan3A_586 : i32 to index
        %get3A_628 = arith.constant 32 : index
        %get3A_629 = tpu.vector_load %arg8[%get3A_626, %get3A_627, %get3A_628] {strides = array<i32>} : memref<4x128x64xf32, #tpu.memory_space<vmem>>, vector<1x1x16xf32>,
        %get3A_630 = vector.shape_cast %get3A_629 : vector<1x1x16xf32> to vector<16xf32>
        %add3A_631 = arith.addi %rem3A_307, %scan3A_586 : i32
        %get3A_632 = arith.index_cast %add3A_631 : i32 to index
        %get3A_633 = arith.constant 32 : index
        %get3A_634 = tpu.vector_load %arg7[%get3A_632, %get3A_633] {strides = array<i32>} : memref<400x64xf32, #tpu.memory_space<vmem>>, vector<1x16xf32>,
        %get3A_635 = vector.shape_cast %get3A_634 : vector<1x16xf32> to vector<16xf32>
        %add3A_636 = arith.addf %get3A_630, %get3A_635 : vector<16xf32>
        %swap3A_637 = arith.constant 3 : i32
        %swap3A_638 = arith.index_cast %swap3A_637 : i32 to index
        %swap3A_639 = arith.index_cast %scan3A_586 : i32 to index
        %swap3A_640 = arith.constant 32 : index
        %swap3A_641 = tpu.vector_load %arg9[%swap3A_638, %swap3A_639, %swap3A_640] {strides = array<i32>} : memref<4x128x64xf32, #tpu.memory_space<vmem>>, vector<1x1x16xf32>,
        %swap3A_642 = vector.shape_cast %swap3A_641 : vector<1x1x16xf32> to vector<16xf32>
        %swap3A_643 = vector.shape_cast %add3A_636 : vector<16xf32> to vector<1x1x16xf32>
        tpu.vector_store %arg9[%swap3A_638, %swap3A_639, %swap3A_640], %swap3A_643 {strides = array<i32>} : memref<4x128x64xf32, #tpu.memory_space<vmem>>, vector<1x1x16xf32>,
        %get3A_644 = arith.constant 3 : i32
        %get3A_645 = arith.index_cast %get3A_644 : i32 to index
        %get3A_646 = arith.index_cast %scan3A_586 : i32 to index
        %get3A_647 = arith.constant 48 : index
        %get3A_648 = tpu.vector_load %arg8[%get3A_645, %get3A_646, %get3A_647] {strides = array<i32>} : memref<4x128x64xf32, #tpu.memory_space<vmem>>, vector<1x1x16xf32>,
        %get3A_649 = vector.shape_cast %get3A_648 : vector<1x1x16xf32> to vector<16xf32>
        %add3A_650 = arith.addi %rem3A_307, %scan3A_586 : i32
        %get3A_651 = arith.index_cast %add3A_650 : i32 to index
        %get3A_652 = arith.constant 48 : index
        %get3A_653 = tpu.vector_load %arg7[%get3A_651, %get3A_652] {strides = array<i32>} : memref<400x64xf32, #tpu.memory_space<vmem>>, vector<1x16xf32>,
        %get3A_654 = vector.shape_cast %get3A_653 : vector<1x16xf32> to vector<16xf32>
        %add3A_655 = arith.addf %get3A_649, %get3A_654 : vector<16xf32>
        %swap3A_656 = arith.constant 3 : i32
        %swap3A_657 = arith.index_cast %swap3A_656 : i32 to index
        %swap3A_658 = arith.index_cast %scan3A_586 : i32 to index
        %swap3A_659 = arith.constant 48 : index
        %swap3A_660 = tpu.vector_load %arg9[%swap3A_657, %swap3A_658, %swap3A_659] {strides = array<i32>} : memref<4x128x64xf32, #tpu.memory_space<vmem>>, vector<1x1x16xf32>,
        %swap3A_661 = vector.shape_cast %swap3A_660 : vector<1x1x16xf32> to vector<16xf32>
        %swap3A_662 = vector.shape_cast %add3A_655 : vector<16xf32> to vector<1x1x16xf32>
        tpu.vector_store %arg9[%swap3A_657, %swap3A_658, %swap3A_659], %swap3A_662 {strides = array<i32>} : memref<4x128x64xf32, #tpu.memory_space<vmem>>, vector<1x1x16xf32>,
      }
      %scan3A_332 = arith.constant 128 : i32
      %dma_start3A_333 = arith.constant 3 : i32
      %dma_start3A_334 = arith.constant 3 : i32
      %dma_start3A_335 = arith.constant 0 : i32
      %dma_start3A_336 = arith.constant 0 : i32
      %dma_start3A_337 = tpu.memref_slice %arg9[%dma_start3A_333, %dma_start3A_335, %dma_start3A_336] : memref<4x128x64xf32, #tpu.memory_space<vmem>> -> memref<1x128x64xf32, #tpu.memory_space<vmem>>
      %dma_start3A_338 = tpu.memref_squeeze %dma_start3A_337 : memref<1x128x64xf32, #tpu.memory_space<vmem>> -> memref<128x64xf32, #tpu.memory_space<vmem>>
      %dma_start3A_339 = arith.constant 0 : i32
      %dma_start3A_340 = tpu.memref_slice %arg5[%add3A_303, %dma_start3A_339] : memref<819200x64xf32, #tpu.memory_space<hbm>> -> memref<128x64xf32, #tpu.memory_space<hbm>>
      %dma_start3A_341 = tpu.memref_slice %arg11[%dma_start3A_334] : memref<4x!tpu.dma_semaphore, #tpu.memory_space<semaphore_mem>> -> memref<1x!tpu.dma_semaphore, #tpu.memory_space<semaphore_mem>>
      %dma_start3A_342 = tpu.memref_squeeze %dma_start3A_341 : memref<1x!tpu.dma_semaphore, #tpu.memory_space<semaphore_mem>> -> memref<!tpu.dma_semaphore, #tpu.memory_space<semaphore_mem>>
      %dma_start3A_343 = arith.constant 0 : i32
      %dma_start3A_344 = tpu.memref_slice %arg5[%add3A_303, %dma_start3A_343] : memref<819200x64xf32, #tpu.memory_space<hbm>> -> memref<128x64xf32, #tpu.memory_space<hbm>>
      %dma_start3A_345 = arith.constant 0 : i32
      %dma_start3A_346 = arith.constant 0 : i32
      %dma_start3A_347 = tpu.memref_slice %arg9[%dma_start3A_333, %dma_start3A_345, %dma_start3A_346] : memref<4x128x64xf32, #tpu.memory_space<vmem>> -> memref<1x128x64xf32, #tpu.memory_space<vmem>>
      %dma_start3A_348 = tpu.memref_squeeze %dma_start3A_347 : memref<1x128x64xf32, #tpu.memory_space<vmem>> -> memref<128x64xf32, #tpu.memory_space<vmem>>
      tpu.enqueue_dma source(%dma_start3A_348 : memref<128x64xf32, #tpu.memory_space<vmem>>) target(%dma_start3A_344 : memref<128x64xf32, #tpu.memory_space<hbm>>) target_semaphore(%dma_start3A_342 : memref<!tpu.dma_semaphore, #tpu.memory_space<semaphore_mem>>)
      %lt3A_349 = arith.constant 49 : i32
      %lt3A_350 = arith.cmpi slt, %scan3A_130, %lt3A_349 : i32
      %convert_element_type3A_351 = arith.extui %lt3A_350 : i1 to i32
      %cond3A_352 = arith.constant 0 : i32
      %cond3A_353 = arith.cmpi ne, %convert_element_type3A_351, %cond3A_352 : i32
      scf.if %cond3A_353 {
        %add3A_354 = arith.constant 4 : i32
        %add3A_355 = arith.addi %add3A_300, %add3A_354 : i32
        %mul3A_356 = arith.constant 128 : i32
        %mul3A_357 = arith.muli %add3A_355, %mul3A_356 : i32
        %dma_start3A_358 = arith.constant 3 : i32
        %dma_start3A_359 = arith.constant 3 : i32
        %dma_start3A_360 = arith.constant 0 : i32
        %dma_start3A_361 = arith.constant 0 : i32
        %dma_start3A_362 = tpu.memref_slice %arg8[%dma_start3A_358, %dma_start3A_360, %dma_start3A_361] : memref<4x128x64xf32, #tpu.memory_space<vmem>> -> memref<1x128x64xf32, #tpu.memory_space<vmem>>
        %dma_start3A_363 = tpu.memref_squeeze %dma_start3A_362 : memref<1x128x64xf32, #tpu.memory_space<vmem>> -> memref<128x64xf32, #tpu.memory_space<vmem>>
        %dma_start3A_364 = tpu.memref_slice %arg6[%mul3A_357] : memref<25600xi32, #tpu.memory_space<vmem>> -> memref<128xi32, #tpu.memory_space<vmem>>
        %dma_start3A_365 = arith.constant 0 : i32
        %dma_start3A_366 = arith.constant 0 : i32
        %dma_start3A_367 = tpu.memref_slice %arg4[%dma_start3A_365, %dma_start3A_366] : memref<100000x64xf32, #tpu.memory_space<hbm>> -> memref<100000x64xf32, #tpu.memory_space<hbm>>
        %dma_start3A_368 = tpu.memref_slice %arg10[%dma_start3A_359] : memref<4x!tpu.dma_semaphore, #tpu.memory_space<semaphore_mem>> -> memref<1x!tpu.dma_semaphore, #tpu.memory_space<semaphore_mem>>
        %dma_start3A_369 = tpu.memref_squeeze %dma_start3A_368 : memref<1x!tpu.dma_semaphore, #tpu.memory_space<semaphore_mem>> -> memref<!tpu.dma_semaphore, #tpu.memory_space<semaphore_mem>>
        tpu.enqueue_indirect_dma source(%dma_start3A_367 : memref<100000x64xf32, #tpu.memory_space<hbm>>) target(%dma_start3A_363 : memref<128x64xf32, #tpu.memory_space<vmem>>) offsets(%dma_start3A_364 : memref<128xi32, #tpu.memory_space<vmem>>) semaphore(%dma_start3A_369 : memref<!tpu.dma_semaphore, #tpu.memory_space<semaphore_mem>>)
      } else {
      }
    }
    %scan3A_58 = arith.constant 50 : i32
    %add3A_59 = arith.constant 25088 : i32
    %add3A_60 = arith.addi %mul3A_2, %add3A_59 : i32
    %dma_wait3A = arith.constant 0 : i32
    %dma_wait3A_61 = arith.constant 0 : i32
    %dma_wait3A_62 = arith.constant 0 : i32
    %dma_wait3A_63 = arith.constant 0 : i32
    %dma_wait3A_64 = tpu.memref_slice %arg9[%dma_wait3A, %dma_wait3A_62, %dma_wait3A_63] : memref<4x128x64xf32, #tpu.memory_space<vmem>> -> memref<1x128x64xf32, #tpu.memory_space<vmem>>
    %dma_wait3A_65 = tpu.memref_squeeze %dma_wait3A_64 : memref<1x128x64xf32, #tpu.memory_space<vmem>> -> memref<128x64xf32, #tpu.memory_space<vmem>>
    %dma_wait3A_66 = arith.constant 0 : i32
    %dma_wait3A_67 = tpu.memref_slice %arg5[%add3A_60, %dma_wait3A_66] : memref<819200x64xf32, #tpu.memory_space<hbm>> -> memref<128x64xf32, #tpu.memory_space<hbm>>
    %dma_wait3A_68 = tpu.memref_slice %arg11[%dma_wait3A_61] : memref<4x!tpu.dma_semaphore, #tpu.memory_space<semaphore_mem>> -> memref<1x!tpu.dma_semaphore, #tpu.memory_space<semaphore_mem>>
    %dma_wait3A_69 = tpu.memref_squeeze %dma_wait3A_68 : memref<1x!tpu.dma_semaphore, #tpu.memory_space<semaphore_mem>> -> memref<!tpu.dma_semaphore, #tpu.memory_space<semaphore_mem>>
    %dma_wait3A_70 = arith.constant 0 : i32
    %dma_wait3A_71 = tpu.memref_slice %arg5[%add3A_60, %dma_wait3A_70] : memref<819200x64xf32, #tpu.memory_space<hbm>> -> memref<128x64xf32, #tpu.memory_space<hbm>>
    %dma_wait3A_72 = arith.constant 0 : i32
    %dma_wait3A_73 = arith.constant 0 : i32
    %dma_wait3A_74 = tpu.memref_slice %arg9[%dma_wait3A, %dma_wait3A_72, %dma_wait3A_73] : memref<4x128x64xf32, #tpu.memory_space<vmem>> -> memref<1x128x64xf32, #tpu.memory_space<vmem>>
    %dma_wait3A_75 = tpu.memref_squeeze %dma_wait3A_74 : memref<1x128x64xf32, #tpu.memory_space<vmem>> -> memref<128x64xf32, #tpu.memory_space<vmem>>
    tpu.wait_dma2 semaphore(%dma_wait3A_69 : memref<!tpu.dma_semaphore, #tpu.memory_space<semaphore_mem>>) src(%dma_wait3A_75 : memref<128x64xf32, #tpu.memory_space<vmem>>) dst(%dma_wait3A_71 : memref<128x64xf32, #tpu.memory_space<hbm>>)
    %add3A_76 = arith.constant 25216 : i32
    %add3A_77 = arith.addi %mul3A_2, %add3A_76 : i32
    %dma_wait3A_78 = arith.constant 1 : i32
    %dma_wait3A_79 = arith.constant 1 : i32
    %dma_wait3A_80 = arith.constant 0 : i32
    %dma_wait3A_81 = arith.constant 0 : i32
    %dma_wait3A_82 = tpu.memref_slice %arg9[%dma_wait3A_78, %dma_wait3A_80, %dma_wait3A_81] : memref<4x128x64xf32, #tpu.memory_space<vmem>> -> memref<1x128x64xf32, #tpu.memory_space<vmem>>
    %dma_wait3A_83 = tpu.memref_squeeze %dma_wait3A_82 : memref<1x128x64xf32, #tpu.memory_space<vmem>> -> memref<128x64xf32, #tpu.memory_space<vmem>>
    %dma_wait3A_84 = arith.constant 0 : i32
    %dma_wait3A_85 = tpu.memref_slice %arg5[%add3A_77, %dma_wait3A_84] : memref<819200x64xf32, #tpu.memory_space<hbm>> -> memref<128x64xf32, #tpu.memory_space<hbm>>
    %dma_wait3A_86 = tpu.memref_slice %arg11[%dma_wait3A_79] : memref<4x!tpu.dma_semaphore, #tpu.memory_space<semaphore_mem>> -> memref<1x!tpu.dma_semaphore, #tpu.memory_space<semaphore_mem>>
    %dma_wait3A_87 = tpu.memref_squeeze %dma_wait3A_86 : memref<1x!tpu.dma_semaphore, #tpu.memory_space<semaphore_mem>> -> memref<!tpu.dma_semaphore, #tpu.memory_space<semaphore_mem>>
    %dma_wait3A_88 = arith.constant 0 : i32
    %dma_wait3A_89 = tpu.memref_slice %arg5[%add3A_77, %dma_wait3A_88] : memref<819200x64xf32, #tpu.memory_space<hbm>> -> memref<128x64xf32, #tpu.memory_space<hbm>>
    %dma_wait3A_90 = arith.constant 0 : i32
    %dma_wait3A_91 = arith.constant 0 : i32
    %dma_wait3A_92 = tpu.memref_slice %arg9[%dma_wait3A_78, %dma_wait3A_90, %dma_wait3A_91] : memref<4x128x64xf32, #tpu.memory_space<vmem>> -> memref<1x128x64xf32, #tpu.memory_space<vmem>>
    %dma_wait3A_93 = tpu.memref_squeeze %dma_wait3A_92 : memref<1x128x64xf32, #tpu.memory_space<vmem>> -> memref<128x64xf32, #tpu.memory_space<vmem>>
    tpu.wait_dma2 semaphore(%dma_wait3A_87 : memref<!tpu.dma_semaphore, #tpu.memory_space<semaphore_mem>>) src(%dma_wait3A_93 : memref<128x64xf32, #tpu.memory_space<vmem>>) dst(%dma_wait3A_89 : memref<128x64xf32, #tpu.memory_space<hbm>>)
    %add3A_94 = arith.constant 25344 : i32
    %add3A_95 = arith.addi %mul3A_2, %add3A_94 : i32
    %dma_wait3A_96 = arith.constant 2 : i32
    %dma_wait3A_97 = arith.constant 2 : i32
    %dma_wait3A_98 = arith.constant 0 : i32
    %dma_wait3A_99 = arith.constant 0 : i32
    %dma_wait3A_100 = tpu.memref_slice %arg9[%dma_wait3A_96, %dma_wait3A_98, %dma_wait3A_99] : memref<4x128x64xf32, #tpu.memory_space<vmem>> -> memref<1x128x64xf32, #tpu.memory_space<vmem>>
    %dma_wait3A_101 = tpu.memref_squeeze %dma_wait3A_100 : memref<1x128x64xf32, #tpu.memory_space<vmem>> -> memref<128x64xf32, #tpu.memory_space<vmem>>
    %dma_wait3A_102 = arith.constant 0 : i32
    %dma_wait3A_103 = tpu.memref_slice %arg5[%add3A_95, %dma_wait3A_102] : memref<819200x64xf32, #tpu.memory_space<hbm>> -> memref<128x64xf32, #tpu.memory_space<hbm>>
    %dma_wait3A_104 = tpu.memref_slice %arg11[%dma_wait3A_97] : memref<4x!tpu.dma_semaphore, #tpu.memory_space<semaphore_mem>> -> memref<1x!tpu.dma_semaphore, #tpu.memory_space<semaphore_mem>>
    %dma_wait3A_105 = tpu.memref_squeeze %dma_wait3A_104 : memref<1x!tpu.dma_semaphore, #tpu.memory_space<semaphore_mem>> -> memref<!tpu.dma_semaphore, #tpu.memory_space<semaphore_mem>>
    %dma_wait3A_106 = arith.constant 0 : i32
    %dma_wait3A_107 = tpu.memref_slice %arg5[%add3A_95, %dma_wait3A_106] : memref<819200x64xf32, #tpu.memory_space<hbm>> -> memref<128x64xf32, #tpu.memory_space<hbm>>
    %dma_wait3A_108 = arith.constant 0 : i32
    %dma_wait3A_109 = arith.constant 0 : i32
    %dma_wait3A_110 = tpu.memref_slice %arg9[%dma_wait3A_96, %dma_wait3A_108, %dma_wait3A_109] : memref<4x128x64xf32, #tpu.memory_space<vmem>> -> memref<1x128x64xf32, #tpu.memory_space<vmem>>
    %dma_wait3A_111 = tpu.memref_squeeze %dma_wait3A_110 : memref<1x128x64xf32, #tpu.memory_space<vmem>> -> memref<128x64xf32, #tpu.memory_space<vmem>>
    tpu.wait_dma2 semaphore(%dma_wait3A_105 : memref<!tpu.dma_semaphore, #tpu.memory_space<semaphore_mem>>) src(%dma_wait3A_111 : memref<128x64xf32, #tpu.memory_space<vmem>>) dst(%dma_wait3A_107 : memref<128x64xf32, #tpu.memory_space<hbm>>)
    %add3A_112 = arith.constant 25472 : i32
    %add3A_113 = arith.addi %mul3A_2, %add3A_112 : i32
    %dma_wait3A_114 = arith.constant 3 : i32
    %dma_wait3A_115 = arith.constant 3 : i32
    %dma_wait3A_116 = arith.constant 0 : i32
    %dma_wait3A_117 = arith.constant 0 : i32
    %dma_wait3A_118 = tpu.memref_slice %arg9[%dma_wait3A_114, %dma_wait3A_116, %dma_wait3A_117] : memref<4x128x64xf32, #tpu.memory_space<vmem>> -> memref<1x128x64xf32, #tpu.memory_space<vmem>>
    %dma_wait3A_119 = tpu.memref_squeeze %dma_wait3A_118 : memref<1x128x64xf32, #tpu.memory_space<vmem>> -> memref<128x64xf32, #tpu.memory_space<vmem>>
    %dma_wait3A_120 = arith.constant 0 : i32
    %dma_wait3A_121 = tpu.memref_slice %arg5[%add3A_113, %dma_wait3A_120] : memref<819200x64xf32, #tpu.memory_space<hbm>> -> memref<128x64xf32, #tpu.memory_space<hbm>>
    %dma_wait3A_122 = tpu.memref_slice %arg11[%dma_wait3A_115] : memref<4x!tpu.dma_semaphore, #tpu.memory_space<semaphore_mem>> -> memref<1x!tpu.dma_semaphore, #tpu.memory_space<semaphore_mem>>
    %dma_wait3A_123 = tpu.memref_squeeze %dma_wait3A_122 : memref<1x!tpu.dma_semaphore, #tpu.memory_space<semaphore_mem>> -> memref<!tpu.dma_semaphore, #tpu.memory_space<semaphore_mem>>
    %dma_wait3A_124 = arith.constant 0 : i32
    %dma_wait3A_125 = tpu.memref_slice %arg5[%add3A_113, %dma_wait3A_124] : memref<819200x64xf32, #tpu.memory_space<hbm>> -> memref<128x64xf32, #tpu.memory_space<hbm>>
    %dma_wait3A_126 = arith.constant 0 : i32
    %dma_wait3A_127 = arith.constant 0 : i32
    %dma_wait3A_128 = tpu.memref_slice %arg9[%dma_wait3A_114, %dma_wait3A_126, %dma_wait3A_127] : memref<4x128x64xf32, #tpu.memory_space<vmem>> -> memref<1x128x64xf32, #tpu.memory_space<vmem>>
    %dma_wait3A_129 = tpu.memref_squeeze %dma_wait3A_128 : memref<1x128x64xf32, #tpu.memory_space<vmem>> -> memref<128x64xf32, #tpu.memory_space<vmem>>
    tpu.wait_dma2 semaphore(%dma_wait3A_123 : memref<!tpu.dma_semaphore, #tpu.memory_space<semaphore_mem>>) src(%dma_wait3A_129 : memref<128x64xf32, #tpu.memory_space<vmem>>) dst(%dma_wait3A_125 : memref<128x64xf32, #tpu.memory_space<hbm>>)
    return
  }
}

</mosaic_0001>

<sc_bundles>
// kernel: kernel.3.cloned.1.call-start
scs
__scs_entry_jumppad:
0x0: {  	(pc) =	sbr.rel $0x88, $3  }
0x1: {  	(tag) =	ssettag $0x0;
	lr =	simm.s32 $0x1  }
0x2: {  	[smem:$0x3F9E] =	sst lr;
	_ =	strace $0xD0000000  }
0x3: {  	_ = 	snop  }
0x4: {  	_ = 	snop  }
0x5: {  	_ = 	snop  }
0x6: {  	_ = 	snop  }
0x7: {  	_ = 	snop  }
__scs_overlays_trampoline_lowered:
0x8: {  	[smem:$0x3FAD] =	sst s0  }
0x9: {  	[smem:$0x3FAE] =	sst s1  }
0xa: {  	[smem:$0x3FAF] =	sst s2  }
0xb: {  	[smem:$0x3FB0] =	sst s3  }
0xc: {  	[smem:$0x3FB1] =	sst s4  }
0xd: {  	[smem:$0x3FB2] =	sst s5  }
0xe: {  	[smem:$0x3FB3] =	sst s6  }
0xf: {  	[smem:$0x3FB4] =	sst s7  }
0x10: {  	[smem:$0x3FB5] =	sst s8  }
0x11: {  	[smem:$0x3FB6] =	sst s9;
	s0 =	simm.s32 @!p0 $0x0  }
0x12: {  	s1 =	sld [smem:$0x3F9C];
	s0 =	simm.s32 @p0 $0x1  }
0x13: {  	[smem:$0x3FB7] =	sst s0;
	s0 =	simm.s32 @!p1 $0x0  }
0x14: {  	s2 =	sld [smem:$0x3F9B];
	s0 =	simm.s32 @p1 $0x1  }
0x15: {  	[smem:$0x3FB8] =	sst s0;
	s0 =	simm.s32 @!p2 $0x0  }
0x16: {  	s3 =	sld [smem:$0x3FDB];
	s0 =	simm.s32 @p2 $0x1  }
0x17: {  	s4 =	simm.s32 $0x1BF5;
	[smem:$0x3FBA] =	sst s0  }
0x18: {  	s0 =	sld [smem:$0x3F9D];
	_ =	swait.ge [sflag:s4], $0x0  }
0x19: {  	s7 =	sld [smem:$0x3F9E]  }
0x1a: {  	s8 =	sadd.s32 $0xFFFFE003, lr  }
0x1b: {  	s9 =	sadd.s32 $0xFFFFFEF7, lr;
	s5 =	simm.s32 $0xFFFFFFFF;
	p2 =	slt.u32 s8, $0xFFFFF086  }
0x1c: {  	p1 =	slt.u32 s9, $0xF7A;
	s5 =	simm.s32 @!p2 $0x0  }
0x1d: {  	s5 =	simm.s32 @p1 $0x1;
	p0 =	seq.s32 s7, s2  }
0x1e: {  	s7 =	smul.u32 @!p0 $0xF7A, s2;
	p2 =	seq.s32 @!p0 s5, $0x0  }
0x1f: {  	s9 =	smul.u32 $0xF7A, s1;
	s8 =	simm.s32 @!p0 $0x1BF5;
	p2 =	por !p2, p0  }
0x20: {  	[sflag:s8] =	ssyncset.s32 @!p0 $0xFFFFF086;
	s6 =	sadd.s32 @!p0 s3, s7;
	s7 =	simm.s32 @!p0 $0x108  }
0x21: {  	s3 =	sadd.s32 s3, s9;
	s6 =	sadd.s32 @!p0 $0x88, s6;
	s7 =	simm.s32 @p2 $0x1082  }
0x22: {  	[simem:s7], [sflag:s8] =	dma.local @!p0 [hbm:s6], $0xF7A  }
0x23: {  	s9 =	sor.u32 $0xD0000000, s2;
	s6 =	simm.s32 $0x108;
	_ =	swait.ge @!p0 [sflag:s8], $0x0  }
0x24: {  	s3 =	sadd.s32 $0x88, s3;
	s6 =	simm.s32 @!p1 $0x1082;
	[sflag:s4] =	ssyncset.s32 $0xFFFFF086  }
0x25: {  	[simem:s6], [sflag:s4] =	dma.local [hbm:s3], $0xF7A  }
0x26: {  	[smem:$0x3F9E] =	sst s1;
	(tag) =	ssettag s2;
	_ =	strace s9  }
0x27: {  	s1 =	sld [smem:$0x3FAE]  }
0x28: {  	s2 =	sld [smem:$0x3FAF]  }
0x29: {  	s4 =	sld [smem:$0x3FB1]  }
0x2a: {  	p0 =	seq.s32 s5, $0x0;
	s5 =	sld [smem:$0x3FB2]  }
0x2b: {  	s6 =	sld [smem:$0x3FB3]  }
0x2c: {  	s7 =	sld [smem:$0x3FB4]  }
0x2d: {  	s3 =	simm.s32 $0x108;
	s8 =	sld [smem:$0x3FB5]  }
0x2e: {  	s3 =	simm.s32 @!p0 $0x1082;
	s9 =	sld [smem:$0x3FB6]  }
0x2f: {  	lr =	sadd.s32 s0, s3;
	s0 =	sld [smem:$0x3FAD]  }
0x30: {  	s3 =	sld [smem:$0x3FB0]  }
0x31: {  	[smem:$0x3FB9] =	sst s10  }
0x32: {  	s10 =	sld [smem:$0x3FB7];
	_ =	sdelay $0x3  }
0x33: {  	p0 =	seq.s32 s10, $0x1;
	s10 =	sld [smem:$0x3FB9];
	_ =	sdelay $0x3  }
0x34: {  	[smem:$0x3FB9] =	sst s10  }
0x35: {  	s10 =	sld [smem:$0x3FB8];
	_ =	sdelay $0x3  }
0x36: {  	p1 =	seq.s32 s10, $0x1;
	s10 =	sld [smem:$0x3FB9];
	_ =	sdelay $0x3  }
0x37: {  	[smem:$0x3FB9] =	sst s10  }
0x38: {  	s10 =	sld [smem:$0x3FBA]  }
0x39: {  	_ = 	snop;
	(pc) =	sbr.ind lr, $3  }
0x3a: {  	_ = 	snop  }
0x3b: {  	_ = 	snop  }
0x3c: {  	p2 =	seq.s32 s10, $0x1;
	s10 =	sld [smem:$0x3FB9]  }
0x3d: {  	_ =	shalt  }
0x3e: {  	_ =	shalt  }
0x3f: {  	_ =	shalt  }
0x40: {  	_ =	shalt  }
0x41: {  	_ =	shalt  }
0x42: {  	_ =	shalt  }
0x43: {  	_ =	shalt  }
0x44: {  	_ =	shalt  }
0x45: {  	_ =	shalt  }
0x46: {  	_ =	shalt  }
0x47: {  	_ =	shalt  }
0x48: {  	_ =	shalt  }
0x49: {  	_ =	shalt  }
0x4a: {  	_ =	shalt  }
0x4b: {  	_ =	shalt  }
0x4c: {  	_ =	shalt  }
0x4d: {  	_ =	shalt  }
0x4e: {  	_ =	shalt  }
0x4f: {  	_ =	shalt  }
0x50: {  	_ =	shalt  }
0x51: {  	_ =	shalt  }
0x52: {  	_ =	shalt  }
0x53: {  	_ =	shalt  }
0x54: {  	_ =	shalt  }
0x55: {  	_ =	shalt  }
0x56: {  	_ =	shalt  }
0x57: {  	_ =	shalt  }
0x58: {  	_ =	shalt  }
0x59: {  	_ =	shalt  }
0x5a: {  	_ =	shalt  }
0x5b: {  	_ =	shalt  }
0x5c: {  	_ =	shalt  }
0x5d: {  	_ =	shalt  }
0x5e: {  	_ =	shalt  }
0x5f: {  	_ =	shalt  }
0x60: {  	_ =	shalt  }
0x61: {  	_ =	shalt  }
0x62: {  	_ =	shalt  }
0x63: {  	_ =	shalt  }
0x64: {  	_ =	shalt  }
0x65: {  	_ =	shalt  }
0x66: {  	_ =	shalt  }
0x67: {  	_ =	shalt  }
0x68: {  	_ =	shalt  }
0x69: {  	_ =	shalt  }
0x6a: {  	_ =	shalt  }
0x6b: {  	_ =	shalt  }
0x6c: {  	_ =	shalt  }
0x6d: {  	_ =	shalt  }
0x6e: {  	_ =	shalt  }
0x6f: {  	_ =	shalt  }
0x70: {  	_ =	shalt  }
0x71: {  	_ =	shalt  }
0x72: {  	_ =	shalt  }
0x73: {  	_ =	shalt  }
0x74: {  	_ =	shalt  }
0x75: {  	_ =	shalt  }
0x76: {  	_ =	shalt  }
0x77: {  	_ =	shalt  }
0x78: {  	_ =	shalt  }
0x79: {  	_ =	shalt  }
0x7a: {  	_ =	shalt  }
0x7b: {  	_ =	shalt  }
0x7c: {  	_ =	shalt  }
0x7d: {  	_ =	shalt  }
0x7e: {  	_ =	shalt  }
0x7f: {  	_ =	shalt  }
0x80: {  	_ =	shalt  }
0x81: {  	_ =	shalt  }
0x82: {  	_ =	shalt  }
0x83: {  	_ =	shalt  }
0x84: {  	_ =	shalt  }
0x85: {  	_ =	shalt  }
0x86: {  	_ =	shalt  }
0x87: {  	_ =	shalt  }
.Lfunc_end0:
.L_simem_size_0:
called_computation.1_lowered:
.L_overlay_start_0:
0x88: {  	s2 =	sld [smem:$0x3FD9]  }
0x89: {  	s3 =	sld [smem:$0x3FFE];
	_ =	sdelay $0x1  }
0x8a: {  	s1 =	srdreg.scid  }
0x8b: {  	s0 =	sand.u32 $0x1, s1  }
0x8c: {  	s17 =	sshll.u32 s0, $0xA;
	s2 =	sadd.s32 s3, s2  }
0x8d: {  	s2 =	sadd.s32 s2, s17  }
0x8e: {  	[smem:$0x3FC5] =	sst s2  }
0x8f: {  	_ = 	snop  }
0x90: {  	s2 =	sld [smem:$0x3FD0];
	(tm) =	ssettm $0x1  }
0x91: {  	s18 =	sld [smem:$0x3FFB];
	_ =	sdelay $0x3  }
0x92: {  	_ =	strace s18  }
0x93: {  	s3 =	sld [smem:$0x3FFC];
	_ =	sdelay $0x3  }
0x94: {  	_ =	strace s3  }
0x95: {  	s3 =	sld [smem:$0x3FFD];
	_ =	sdelay $0x3  }
0x96: {  	_ =	strace s3  }
0x97: {  	_ =	strace $0x8FFFFFFF  }
0x98: {  	s19 =	sld [smem:$0x3FDB];
	_ =	sdelay $0x1  }
0x99: {  	s4 =	simm.s32 $_scs_section_size  }
0x9a: {  	s5 =	simm.s32 $_size__tile_overlayer_lowered;
	s6 =	simm.s32 $_tile_overlayer_lowered  }
0x9b: {  	s22 =	simm.s32 $0x1BFF;
	s21 =	sshll.u32 s6, $0x1;
	s3 =	sadd.s32 s4, s19  }
0x9c: {  	s7 =	simm.s32 $0x0;
	s20 =	sshll.u32 s5, $0x1;
	s5 =	sadd.s32 s21, s3  }
0x9d: {  	[timem:s7], [sflag:s22] =	dma.local [hbm:s5], s20  }
0x9e: {  	_ =	swait.ge [sflag:s22], s20  }
0x9f: {  	s4 =	ssub.s32 $0x0, s20;
	[sflag:s22] =	ssyncset.done $0x0  }
0xa0: {  	[sflag:s22] =	ssyncadd.s32 s4;
	_ =	sdelay $0x1  }
0xa1: {  	s23 =	simm.s32 $0x1B8B  }
0xa2: {  	_ =	swait.ge [sflag:s23], $0x1  }
0xa3: {  	[sflag:s23] =	ssyncset.done $0x0  }
0xa4: {  	s25 =	simm.s32 $0x1B8E;
	s24 =	sld [smem:$0x3FFE];
	[sflag:s23] =	ssyncadd.s32 $0xFFFFFFFF  }
0xa5: {  	s26 =	simm.s32 $execute0_lowered;
	[smem:$0x3FD2] =	sst s25  }
0xa6: {  	s5 =	sshll.u32 s26, $0x1;
	_ =	strace $0x80000046;
	[dreg:$0x1] =	wrdreg $0xFFFFFFFF  }
0xa7: {  	s28 =	simm.s32 $_size_execute0_lowered;
	s3 =	sadd.s32 s3, s5;
	[dreg:$0x0] =	wrdreg $0x0  }
0xa8: {  	s5 =	sshll.u32 s28, $0x1;
	[dreg:$0x2] =	wrdreg s3  }
0xa9: {  	[dreg:$0x3] =	wrdreg s5  }
0xaa: {  	[dreg:$0x4] =	wrdreg $0xC0  }
0xab: {  	_ =	task [dreg:s7], $0x5FFFF  }
0xac: {  	[dreg:$0x1] =	wrdreg $0xFFFFFFFF  }
0xad: {  	[dreg:$0x0] =	wrdreg $0x60  }
0xae: {  	[dreg:$0x2] =	wrdreg s24  }
0xaf: {  	[dreg:$0x3] =	wrdreg s2  }
0xb0: {  	[dreg:$0x4] =	wrdreg $0x9  }
0xb1: {  	_ =	task.clear_ibuf [dreg:s7], $0x5FFFF;
	_ =	strace $0x90000046  }
0xb2: {  	s29 =	simm.s32 $0x9;
	_ =	strace $0x80000048  }
0xb3: {  	_ =	swait.ge [sflag:s29], $0x1  }
0xb4: {  	[sflag:s29] =	ssyncadd.s32 $0xFFFFFFFF  }
0xb5: {  	_ =	strace $0x90000048  }
0xb6: {  	_ =	sfence  }
0xb7: {  	s30 =	sld [smem:$0x0];
	_ =	sdelay $0x2  }
0xb8: {  	s31 =	sshll.u32 s1, $0xD;
	s1 =	sshrl.u32 s1, $0x2  }
0xb9: {  	s3 =	sand.u32 $0x4000, s31;
	s1 =	sadd.s32 s1, s30  }
0xba: {  	s0 =	sor.u32 s3, s0;
	s1 =	sshll.u32 s1, $0x11  }
0xbb: {  	s0 =	sor.u32 s1, s0  }
0xbc: {  	s0 =	sadd.s32 $0x8F2B, s0  }
0xbd: {  	[sflag:s0] =	ssyncadd.remote.s32 $0x1  }
0xbe: {  	_ =	sfence.sel $0xFFFF  }
0xbf: {  	[dreg:$0x0] =	wrdreg $0xFFFFFFFF;
	(pc) =	sbr.abs _section_cstart, $3  }
0xc0: {  	[dreg:$0x1] =	wrdreg $0xFFFFFFFF  }
0xc1: {  	_ =	task.clear_ibuf [dreg:s7], $0x2FFFF;
	_ =	strace $0x9FFFFFFF  }
0xc2: {  	(tm) =	ssettm $0x7FFFFFFF  }
0xc3: {  	_ =	shalt  }
tec
execute0_lowered:
.L_overlay_start_1:
0x0: {  	(tag) =	ssettag $0x1  }
0x1: {  	s0 =	srdreg.scid  }
0x2: {  	s2 =	stileid.u32;
	s1 =	rddreg [dreg:$0x0]  }
0x3: {  	s15 =	simm.s32 $0x1;
	s17 =	simm.s32 $0x2;
	s19 =	simm.s32 $0x3  }
0x4: {  	s21 =	simm.s32 $0x4;
	s0 =	sand.u32 $0x1, s0;
	s3 =	sshll.u32 s2, $0x1  }
0x5: {  	s2 =	rddreg [dreg:$0x1];
	s6 =	sadd.s32 $0x800, s1;
	s4 =	sor.u32 s0, s3  }
0x6: {  	s3 =	simm.s32 $0x0;
	s0 =	ssub.s32 $0x2, s0;
	s4 =	smul.u32 $0x6400, s4  }
.Ltmp0:
0x7: {  	[smem:$0x7FF] =	sst s3;
	s7 =	sshrl.u32 s0, $0x1;
	(pc) =	sbr.rel .LBB2_1-.Ltmp0, $4  }
0x8: {  	_ =	strace $0x80000047;
	s0 =	ssub.s32 s0, s7;
	s5 =	sshrl.u32 s4, $0x3  }
0x9: {  	[dreg:$0x3] =	wrdreg s6;
	s0 =	smax.u32 s0, $0x1;
	s5 =	sadd.s32 s5, s1  }
0xa: {  	s28 =	simm.s32 $0x80;
	[dreg:$0x5] =	wrdreg s0;
	s31 =	sadd.s32 $0x1600, s5  }
0xb: {  	s6 =	sadd.s32 $0x1A600, s1;
	s5 =	simm.s32 $0x0;
	[dreg:$0x4] =	wrdreg s31  }
.LBB2_12:
0xc: {  	s0 =	simm.s32 $0x5  }
0xd: {  	_ =	swait.ge [sflag:s0], $0x2000  }
0xe: {  	[sflag:s0] =	ssyncset.done $0x0  }
0xf: {  	s29 =	simm.s32 $0x6;
	[sflag:s0] =	ssyncadd.s32 $0xFFFFE000  }
0x10: {  	_ =	swait.ge [sflag:s29], $0x2000  }
0x11: {  	[sflag:s29] =	ssyncset.done $0x0  }
0x12: {  	s30 =	simm.s32 $0x7;
	[sflag:s29] =	ssyncadd.s32 $0xFFFFE000  }
0x13: {  	_ =	swait.ge [sflag:s30], $0x2000  }
0x14: {  	[sflag:s30] =	ssyncset.done $0x0  }
0x15: {  	s1 =	simm.s32 $0x8;
	[sflag:s30] =	ssyncadd.s32 $0xFFFFE000  }
0x16: {  	_ =	swait.ge [sflag:s1], $0x2000  }
0x17: {  	s5 =	rddreg [dreg:$0x6]  }
0x18: {  	s31 =	rddreg [dreg:$0x5];
	s5 =	sadd.s32 $0x1, s5  }
0x19: {  	p0 =	sne.s32 s5, s31  }
.Ltmp1:
0x1a: {  	_ = 	snop;
	(pc) =	sbr.rel @!p0 .LBB2_13-.Ltmp1, $3  }
0x1b: {  	_ =	sdelay $0x1  }
0x1c: {  	[sflag:s1] =	ssyncset.done $0x0  }
0x1d: {  	[sflag:s1] =	ssyncadd.s32 $0xFFFFE000  }
.LBB2_1:
0x1e: {  	[dreg:$0x6] =	wrdreg s5  }
0x1f: {  	s0 =	rddreg [dreg:$0x4];
	s1 =	simm.s32 $0x9  }
0x20: {  	[tilespmem:s3], [sflag:$0x9] =	stream.linear.gather [hbm4b:s0+s3], $0x6400, $0x38;
	[tilespmem:$0x1C800] =	vst v63  }
0x21: {  	_ =	swait.ge [sflag:s1], $0x6400  }
0x22: {  	[sflag:s1] =	ssyncset.done $0x0  }
0x23: {  	s23 =	simm.s32 $0x6400;
	s22 =	rddreg [dreg:$0x3];
	[sflag:s1] =	ssyncadd.s32 $0xFFFF9C00  }
0x24: {  	[tilespmem:s23], [sflag:$0x9] =	stream.linear.gather [hbm4b:s22+s3], $0x6400, $0x38;
	[tilespmem:$0x1C800] =	vst v63  }
0x25: {  	_ =	swait.ge [sflag:s1], $0x6400  }
0x26: {  	s24 =	simm.s32 $0xC800;
	s25 =	simm.s32 $0xE800;
	[sflag:s1] =	ssyncset.done $0x0  }
0x27: {  	s30 =	simm.s32 $0x100;
	s26 =	simm.s32 $0x10800;
	[sflag:s1] =	ssyncadd.s32 $0xFFFF9C00  }
0x28: {  	[tilespmem:s24], [sflag:$0x1] =	stream.indirect.gather [hbm4b:s6+s28], $0x40, s3, s28, $0xb8;
	[tilespmem:$0x1C800] =	vst v63  }
0x29: {  	s31 =	simm.s32 $0x180;
	s29 =	simm.s32 $0x12800;
	s10 =	simm.s32 $0xA400  }
0x2a: {  	[tilespmem:s25], [sflag:$0x2] =	stream.indirect.gather [hbm4b:s6+s28], $0x40, s28, s28, $0xb8;
	[tilespmem:$0x1C800] =	vst v63  }
0x2b: {  	s11 =	simm.s32 $0xC400;
	s12 =	simm.s32 $0x80;
	s13 =	simm.s32 $0x0  }
0x2c: {  	[tilespmem:s26], [sflag:$0x3] =	stream.indirect.gather [hbm4b:s6+s28], $0x40, s30, s28, $0xb8;
	[tilespmem:$0x1C800] =	vst v63  }
0x2d: {  	s5 =	simm.s32 $0x0;
	s0 =	simm.s32 $0x84F0;
	s1 =	simm.s32 $0x64F0  }
0x2e: {  	[tilespmem:s29], [sflag:$0x4] =	stream.indirect.gather [hbm4b:s6+s28], $0x40, s31, s28, $0xb8;
	[tilespmem:$0x1C800] =	vst v63  }
.LBB2_2:
0x2f: {  	s7 =	smulhi.u32 $0x51EB851F, s13;
	_ =	swait.ge [sflag:s15], $0x2000  }
0x30: {  	p0 =	seq.s32 s5, $0x0;
	[sflag:s15] =	ssyncset.done $0x0  }
0x31: {  	s8 =	simm.s32 @!p0 $0x5;
	s7 =	sshrl.u32 s7, $0x6;
	[sflag:s15] =	ssyncadd.s32 $0xFFFFE000  }
0x32: {  	s7 =	smul.u32 $0xFFFF3800, s7;
	_ =	swait.ge @!p0 [sflag:s8], $0x2000  }
0x33: {  	[sflag:s8] =	ssyncset.done @!p0 $0x0  }
0x34: {  	s24 =	simm.s32 $0xC880;
	s7 =	sshra.s32 s7, $0x2;
	[sflag:s8] =	ssyncadd.s32 @!p0 $0xFFFFE000  }
0x35: {  	s23 =	sadd.s32 s7, s1;
	v0 =	vld [tilespmem:s24+$0xFFFFFF80]  }
0x36: {  	v1 =	vld [tilespmem:s23+$0xFFFFFF10];
	_ =	sdelay $0x4  }
0x37: {  	v0 =	vadd.f32 v1, v0  }
0x38: {  	s9 =	simm.s32 $0x14880  }
0x39: {  	[tilespmem:s9+$0xFFFFFF80] =	vst v0  }
0x3a: {  	v0 =	vld [tilespmem:s23+$0xFFFFFF20]  }
0x3b: {  	v1 =	vld [tilespmem:s24+$0xFFFFFF90];
	_ =	sdelay $0x4  }
0x3c: {  	v0 =	vadd.f32 v0, v1;
	_ =	sdelay $0x1  }
0x3d: {  	[tilespmem:s9+$0xFFFFFF90] =	vst v0  }
0x3e: {  	v0 =	vld [tilespmem:s24+$0xFFFFFFA0]  }
0x3f: {  	v1 =	vld [tilespmem:s23+$0xFFFFFF30];
	_ =	sdelay $0x4  }
0x40: {  	v0 =	vadd.f32 v1, v0;
	_ =	sdelay $0x1  }
0x41: {  	[tilespmem:s9+$0xFFFFFFA0] =	vst v0  }
0x42: {  	v0 =	vld [tilespmem:s24+$0xFFFFFFB0]  }
0x43: {  	v1 =	vld [tilespmem:s23+$0xFFFFFF40];
	_ =	sdelay $0x4  }
0x44: {  	v0 =	vadd.f32 v1, v0;
	_ =	sdelay $0x1  }
0x45: {  	[tilespmem:s9+$0xFFFFFFB0] =	vst v0  }
0x46: {  	v0 =	vld [tilespmem:s24+$0xFFFFFFC0]  }
0x47: {  	v1 =	vld [tilespmem:s23+$0xFFFFFF50];
	_ =	sdelay $0x4  }
0x48: {  	v0 =	vadd.f32 v1, v0;
	_ =	sdelay $0x1  }
0x49: {  	[tilespmem:s9+$0xFFFFFFC0] =	vst v0  }
0x4a: {  	v0 =	vld [tilespmem:s24+$0xFFFFFFD0]  }
0x4b: {  	v1 =	vld [tilespmem:s23+$0xFFFFFF60];
	_ =	sdelay $0x4  }
0x4c: {  	v0 =	vadd.f32 v1, v0;
	_ =	sdelay $0x1  }
0x4d: {  	[tilespmem:s9+$0xFFFFFFD0] =	vst v0  }
0x4e: {  	v0 =	vld [tilespmem:s24+$0xFFFFFFE0]  }
0x4f: {  	v1 =	vld [tilespmem:s23+$0xFFFFFF70];
	_ =	sdelay $0x4  }
0x50: {  	v0 =	vadd.f32 v1, v0;
	_ =	sdelay $0x1  }
0x51: {  	[tilespmem:s9+$0xFFFFFFE0] =	vst v0  }
0x52: {  	v0 =	vld [tilespmem:s24+$0xFFFFFFF0]  }
0x53: {  	v1 =	vld [tilespmem:s23+$0xFFFFFF80];
	_ =	sdelay $0x4  }
0x54: {  	v0 =	vadd.f32 v1, v0;
	_ =	sdelay $0x1  }
0x55: {  	[tilespmem:s9+$0xFFFFFFF0] =	vst v0  }
0x56: {  	v0 =	vld [tilespmem:s24+$0x0]  }
0x57: {  	v1 =	vld [tilespmem:s23+$0xFFFFFF90];
	_ =	sdelay $0x4  }
0x58: {  	v0 =	vadd.f32 v1, v0;
	_ =	sdelay $0x1  }
0x59: {  	[tilespmem:s9+$0x0] =	vst v0  }
0x5a: {  	v0 =	vld [tilespmem:s24+$0x10]  }
0x5b: {  	v1 =	vld [tilespmem:s23+$0xFFFFFFA0];
	_ =	sdelay $0x4  }
0x5c: {  	v0 =	vadd.f32 v1, v0;
	_ =	sdelay $0x1  }
0x5d: {  	[tilespmem:s9+$0x10] =	vst v0  }
0x5e: {  	v0 =	vld [tilespmem:s24+$0x20]  }
0x5f: {  	v1 =	vld [tilespmem:s23+$0xFFFFFFB0];
	_ =	sdelay $0x4  }
0x60: {  	v0 =	vadd.f32 v1, v0;
	_ =	sdelay $0x1  }
0x61: {  	[tilespmem:s9+$0x20] =	vst v0  }
0x62: {  	v0 =	vld [tilespmem:s24+$0x30]  }
0x63: {  	v1 =	vld [tilespmem:s23+$0xFFFFFFC0];
	_ =	sdelay $0x4  }
0x64: {  	v0 =	vadd.f32 v1, v0;
	_ =	sdelay $0x1  }
0x65: {  	[tilespmem:s9+$0x30] =	vst v0  }
0x66: {  	v0 =	vld [tilespmem:s24+$0x40]  }
0x67: {  	v1 =	vld [tilespmem:s23+$0xFFFFFFD0];
	_ =	sdelay $0x4  }
0x68: {  	v0 =	vadd.f32 v1, v0;
	_ =	sdelay $0x1  }
0x69: {  	[tilespmem:s9+$0x40] =	vst v0  }
0x6a: {  	v0 =	vld [tilespmem:s24+$0x50]  }
0x6b: {  	s14 =	smulhi.u32 $0x51EB851F, s12;
	v1 =	vld [tilespmem:s23+$0xFFFFFFE0]  }
0x6c: {  	s22 =	smulhi.u32 $0x51EB851F, s30  }
0x6d: {  	s20 =	smulhi.u32 $0x51EB851F, s31;
	s25 =	sshrl.u32 s14, $0x6  }
0x6e: {  	s14 =	smul.u32 $0xFFFF3800, s25;
	s8 =	sshrl.u32 s22, $0x6  }
0x6f: {  	s7 =	sshrl.u32 s20, $0x6;
	s16 =	smul.u32 $0xFFFF3800, s8  }
0x70: {  	s7 =	smul.u32 $0xFFFF3800, s7;
	v0 =	vadd.f32 v1, v0  }
0x71: {  	s18 =	simm.s32 $0xC880;
	s14 =	sshra.s32 s14, $0x2;
	s20 =	sadd.s32 $0x100, s23  }
0x72: {  	s26 =	sshra.s32 s16, $0x2;
	s16 =	simm.s32 $0x0;
	s7 =	sshra.s32 s7, $0x2;
	[tilespmem:s9+$0x50] =	vst v0  }
0x73: {  	s25 =	sadd.s32 s26, s10;
	s8 =	sadd.s32 s7, s11;
	s7 =	sshll.u32 s5, $0x9;
	v0 =	vld [tilespmem:s24+$0x60]  }
0x74: {  	s26 =	sadd.s32 s14, s0;
	s14 =	simm.s32 $0x14880;
	s29 =	sadd.s32 s4, s7;
	v1 =	vld [tilespmem:s23+$0xFFFFFFF0]  }
.LBB2_3:
0x75: {  	s16 =	sadd.s32 $0x4, s16;
	s24 =	sadd.s32 $0x100, s24;
	s9 =	sadd.s32 $0x100, s9  }
0x76: {  	p1 =	slt.u32 s16, $0x7C;
	_ =	sdelay $0x2  }
0x77: {  	v0 =	vadd.f32 v1, v0;
	_ =	sdelay $0x1  }
0x78: {  	[tilespmem:s14+$0x60] =	vst v0  }
0x79: {  	v0 =	vld [tilespmem:s18+$0x70];
	s18 =	smov.u32 s24  }
0x7a: {  	v1 =	vld [tilespmem:s23+$0x0];
	s23 =	smov.u32 s20;
	_ =	sdelay $0x4  }
0x7b: {  	v0 =	vadd.f32 v1, v0;
	_ =	sdelay $0x1  }
0x7c: {  	[tilespmem:s14+$0x70] =	vst v0;
	s14 =	smov.u32 s9  }
0x7d: {  	v0 =	vld [tilespmem:s24+$0xFFFFFF80]  }
0x7e: {  	v1 =	vld [tilespmem:s20+$0xFFFFFF10];
	_ =	sdelay $0x4  }
0x7f: {  	v0 =	vadd.f32 v1, v0;
	_ =	sdelay $0x1  }
0x80: {  	[tilespmem:s9+$0xFFFFFF80] =	vst v0  }
0x81: {  	v0 =	vld [tilespmem:s20+$0xFFFFFF20]  }
0x82: {  	v1 =	vld [tilespmem:s24+$0xFFFFFF90];
	_ =	sdelay $0x4  }
0x83: {  	v0 =	vadd.f32 v0, v1;
	_ =	sdelay $0x1  }
0x84: {  	[tilespmem:s9+$0xFFFFFF90] =	vst v0  }
0x85: {  	v0 =	vld [tilespmem:s24+$0xFFFFFFA0]  }
0x86: {  	v1 =	vld [tilespmem:s20+$0xFFFFFF30];
	_ =	sdelay $0x4  }
0x87: {  	v0 =	vadd.f32 v1, v0;
	_ =	sdelay $0x1  }
0x88: {  	[tilespmem:s9+$0xFFFFFFA0] =	vst v0  }
0x89: {  	v0 =	vld [tilespmem:s24+$0xFFFFFFB0]  }
0x8a: {  	v1 =	vld [tilespmem:s20+$0xFFFFFF40];
	_ =	sdelay $0x4  }
0x8b: {  	v0 =	vadd.f32 v1, v0;
	_ =	sdelay $0x1  }
0x8c: {  	[tilespmem:s9+$0xFFFFFFB0] =	vst v0  }
0x8d: {  	v0 =	vld [tilespmem:s24+$0xFFFFFFC0]  }
0x8e: {  	v1 =	vld [tilespmem:s20+$0xFFFFFF50];
	_ =	sdelay $0x4  }
0x8f: {  	v0 =	vadd.f32 v1, v0;
	_ =	sdelay $0x1  }
0x90: {  	[tilespmem:s9+$0xFFFFFFC0] =	vst v0  }
0x91: {  	v0 =	vld [tilespmem:s24+$0xFFFFFFD0]  }
0x92: {  	v1 =	vld [tilespmem:s20+$0xFFFFFF60];
	_ =	sdelay $0x4  }
0x93: {  	v0 =	vadd.f32 v1, v0;
	_ =	sdelay $0x1  }
0x94: {  	[tilespmem:s9+$0xFFFFFFD0] =	vst v0  }
0x95: {  	v0 =	vld [tilespmem:s24+$0xFFFFFFE0]  }
0x96: {  	v1 =	vld [tilespmem:s20+$0xFFFFFF70];
	_ =	sdelay $0x4  }
0x97: {  	v0 =	vadd.f32 v1, v0;
	_ =	sdelay $0x1  }
0x98: {  	[tilespmem:s9+$0xFFFFFFE0] =	vst v0  }
0x99: {  	v0 =	vld [tilespmem:s24+$0xFFFFFFF0]  }
0x9a: {  	v1 =	vld [tilespmem:s20+$0xFFFFFF80];
	_ =	sdelay $0x4  }
0x9b: {  	v0 =	vadd.f32 v1, v0;
	_ =	sdelay $0x1  }
0x9c: {  	[tilespmem:s9+$0xFFFFFFF0] =	vst v0  }
0x9d: {  	v0 =	vld [tilespmem:s24+$0x0]  }
0x9e: {  	v1 =	vld [tilespmem:s20+$0xFFFFFF90];
	_ =	sdelay $0x4  }
0x9f: {  	v0 =	vadd.f32 v1, v0;
	_ =	sdelay $0x1  }
0xa0: {  	[tilespmem:s9+$0x0] =	vst v0  }
0xa1: {  	v0 =	vld [tilespmem:s24+$0x10]  }
0xa2: {  	v1 =	vld [tilespmem:s20+$0xFFFFFFA0];
	_ =	sdelay $0x4  }
0xa3: {  	v0 =	vadd.f32 v1, v0;
	_ =	sdelay $0x1  }
0xa4: {  	[tilespmem:s9+$0x10] =	vst v0  }
0xa5: {  	v0 =	vld [tilespmem:s24+$0x20]  }
0xa6: {  	v1 =	vld [tilespmem:s20+$0xFFFFFFB0];
	_ =	sdelay $0x4  }
0xa7: {  	v0 =	vadd.f32 v1, v0;
	_ =	sdelay $0x1  }
0xa8: {  	[tilespmem:s9+$0x20] =	vst v0  }
0xa9: {  	v0 =	vld [tilespmem:s24+$0x30]  }
0xaa: {  	v1 =	vld [tilespmem:s20+$0xFFFFFFC0];
	_ =	sdelay $0x4  }
0xab: {  	v0 =	vadd.f32 v1, v0;
	_ =	sdelay $0x1  }
0xac: {  	[tilespmem:s9+$0x30] =	vst v0  }
0xad: {  	v0 =	vld [tilespmem:s24+$0x40]  }
0xae: {  	v1 =	vld [tilespmem:s20+$0xFFFFFFD0];
	_ =	sdelay $0x4  }
0xaf: {  	v0 =	vadd.f32 v1, v0;
	_ =	sdelay $0x1  }
0xb0: {  	[tilespmem:s9+$0x40] =	vst v0  }
0xb1: {  	v0 =	vld [tilespmem:s24+$0x50]  }
0xb2: {  	v1 =	vld [tilespmem:s20+$0xFFFFFFE0];
	_ =	sdelay $0x4  }
.Ltmp2:
0xb3: {  	v0 =	vadd.f32 v1, v0;
	(pc) =	sbr.rel @p1 .LBB2_3-.Ltmp2, $4  }
0xb4: {  	_ = 	snop  }
0xb5: {  	[tilespmem:s9+$0x50] =	vst v0  }
0xb6: {  	v0 =	vld [tilespmem:s24+$0x60]  }
0xb7: {  	s20 =	sadd.s32 $0x100, s20;
	v1 =	vld [tilespmem:s23+$0xFFFFFFF0]  }
0xb8: {  	_ =	sdelay $0x3  }
0xb9: {  	v0 =	vadd.f32 v1, v0;
	_ =	sdelay $0x1  }
0xba: {  	[tilespmem:s14+$0x60] =	vst v0  }
0xbb: {  	v0 =	vld [tilespmem:s18+$0x70]  }
0xbc: {  	v1 =	vld [tilespmem:s23+$0x0];
	_ =	sdelay $0x4  }
0xbd: {  	v0 =	vadd.f32 v1, v0  }
0xbe: {  	s9 =	sshll.u32 s29, $0x3  }
0xbf: {  	s24 =	simm.s32 $0x14800;
	p1 =	seq.s32 s5, $0x31;
	s9 =	sadd.s32 s2, s9;
	[tilespmem:s14+$0x70] =	vst v0  }
0xc0: {  	[hbm4b:s9+s3] =	stream.linear.scatter [tilespmem:s24], [sflag:$0x5], $0x2000, $0x38;
	[tilespmem:$0x1C800] =	vst v63  }
0xc1: {  	s9 =	sshll.u32 @!p1 s5, $0x9  }
0xc2: {  	s24 =	sand.u32 @!p1 $0x3FFFFE00, s9  }
0xc3: {  	s16 =	simm.s32 @!p1 $0xC800;
	s14 =	simm.s32 @!p1 $0x80;
	s9 =	sadd.s32 @!p1 $0x200, s24  }
0xc4: {  	[tilespmem:s16], [sflag:$0x1] =	stream.indirect.gather @!p1 [hbm4b:s6+s14], $0x40, s9, s14, $0xb8;
	[tilespmem:$0x1C800] =	vst v63  }
0xc5: {  	_ =	swait.ge [sflag:s17], $0x2000  }
0xc6: {  	[sflag:s17] =	ssyncset.done $0x0  }
0xc7: {  	s9 =	simm.s32 @!p0 $0x6;
	[sflag:s17] =	ssyncadd.s32 $0xFFFFE000  }
0xc8: {  	_ =	swait.ge @!p0 [sflag:s9], $0x2000  }
0xc9: {  	[sflag:s9] =	ssyncset.done @!p0 $0x0  }
0xca: {  	[sflag:s9] =	ssyncadd.s32 @!p0 $0xFFFFE000;
	s9 =	simm.s32 $0xE8F0  }
0xcb: {  	v0 =	vld [tilespmem:s9+$0xFFFFFF10]  }
0xcc: {  	v1 =	vld [tilespmem:s26+$0xFFFFFF10];
	_ =	sdelay $0x4  }
0xcd: {  	v0 =	vadd.f32 v1, v0  }
0xce: {  	s29 =	simm.s32 $0x168F0  }
0xcf: {  	[tilespmem:s29+$0xFFFFFF10] =	vst v0  }
0xd0: {  	v0 =	vld [tilespmem:s26+$0xFFFFFF20]  }
0xd1: {  	v1 =	vld [tilespmem:s9+$0xFFFFFF20];
	_ =	sdelay $0x4  }
0xd2: {  	v0 =	vadd.f32 v0, v1;
	_ =	sdelay $0x1  }
0xd3: {  	[tilespmem:s29+$0xFFFFFF20] =	vst v0  }
0xd4: {  	v0 =	vld [tilespmem:s9+$0xFFFFFF30]  }
0xd5: {  	v1 =	vld [tilespmem:s26+$0xFFFFFF30];
	_ =	sdelay $0x4  }
0xd6: {  	v0 =	vadd.f32 v1, v0;
	_ =	sdelay $0x1  }
0xd7: {  	[tilespmem:s29+$0xFFFFFF30] =	vst v0  }
0xd8: {  	v0 =	vld [tilespmem:s9+$0xFFFFFF40]  }
0xd9: {  	v1 =	vld [tilespmem:s26+$0xFFFFFF40];
	_ =	sdelay $0x4  }
0xda: {  	v0 =	vadd.f32 v1, v0;
	_ =	sdelay $0x1  }
0xdb: {  	[tilespmem:s29+$0xFFFFFF40] =	vst v0  }
0xdc: {  	v0 =	vld [tilespmem:s9+$0xFFFFFF50]  }
0xdd: {  	v1 =	vld [tilespmem:s26+$0xFFFFFF50];
	_ =	sdelay $0x4  }
0xde: {  	v0 =	vadd.f32 v1, v0;
	_ =	sdelay $0x1  }
0xdf: {  	[tilespmem:s29+$0xFFFFFF50] =	vst v0  }
0xe0: {  	v0 =	vld [tilespmem:s9+$0xFFFFFF60]  }
0xe1: {  	v1 =	vld [tilespmem:s26+$0xFFFFFF60];
	_ =	sdelay $0x4  }
0xe2: {  	v0 =	vadd.f32 v1, v0;
	_ =	sdelay $0x1  }
0xe3: {  	[tilespmem:s29+$0xFFFFFF60] =	vst v0  }
0xe4: {  	v0 =	vld [tilespmem:s9+$0xFFFFFF70]  }
0xe5: {  	v1 =	vld [tilespmem:s26+$0xFFFFFF70];
	_ =	sdelay $0x4  }
0xe6: {  	v0 =	vadd.f32 v1, v0;
	_ =	sdelay $0x1  }
0xe7: {  	[tilespmem:s29+$0xFFFFFF70] =	vst v0  }
0xe8: {  	v0 =	vld [tilespmem:s9+$0xFFFFFF80]  }
0xe9: {  	v1 =	vld [tilespmem:s26+$0xFFFFFF80];
	_ =	sdelay $0x4  }
0xea: {  	v0 =	vadd.f32 v1, v0;
	_ =	sdelay $0x1  }
0xeb: {  	[tilespmem:s29+$0xFFFFFF80] =	vst v0  }
0xec: {  	v0 =	vld [tilespmem:s9+$0xFFFFFF90]  }
0xed: {  	v1 =	vld [tilespmem:s26+$0xFFFFFF90];
	_ =	sdelay $0x4  }
0xee: {  	v0 =	vadd.f32 v1, v0;
	_ =	sdelay $0x1  }
0xef: {  	[tilespmem:s29+$0xFFFFFF90] =	vst v0  }
0xf0: {  	v0 =	vld [tilespmem:s9+$0xFFFFFFA0]  }
0xf1: {  	v1 =	vld [tilespmem:s26+$0xFFFFFFA0];
	_ =	sdelay $0x4  }
0xf2: {  	v0 =	vadd.f32 v1, v0;
	_ =	sdelay $0x1  }
0xf3: {  	[tilespmem:s29+$0xFFFFFFA0] =	vst v0  }
0xf4: {  	v0 =	vld [tilespmem:s9+$0xFFFFFFB0]  }
0xf5: {  	v1 =	vld [tilespmem:s26+$0xFFFFFFB0];
	_ =	sdelay $0x4  }
0xf6: {  	v0 =	vadd.f32 v1, v0;
	_ =	sdelay $0x1  }
0xf7: {  	[tilespmem:s29+$0xFFFFFFB0] =	vst v0  }
0xf8: {  	v0 =	vld [tilespmem:s9+$0xFFFFFFC0]  }
0xf9: {  	v1 =	vld [tilespmem:s26+$0xFFFFFFC0];
	_ =	sdelay $0x4  }
0xfa: {  	v0 =	vadd.f32 v1, v0;
	_ =	sdelay $0x1  }
0xfb: {  	[tilespmem:s29+$0xFFFFFFC0] =	vst v0  }
0xfc: {  	v0 =	vld [tilespmem:s9+$0xFFFFFFD0]  }
0xfd: {  	v1 =	vld [tilespmem:s26+$0xFFFFFFD0];
	_ =	sdelay $0x4  }
0xfe: {  	v0 =	vadd.f32 v1, v0;
	_ =	sdelay $0x1  }
0xff: {  	[tilespmem:s29+$0xFFFFFFD0] =	vst v0  }
0x100: {  	v0 =	vld [tilespmem:s9+$0xFFFFFFE0]  }
0x101: {  	v1 =	vld [tilespmem:s26+$0xFFFFFFE0];
	_ =	sdelay $0x4  }
0x102: {  	v0 =	vadd.f32 v1, v0;
	_ =	sdelay $0x1  }
0x103: {  	[tilespmem:s29+$0xFFFFFFE0] =	vst v0  }
0x104: {  	s22 =	sadd.s32 $0x100, s26;
	s20 =	simm.s32 $0xE8F0;
	s23 =	sadd.s32 s7, s4;
	v0 =	vld [tilespmem:s9+$0xFFFFFFF0]  }
0x105: {  	s18 =	simm.s32 $0x0;
	s14 =	sadd.s32 $0x80, s23;
	s16 =	simm.s32 $0x168F0;
	v1 =	vld [tilespmem:s26+$0xFFFFFFF0]  }
.LBB2_5:
0x106: {  	s18 =	sadd.s32 $0x4, s18;
	s9 =	sadd.s32 $0x100, s9;
	s29 =	sadd.s32 $0x100, s29  }
0x107: {  	p2 =	slt.u32 s18, $0x7C;
	_ =	sdelay $0x2  }
0x108: {  	v0 =	vadd.f32 v1, v0;
	_ =	sdelay $0x1  }
0x109: {  	[tilespmem:s16+$0xFFFFFFF0] =	vst v0  }
0x10a: {  	v0 =	vld [tilespmem:s20+$0x0];
	s20 =	smov.u32 s9  }
0x10b: {  	v1 =	vld [tilespmem:s26+$0x0];
	s26 =	smov.u32 s22;
	_ =	sdelay $0x4  }
0x10c: {  	v0 =	vadd.f32 v1, v0;
	_ =	sdelay $0x1  }
0x10d: {  	[tilespmem:s16+$0x0] =	vst v0;
	s16 =	smov.u32 s29  }
0x10e: {  	v0 =	vld [tilespmem:s9+$0xFFFFFF10]  }
0x10f: {  	v1 =	vld [tilespmem:s22+$0xFFFFFF10];
	_ =	sdelay $0x4  }
0x110: {  	v0 =	vadd.f32 v1, v0;
	_ =	sdelay $0x1  }
0x111: {  	[tilespmem:s29+$0xFFFFFF10] =	vst v0  }
0x112: {  	v0 =	vld [tilespmem:s22+$0xFFFFFF20]  }
0x113: {  	v1 =	vld [tilespmem:s9+$0xFFFFFF20];
	_ =	sdelay $0x4  }
0x114: {  	v0 =	vadd.f32 v0, v1;
	_ =	sdelay $0x1  }
0x115: {  	[tilespmem:s29+$0xFFFFFF20] =	vst v0  }
0x116: {  	v0 =	vld [tilespmem:s9+$0xFFFFFF30]  }
0x117: {  	v1 =	vld [tilespmem:s22+$0xFFFFFF30];
	_ =	sdelay $0x4  }
0x118: {  	v0 =	vadd.f32 v1, v0;
	_ =	sdelay $0x1  }
0x119: {  	[tilespmem:s29+$0xFFFFFF30] =	vst v0  }
0x11a: {  	v0 =	vld [tilespmem:s9+$0xFFFFFF40]  }
0x11b: {  	v1 =	vld [tilespmem:s22+$0xFFFFFF40];
	_ =	sdelay $0x4  }
0x11c: {  	v0 =	vadd.f32 v1, v0;
	_ =	sdelay $0x1  }
0x11d: {  	[tilespmem:s29+$0xFFFFFF40] =	vst v0  }
0x11e: {  	v0 =	vld [tilespmem:s9+$0xFFFFFF50]  }
0x11f: {  	v1 =	vld [tilespmem:s22+$0xFFFFFF50];
	_ =	sdelay $0x4  }
0x120: {  	v0 =	vadd.f32 v1, v0;
	_ =	sdelay $0x1  }
0x121: {  	[tilespmem:s29+$0xFFFFFF50] =	vst v0  }
0x122: {  	v0 =	vld [tilespmem:s9+$0xFFFFFF60]  }
0x123: {  	v1 =	vld [tilespmem:s22+$0xFFFFFF60];
	_ =	sdelay $0x4  }
0x124: {  	v0 =	vadd.f32 v1, v0;
	_ =	sdelay $0x1  }
0x125: {  	[tilespmem:s29+$0xFFFFFF60] =	vst v0  }
0x126: {  	v0 =	vld [tilespmem:s9+$0xFFFFFF70]  }
0x127: {  	v1 =	vld [tilespmem:s22+$0xFFFFFF70];
	_ =	sdelay $0x4  }
0x128: {  	v0 =	vadd.f32 v1, v0;
	_ =	sdelay $0x1  }
0x129: {  	[tilespmem:s29+$0xFFFFFF70] =	vst v0  }
0x12a: {  	v0 =	vld [tilespmem:s9+$0xFFFFFF80]  }
0x12b: {  	v1 =	vld [tilespmem:s22+$0xFFFFFF80];
	_ =	sdelay $0x4  }
0x12c: {  	v0 =	vadd.f32 v1, v0;
	_ =	sdelay $0x1  }
0x12d: {  	[tilespmem:s29+$0xFFFFFF80] =	vst v0  }
0x12e: {  	v0 =	vld [tilespmem:s9+$0xFFFFFF90]  }
0x12f: {  	v1 =	vld [tilespmem:s22+$0xFFFFFF90];
	_ =	sdelay $0x4  }
0x130: {  	v0 =	vadd.f32 v1, v0;
	_ =	sdelay $0x1  }
0x131: {  	[tilespmem:s29+$0xFFFFFF90] =	vst v0  }
0x132: {  	v0 =	vld [tilespmem:s9+$0xFFFFFFA0]  }
0x133: {  	v1 =	vld [tilespmem:s22+$0xFFFFFFA0];
	_ =	sdelay $0x4  }
0x134: {  	v0 =	vadd.f32 v1, v0;
	_ =	sdelay $0x1  }
0x135: {  	[tilespmem:s29+$0xFFFFFFA0] =	vst v0  }
0x136: {  	v0 =	vld [tilespmem:s9+$0xFFFFFFB0]  }
0x137: {  	v1 =	vld [tilespmem:s22+$0xFFFFFFB0];
	_ =	sdelay $0x4  }
0x138: {  	v0 =	vadd.f32 v1, v0;
	_ =	sdelay $0x1  }
0x139: {  	[tilespmem:s29+$0xFFFFFFB0] =	vst v0  }
0x13a: {  	v0 =	vld [tilespmem:s9+$0xFFFFFFC0]  }
0x13b: {  	v1 =	vld [tilespmem:s22+$0xFFFFFFC0];
	_ =	sdelay $0x4  }
0x13c: {  	v0 =	vadd.f32 v1, v0;
	_ =	sdelay $0x1  }
0x13d: {  	[tilespmem:s29+$0xFFFFFFC0] =	vst v0  }
0x13e: {  	v0 =	vld [tilespmem:s9+$0xFFFFFFD0]  }
0x13f: {  	v1 =	vld [tilespmem:s22+$0xFFFFFFD0];
	_ =	sdelay $0x4  }
0x140: {  	v0 =	vadd.f32 v1, v0;
	_ =	sdelay $0x1  }
0x141: {  	[tilespmem:s29+$0xFFFFFFD0] =	vst v0  }
0x142: {  	v0 =	vld [tilespmem:s9+$0xFFFFFFE0]  }
0x143: {  	v1 =	vld [tilespmem:s22+$0xFFFFFFE0];
	_ =	sdelay $0x4  }
.Ltmp3:
0x144: {  	v0 =	vadd.f32 v1, v0;
	(pc) =	sbr.rel @p2 .LBB2_5-.Ltmp3, $4  }
0x145: {  	_ = 	snop  }
0x146: {  	[tilespmem:s29+$0xFFFFFFE0] =	vst v0  }
0x147: {  	v0 =	vld [tilespmem:s9+$0xFFFFFFF0]  }
0x148: {  	s22 =	sadd.s32 $0x100, s22;
	v1 =	vld [tilespmem:s26+$0xFFFFFFF0]  }
0x149: {  	_ =	sdelay $0x3  }
0x14a: {  	v0 =	vadd.f32 v1, v0;
	_ =	sdelay $0x1  }
0x14b: {  	[tilespmem:s16+$0xFFFFFFF0] =	vst v0  }
0x14c: {  	v0 =	vld [tilespmem:s20+$0x0]  }
0x14d: {  	v1 =	vld [tilespmem:s26+$0x0];
	_ =	sdelay $0x4  }
0x14e: {  	s9 =	sshll.u32 s14, $0x3;
	v0 =	vadd.f32 v1, v0  }
0x14f: {  	s9 =	sand.u32 $0x1FFFF400, s9  }
0x150: {  	s29 =	simm.s32 $0x16800;
	s9 =	sadd.s32 s2, s9;
	[tilespmem:s16+$0x0] =	vst v0  }
0x151: {  	[hbm4b:s9+s3] =	stream.linear.scatter [tilespmem:s29], [sflag:$0x6], $0x2000, $0x38;
	[tilespmem:$0x1C800] =	vst v63  }
0x152: {  	s14 =	simm.s32 @!p1 $0x80;
	s16 =	simm.s32 @!p1 $0xE800;
	s9 =	sadd.s32 @!p1 $0x280, s24  }
0x153: {  	[tilespmem:s16], [sflag:$0x2] =	stream.indirect.gather @!p1 [hbm4b:s6+s14], $0x40, s9, s14, $0xb8;
	[tilespmem:$0x1C800] =	vst v63  }
0x154: {  	_ =	swait.ge [sflag:s19], $0x2000  }
0x155: {  	v0 =	vmov s25;
	[sflag:s19] =	ssyncset.done $0x0  }
0x156: {  	s9 =	simm.s32 @!p0 $0x7;
	[sflag:s19] =	ssyncadd.s32 $0xFFFFE000  }
0x157: {  	_ =	swait.ge @!p0 [sflag:s9], $0x2000  }
0x158: {  	[sflag:s9] =	ssyncset.done @!p0 $0x0  }
0x159: {  	[sflag:s9] =	ssyncadd.s32 @!p0 $0xFFFFE000;
	s9 =	simm.s32 $0x0  }
0x15a: {  	v1 =	vld.idx.msk [tilespmem:v0+s9+$0x0 ss:$0x1], $0xffff  }
0x15b: {  	v2 =	vld [tilespmem:s9+$0x10800];
	_ =	sdelay $0x4  }
0x15c: {  	v1 =	vadd.f32 v1, v2;
	_ =	sdelay $0x1  }
0x15d: {  	v2 =	vld [tilespmem:s9+$0x10810];
	[tilespmem:s9+$0x18800] =	vst v1  }
0x15e: {  	v1 =	vld.idx.msk [tilespmem:v0+s9+$0x10 ss:$0x1], $0xffff;
	_ =	sdelay $0x4  }
0x15f: {  	v1 =	vadd.f32 v1, v2;
	_ =	sdelay $0x1  }
0x160: {  	v2 =	vld [tilespmem:s9+$0x10820];
	[tilespmem:s9+$0x18810] =	vst v1  }
0x161: {  	v1 =	vld.idx.msk [tilespmem:v0+s9+$0x20 ss:$0x1], $0xffff;
	_ =	sdelay $0x4  }
0x162: {  	v1 =	vadd.f32 v1, v2;
	_ =	sdelay $0x1  }
0x163: {  	v2 =	vld [tilespmem:s9+$0x10830];
	[tilespmem:s9+$0x18820] =	vst v1  }
0x164: {  	v1 =	vld.idx.msk [tilespmem:v0+s9+$0x30 ss:$0x1], $0xffff;
	_ =	sdelay $0x4  }
0x165: {  	v1 =	vadd.f32 v1, v2;
	_ =	sdelay $0x1  }
0x166: {  	v2 =	vld [tilespmem:s9+$0x10840];
	[tilespmem:s9+$0x18830] =	vst v1  }
0x167: {  	v1 =	vld.idx.msk [tilespmem:v0+s9+$0x40 ss:$0x1], $0xffff;
	_ =	sdelay $0x4  }
0x168: {  	v1 =	vadd.f32 v1, v2;
	_ =	sdelay $0x1  }
0x169: {  	v2 =	vld [tilespmem:s9+$0x10850];
	[tilespmem:s9+$0x18840] =	vst v1  }
0x16a: {  	v1 =	vld.idx.msk [tilespmem:v0+s9+$0x50 ss:$0x1], $0xffff;
	_ =	sdelay $0x4  }
0x16b: {  	v1 =	vadd.f32 v1, v2;
	_ =	sdelay $0x1  }
0x16c: {  	v2 =	vld [tilespmem:s9+$0x10860];
	[tilespmem:s9+$0x18850] =	vst v1  }
0x16d: {  	v1 =	vld.idx.msk [tilespmem:v0+s9+$0x60 ss:$0x1], $0xffff;
	_ =	sdelay $0x4  }
0x16e: {  	v1 =	vadd.f32 v1, v2;
	_ =	sdelay $0x1  }
0x16f: {  	v2 =	vld [tilespmem:s9+$0x10870];
	[tilespmem:s9+$0x18860] =	vst v1  }
0x170: {  	v1 =	vld.idx.msk [tilespmem:v0+s9+$0x70 ss:$0x1], $0xffff;
	_ =	sdelay $0x4  }
0x171: {  	v1 =	vadd.f32 v1, v2;
	_ =	sdelay $0x1  }
0x172: {  	v2 =	vld [tilespmem:s9+$0x10880];
	[tilespmem:s9+$0x18870] =	vst v1  }
0x173: {  	v1 =	vld.idx.msk [tilespmem:v0+s9+$0x80 ss:$0x1], $0xffff;
	_ =	sdelay $0x4  }
0x174: {  	v1 =	vadd.f32 v1, v2;
	_ =	sdelay $0x1  }
0x175: {  	v2 =	vld [tilespmem:s9+$0x10890];
	[tilespmem:s9+$0x18880] =	vst v1  }
0x176: {  	v1 =	vld.idx.msk [tilespmem:v0+s9+$0x90 ss:$0x1], $0xffff;
	_ =	sdelay $0x4  }
0x177: {  	v1 =	vadd.f32 v1, v2;
	_ =	sdelay $0x1  }
0x178: {  	v2 =	vld [tilespmem:s9+$0x108A0];
	[tilespmem:s9+$0x18890] =	vst v1  }
0x179: {  	v1 =	vld.idx.msk [tilespmem:v0+s9+$0xA0 ss:$0x1], $0xffff;
	_ =	sdelay $0x4  }
0x17a: {  	v1 =	vadd.f32 v1, v2;
	_ =	sdelay $0x1  }
0x17b: {  	v2 =	vld [tilespmem:s9+$0x108B0];
	[tilespmem:s9+$0x188A0] =	vst v1  }
0x17c: {  	v1 =	vld.idx.msk [tilespmem:v0+s9+$0xB0 ss:$0x1], $0xffff;
	_ =	sdelay $0x4  }
0x17d: {  	v1 =	vadd.f32 v1, v2;
	_ =	sdelay $0x1  }
0x17e: {  	v2 =	vld [tilespmem:s9+$0x108C0];
	[tilespmem:s9+$0x188B0] =	vst v1  }
0x17f: {  	v1 =	vld.idx.msk [tilespmem:v0+s9+$0xC0 ss:$0x1], $0xffff;
	_ =	sdelay $0x4  }
0x180: {  	v1 =	vadd.f32 v1, v2;
	_ =	sdelay $0x1  }
0x181: {  	v2 =	vld [tilespmem:s9+$0x108D0];
	[tilespmem:s9+$0x188C0] =	vst v1  }
0x182: {  	v1 =	vld.idx.msk [tilespmem:v0+s9+$0xD0 ss:$0x1], $0xffff;
	_ =	sdelay $0x4  }
0x183: {  	v1 =	vadd.f32 v1, v2;
	_ =	sdelay $0x1  }
0x184: {  	v2 =	vld [tilespmem:s9+$0x108E0];
	[tilespmem:s9+$0x188D0] =	vst v1  }
0x185: {  	v1 =	vld.idx.msk [tilespmem:v0+s9+$0xE0 ss:$0x1], $0xffff;
	_ =	sdelay $0x4  }
0x186: {  	v1 =	vadd.f32 v1, v2;
	_ =	sdelay $0x1  }
0x187: {  	v2 =	vld [tilespmem:s9+$0x108F0];
	[tilespmem:s9+$0x188E0] =	vst v1  }
0x188: {  	v1 =	vld.idx.msk [tilespmem:v0+s9+$0xF0 ss:$0x1], $0xffff;
	_ =	sdelay $0x4  }
0x189: {  	v1 =	vadd.f32 v1, v2  }
0x18a: {  	s18 =	simm.s32 $0x400;
	s14 =	sadd.s32 $0x100, s23;
	s16 =	simm.s32 $0x0  }
.LBB2_7:
0x18b: {  	s16 =	sadd.s32 $0x4, s16;
	[tilespmem:s9+$0x188F0] =	vst v1;
	s9 =	sshra.s32 s18, $0x2  }
0x18c: {  	v1 =	vld.idx.msk [tilespmem:v0+s9+$0x0 ss:$0x1], $0xffff;
	p2 =	slt.u32 s16, $0x7C  }
0x18d: {  	v2 =	vld [tilespmem:s9+$0x10800];
	_ =	sdelay $0x4  }
0x18e: {  	v1 =	vadd.f32 v1, v2;
	_ =	sdelay $0x1  }
0x18f: {  	[tilespmem:s9+$0x18800] =	vst v1  }
0x190: {  	v1 =	vld.idx.msk [tilespmem:v0+s9+$0x10 ss:$0x1], $0xffff  }
0x191: {  	v2 =	vld [tilespmem:s9+$0x10810];
	_ =	sdelay $0x4  }
0x192: {  	v1 =	vadd.f32 v1, v2;
	_ =	sdelay $0x1  }
0x193: {  	[tilespmem:s9+$0x18810] =	vst v1  }
0x194: {  	v1 =	vld.idx.msk [tilespmem:v0+s9+$0x20 ss:$0x1], $0xffff  }
0x195: {  	v2 =	vld [tilespmem:s9+$0x10820];
	_ =	sdelay $0x4  }
0x196: {  	v1 =	vadd.f32 v1, v2;
	_ =	sdelay $0x1  }
0x197: {  	[tilespmem:s9+$0x18820] =	vst v1  }
0x198: {  	v1 =	vld.idx.msk [tilespmem:v0+s9+$0x30 ss:$0x1], $0xffff  }
0x199: {  	v2 =	vld [tilespmem:s9+$0x10830];
	_ =	sdelay $0x4  }
0x19a: {  	v1 =	vadd.f32 v1, v2;
	_ =	sdelay $0x1  }
0x19b: {  	[tilespmem:s9+$0x18830] =	vst v1  }
0x19c: {  	v1 =	vld.idx.msk [tilespmem:v0+s9+$0x40 ss:$0x1], $0xffff  }
0x19d: {  	v2 =	vld [tilespmem:s9+$0x10840];
	_ =	sdelay $0x4  }
0x19e: {  	v1 =	vadd.f32 v1, v2;
	_ =	sdelay $0x1  }
0x19f: {  	[tilespmem:s9+$0x18840] =	vst v1  }
0x1a0: {  	v1 =	vld.idx.msk [tilespmem:v0+s9+$0x50 ss:$0x1], $0xffff  }
0x1a1: {  	v2 =	vld [tilespmem:s9+$0x10850];
	_ =	sdelay $0x4  }
0x1a2: {  	v1 =	vadd.f32 v1, v2;
	_ =	sdelay $0x1  }
0x1a3: {  	[tilespmem:s9+$0x18850] =	vst v1  }
0x1a4: {  	v1 =	vld.idx.msk [tilespmem:v0+s9+$0x60 ss:$0x1], $0xffff  }
0x1a5: {  	v2 =	vld [tilespmem:s9+$0x10860];
	_ =	sdelay $0x4  }
0x1a6: {  	v1 =	vadd.f32 v1, v2;
	_ =	sdelay $0x1  }
0x1a7: {  	[tilespmem:s9+$0x18860] =	vst v1  }
0x1a8: {  	v1 =	vld.idx.msk [tilespmem:v0+s9+$0x70 ss:$0x1], $0xffff  }
0x1a9: {  	v2 =	vld [tilespmem:s9+$0x10870];
	_ =	sdelay $0x4  }
0x1aa: {  	v1 =	vadd.f32 v1, v2;
	_ =	sdelay $0x1  }
0x1ab: {  	[tilespmem:s9+$0x18870] =	vst v1  }
0x1ac: {  	v1 =	vld.idx.msk [tilespmem:v0+s9+$0x80 ss:$0x1], $0xffff  }
0x1ad: {  	v2 =	vld [tilespmem:s9+$0x10880];
	_ =	sdelay $0x4  }
0x1ae: {  	v1 =	vadd.f32 v1, v2;
	_ =	sdelay $0x1  }
0x1af: {  	[tilespmem:s9+$0x18880] =	vst v1  }
0x1b0: {  	v1 =	vld.idx.msk [tilespmem:v0+s9+$0x90 ss:$0x1], $0xffff  }
0x1b1: {  	v2 =	vld [tilespmem:s9+$0x10890];
	_ =	sdelay $0x4  }
0x1b2: {  	v1 =	vadd.f32 v1, v2;
	_ =	sdelay $0x1  }
0x1b3: {  	[tilespmem:s9+$0x18890] =	vst v1  }
0x1b4: {  	v1 =	vld.idx.msk [tilespmem:v0+s9+$0xA0 ss:$0x1], $0xffff  }
0x1b5: {  	v2 =	vld [tilespmem:s9+$0x108A0];
	_ =	sdelay $0x4  }
0x1b6: {  	v1 =	vadd.f32 v1, v2;
	_ =	sdelay $0x1  }
0x1b7: {  	[tilespmem:s9+$0x188A0] =	vst v1  }
0x1b8: {  	v1 =	vld.idx.msk [tilespmem:v0+s9+$0xB0 ss:$0x1], $0xffff  }
0x1b9: {  	v2 =	vld [tilespmem:s9+$0x108B0];
	_ =	sdelay $0x4  }
0x1ba: {  	v1 =	vadd.f32 v1, v2;
	_ =	sdelay $0x1  }
0x1bb: {  	[tilespmem:s9+$0x188B0] =	vst v1  }
0x1bc: {  	v1 =	vld.idx.msk [tilespmem:v0+s9+$0xC0 ss:$0x1], $0xffff  }
0x1bd: {  	v2 =	vld [tilespmem:s9+$0x108C0];
	_ =	sdelay $0x4  }
0x1be: {  	v1 =	vadd.f32 v1, v2;
	_ =	sdelay $0x1  }
0x1bf: {  	[tilespmem:s9+$0x188C0] =	vst v1  }
0x1c0: {  	v1 =	vld.idx.msk [tilespmem:v0+s9+$0xD0 ss:$0x1], $0xffff  }
0x1c1: {  	v2 =	vld [tilespmem:s9+$0x108D0];
	_ =	sdelay $0x4  }
0x1c2: {  	v1 =	vadd.f32 v1, v2;
	_ =	sdelay $0x1  }
0x1c3: {  	[tilespmem:s9+$0x188D0] =	vst v1  }
0x1c4: {  	v1 =	vld.idx.msk [tilespmem:v0+s9+$0xE0 ss:$0x1], $0xffff  }
0x1c5: {  	v2 =	vld [tilespmem:s9+$0x108E0];
	_ =	sdelay $0x4  }
0x1c6: {  	v1 =	vadd.f32 v1, v2;
	_ =	sdelay $0x1  }
0x1c7: {  	[tilespmem:s9+$0x188E0] =	vst v1  }
0x1c8: {  	v1 =	vld.idx.msk [tilespmem:v0+s9+$0xF0 ss:$0x1], $0xffff  }
0x1c9: {  	v2 =	vld [tilespmem:s9+$0x108F0];
	_ =	sdelay $0x1  }
.Ltmp4:
0x1ca: {  	(pc) =	sbr.rel @p2 .LBB2_7-.Ltmp4, $3  }
0x1cb: {  	_ =	sdelay $0x1  }
0x1cc: {  	v1 =	vadd.f32 v1, v2  }
0x1cd: {  	s18 =	sadd.s32 $0x400, s18  }
0x1ce: {  	s14 =	sshll.u32 s14, $0x3  }
0x1cf: {  	s14 =	sand.u32 $0x1FFFF800, s14  }
0x1d0: {  	[tilespmem:s9+$0x188F0] =	vst v1;
	s29 =	simm.s32 $0x18800;
	s26 =	sadd.s32 s2, s14  }
0x1d1: {  	[hbm4b:s26+s3] =	stream.linear.scatter [tilespmem:s29], [sflag:$0x7], $0x2000, $0x38;
	[tilespmem:$0x1C800] =	vst v63  }
0x1d2: {  	s9 =	sadd.s32 @!p1 $0x300, s24;
	s16 =	simm.s32 @!p1 $0x10800;
	s14 =	simm.s32 @!p1 $0x80  }
0x1d3: {  	[tilespmem:s16], [sflag:$0x3] =	stream.indirect.gather @!p1 [hbm4b:s6+s14], $0x40, s9, s14, $0xb8;
	[tilespmem:$0x1C800] =	vst v63  }
0x1d4: {  	_ =	swait.ge [sflag:s21], $0x2000  }
0x1d5: {  	v0 =	vmov s8;
	[sflag:s21] =	ssyncset.done $0x0  }
0x1d6: {  	s8 =	simm.s32 @!p0 $0x8;
	[sflag:s21] =	ssyncadd.s32 $0xFFFFE000  }
0x1d7: {  	_ =	swait.ge @!p0 [sflag:s8], $0x2000  }
0x1d8: {  	[sflag:s8] =	ssyncset.done @!p0 $0x0  }
0x1d9: {  	[sflag:s8] =	ssyncadd.s32 @!p0 $0xFFFFE000;
	s8 =	simm.s32 $0x0  }
0x1da: {  	v1 =	vld.idx.msk [tilespmem:v0+s8+$0x0 ss:$0x1], $0xffff  }
0x1db: {  	v2 =	vld [tilespmem:s8+$0x12800];
	_ =	sdelay $0x4  }
0x1dc: {  	v1 =	vadd.f32 v1, v2;
	_ =	sdelay $0x1  }
0x1dd: {  	v2 =	vld [tilespmem:s8+$0x12810];
	[tilespmem:s8+$0x1A800] =	vst v1  }
0x1de: {  	v1 =	vld.idx.msk [tilespmem:v0+s8+$0x10 ss:$0x1], $0xffff;
	_ =	sdelay $0x4  }
0x1df: {  	v1 =	vadd.f32 v1, v2;
	_ =	sdelay $0x1  }
0x1e0: {  	v2 =	vld [tilespmem:s8+$0x12820];
	[tilespmem:s8+$0x1A810] =	vst v1  }
0x1e1: {  	v1 =	vld.idx.msk [tilespmem:v0+s8+$0x20 ss:$0x1], $0xffff;
	_ =	sdelay $0x4  }
0x1e2: {  	v1 =	vadd.f32 v1, v2;
	_ =	sdelay $0x1  }
0x1e3: {  	v2 =	vld [tilespmem:s8+$0x12830];
	[tilespmem:s8+$0x1A820] =	vst v1  }
0x1e4: {  	v1 =	vld.idx.msk [tilespmem:v0+s8+$0x30 ss:$0x1], $0xffff;
	_ =	sdelay $0x4  }
0x1e5: {  	v1 =	vadd.f32 v1, v2;
	_ =	sdelay $0x1  }
0x1e6: {  	v2 =	vld [tilespmem:s8+$0x12840];
	[tilespmem:s8+$0x1A830] =	vst v1  }
0x1e7: {  	v1 =	vld.idx.msk [tilespmem:v0+s8+$0x40 ss:$0x1], $0xffff;
	_ =	sdelay $0x4  }
0x1e8: {  	v1 =	vadd.f32 v1, v2;
	_ =	sdelay $0x1  }
0x1e9: {  	v2 =	vld [tilespmem:s8+$0x12850];
	[tilespmem:s8+$0x1A840] =	vst v1  }
0x1ea: {  	v1 =	vld.idx.msk [tilespmem:v0+s8+$0x50 ss:$0x1], $0xffff;
	_ =	sdelay $0x4  }
0x1eb: {  	v1 =	vadd.f32 v1, v2;
	_ =	sdelay $0x1  }
0x1ec: {  	v2 =	vld [tilespmem:s8+$0x12860];
	[tilespmem:s8+$0x1A850] =	vst v1  }
0x1ed: {  	v1 =	vld.idx.msk [tilespmem:v0+s8+$0x60 ss:$0x1], $0xffff;
	_ =	sdelay $0x4  }
0x1ee: {  	v1 =	vadd.f32 v1, v2;
	_ =	sdelay $0x1  }
0x1ef: {  	v2 =	vld [tilespmem:s8+$0x12870];
	[tilespmem:s8+$0x1A860] =	vst v1  }
0x1f0: {  	v1 =	vld.idx.msk [tilespmem:v0+s8+$0x70 ss:$0x1], $0xffff;
	_ =	sdelay $0x4  }
0x1f1: {  	v1 =	vadd.f32 v1, v2;
	_ =	sdelay $0x1  }
0x1f2: {  	v2 =	vld [tilespmem:s8+$0x12880];
	[tilespmem:s8+$0x1A870] =	vst v1  }
0x1f3: {  	v1 =	vld.idx.msk [tilespmem:v0+s8+$0x80 ss:$0x1], $0xffff;
	_ =	sdelay $0x4  }
0x1f4: {  	v1 =	vadd.f32 v1, v2;
	_ =	sdelay $0x1  }
0x1f5: {  	v2 =	vld [tilespmem:s8+$0x12890];
	[tilespmem:s8+$0x1A880] =	vst v1  }
0x1f6: {  	v1 =	vld.idx.msk [tilespmem:v0+s8+$0x90 ss:$0x1], $0xffff;
	_ =	sdelay $0x4  }
0x1f7: {  	v1 =	vadd.f32 v1, v2;
	_ =	sdelay $0x1  }
0x1f8: {  	v2 =	vld [tilespmem:s8+$0x128A0];
	[tilespmem:s8+$0x1A890] =	vst v1  }
0x1f9: {  	v1 =	vld.idx.msk [tilespmem:v0+s8+$0xA0 ss:$0x1], $0xffff;
	_ =	sdelay $0x4  }
0x1fa: {  	v1 =	vadd.f32 v1, v2;
	_ =	sdelay $0x1  }
0x1fb: {  	v2 =	vld [tilespmem:s8+$0x128B0];
	[tilespmem:s8+$0x1A8A0] =	vst v1  }
0x1fc: {  	v1 =	vld.idx.msk [tilespmem:v0+s8+$0xB0 ss:$0x1], $0xffff;
	_ =	sdelay $0x4  }
0x1fd: {  	v1 =	vadd.f32 v1, v2;
	_ =	sdelay $0x1  }
0x1fe: {  	v2 =	vld [tilespmem:s8+$0x128C0];
	[tilespmem:s8+$0x1A8B0] =	vst v1  }
0x1ff: {  	v1 =	vld.idx.msk [tilespmem:v0+s8+$0xC0 ss:$0x1], $0xffff;
	_ =	sdelay $0x4  }
0x200: {  	v1 =	vadd.f32 v1, v2;
	_ =	sdelay $0x1  }
0x201: {  	v2 =	vld [tilespmem:s8+$0x128D0];
	[tilespmem:s8+$0x1A8C0] =	vst v1  }
0x202: {  	v1 =	vld.idx.msk [tilespmem:v0+s8+$0xD0 ss:$0x1], $0xffff;
	_ =	sdelay $0x4  }
0x203: {  	v1 =	vadd.f32 v1, v2;
	_ =	sdelay $0x1  }
0x204: {  	v2 =	vld [tilespmem:s8+$0x128E0];
	[tilespmem:s8+$0x1A8D0] =	vst v1  }
0x205: {  	v1 =	vld.idx.msk [tilespmem:v0+s8+$0xE0 ss:$0x1], $0xffff;
	_ =	sdelay $0x4  }
0x206: {  	v1 =	vadd.f32 v1, v2;
	_ =	sdelay $0x1  }
0x207: {  	v2 =	vld [tilespmem:s8+$0x128F0];
	[tilespmem:s8+$0x1A8E0] =	vst v1  }
0x208: {  	v1 =	vld.idx.msk [tilespmem:v0+s8+$0xF0 ss:$0x1], $0xffff;
	_ =	sdelay $0x4  }
0x209: {  	v1 =	vadd.f32 v1, v2  }
0x20a: {  	s9 =	sadd.s32 $0x180, s23;
	s14 =	simm.s32 $0x0;
	s16 =	simm.s32 $0x400  }
.LBB2_9:
0x20b: {  	s14 =	sadd.s32 $0x4, s14;
	[tilespmem:s8+$0x1A8F0] =	vst v1;
	s8 =	sshra.s32 s16, $0x2  }
0x20c: {  	v1 =	vld.idx.msk [tilespmem:v0+s8+$0x0 ss:$0x1], $0xffff;
	p0 =	slt.u32 s14, $0x7C  }
0x20d: {  	v2 =	vld [tilespmem:s8+$0x12800];
	_ =	sdelay $0x4  }
0x20e: {  	v1 =	vadd.f32 v1, v2;
	_ =	sdelay $0x1  }
0x20f: {  	[tilespmem:s8+$0x1A800] =	vst v1  }
0x210: {  	v1 =	vld.idx.msk [tilespmem:v0+s8+$0x10 ss:$0x1], $0xffff  }
0x211: {  	v2 =	vld [tilespmem:s8+$0x12810];
	_ =	sdelay $0x4  }
0x212: {  	v1 =	vadd.f32 v1, v2;
	_ =	sdelay $0x1  }
0x213: {  	[tilespmem:s8+$0x1A810] =	vst v1  }
0x214: {  	v1 =	vld.idx.msk [tilespmem:v0+s8+$0x20 ss:$0x1], $0xffff  }
0x215: {  	v2 =	vld [tilespmem:s8+$0x12820];
	_ =	sdelay $0x4  }
0x216: {  	v1 =	vadd.f32 v1, v2;
	_ =	sdelay $0x1  }
0x217: {  	[tilespmem:s8+$0x1A820] =	vst v1  }
0x218: {  	v1 =	vld.idx.msk [tilespmem:v0+s8+$0x30 ss:$0x1], $0xffff  }
0x219: {  	v2 =	vld [tilespmem:s8+$0x12830];
	_ =	sdelay $0x4  }
0x21a: {  	v1 =	vadd.f32 v1, v2;
	_ =	sdelay $0x1  }
0x21b: {  	[tilespmem:s8+$0x1A830] =	vst v1  }
0x21c: {  	v1 =	vld.idx.msk [tilespmem:v0+s8+$0x40 ss:$0x1], $0xffff  }
0x21d: {  	v2 =	vld [tilespmem:s8+$0x12840];
	_ =	sdelay $0x4  }
0x21e: {  	v1 =	vadd.f32 v1, v2;
	_ =	sdelay $0x1  }
0x21f: {  	[tilespmem:s8+$0x1A840] =	vst v1  }
0x220: {  	v1 =	vld.idx.msk [tilespmem:v0+s8+$0x50 ss:$0x1], $0xffff  }
0x221: {  	v2 =	vld [tilespmem:s8+$0x12850];
	_ =	sdelay $0x4  }
0x222: {  	v1 =	vadd.f32 v1, v2;
	_ =	sdelay $0x1  }
0x223: {  	[tilespmem:s8+$0x1A850] =	vst v1  }
0x224: {  	v1 =	vld.idx.msk [tilespmem:v0+s8+$0x60 ss:$0x1], $0xffff  }
0x225: {  	v2 =	vld [tilespmem:s8+$0x12860];
	_ =	sdelay $0x4  }
0x226: {  	v1 =	vadd.f32 v1, v2;
	_ =	sdelay $0x1  }
0x227: {  	[tilespmem:s8+$0x1A860] =	vst v1  }
0x228: {  	v1 =	vld.idx.msk [tilespmem:v0+s8+$0x70 ss:$0x1], $0xffff  }
0x229: {  	v2 =	vld [tilespmem:s8+$0x12870];
	_ =	sdelay $0x4  }
0x22a: {  	v1 =	vadd.f32 v1, v2;
	_ =	sdelay $0x1  }
0x22b: {  	[tilespmem:s8+$0x1A870] =	vst v1  }
0x22c: {  	v1 =	vld.idx.msk [tilespmem:v0+s8+$0x80 ss:$0x1], $0xffff  }
0x22d: {  	v2 =	vld [tilespmem:s8+$0x12880];
	_ =	sdelay $0x4  }
0x22e: {  	v1 =	vadd.f32 v1, v2;
	_ =	sdelay $0x1  }
0x22f: {  	[tilespmem:s8+$0x1A880] =	vst v1  }
0x230: {  	v1 =	vld.idx.msk [tilespmem:v0+s8+$0x90 ss:$0x1], $0xffff  }
0x231: {  	v2 =	vld [tilespmem:s8+$0x12890];
	_ =	sdelay $0x4  }
0x232: {  	v1 =	vadd.f32 v1, v2;
	_ =	sdelay $0x1  }
0x233: {  	[tilespmem:s8+$0x1A890] =	vst v1  }
0x234: {  	v1 =	vld.idx.msk [tilespmem:v0+s8+$0xA0 ss:$0x1], $0xffff  }
0x235: {  	v2 =	vld [tilespmem:s8+$0x128A0];
	_ =	sdelay $0x4  }
0x236: {  	v1 =	vadd.f32 v1, v2;
	_ =	sdelay $0x1  }
0x237: {  	[tilespmem:s8+$0x1A8A0] =	vst v1  }
0x238: {  	v1 =	vld.idx.msk [tilespmem:v0+s8+$0xB0 ss:$0x1], $0xffff  }
0x239: {  	v2 =	vld [tilespmem:s8+$0x128B0];
	_ =	sdelay $0x4  }
0x23a: {  	v1 =	vadd.f32 v1, v2;
	_ =	sdelay $0x1  }
0x23b: {  	[tilespmem:s8+$0x1A8B0] =	vst v1  }
0x23c: {  	v1 =	vld.idx.msk [tilespmem:v0+s8+$0xC0 ss:$0x1], $0xffff  }
0x23d: {  	v2 =	vld [tilespmem:s8+$0x128C0];
	_ =	sdelay $0x4  }
0x23e: {  	v1 =	vadd.f32 v1, v2;
	_ =	sdelay $0x1  }
0x23f: {  	[tilespmem:s8+$0x1A8C0] =	vst v1  }
0x240: {  	v1 =	vld.idx.msk [tilespmem:v0+s8+$0xD0 ss:$0x1], $0xffff  }
0x241: {  	v2 =	vld [tilespmem:s8+$0x128D0];
	_ =	sdelay $0x4  }
0x242: {  	v1 =	vadd.f32 v1, v2;
	_ =	sdelay $0x1  }
0x243: {  	[tilespmem:s8+$0x1A8D0] =	vst v1  }
0x244: {  	v1 =	vld.idx.msk [tilespmem:v0+s8+$0xE0 ss:$0x1], $0xffff  }
0x245: {  	v2 =	vld [tilespmem:s8+$0x128E0];
	_ =	sdelay $0x4  }
0x246: {  	v1 =	vadd.f32 v1, v2;
	_ =	sdelay $0x1  }
0x247: {  	[tilespmem:s8+$0x1A8E0] =	vst v1  }
0x248: {  	v1 =	vld.idx.msk [tilespmem:v0+s8+$0xF0 ss:$0x1], $0xffff  }
0x249: {  	v2 =	vld [tilespmem:s8+$0x128F0];
	_ =	sdelay $0x1  }
.Ltmp5:
0x24a: {  	(pc) =	sbr.rel @p0 .LBB2_9-.Ltmp5, $3  }
0x24b: {  	_ =	sdelay $0x1  }
0x24c: {  	v1 =	vadd.f32 v1, v2  }
0x24d: {  	s16 =	sadd.s32 $0x400, s16  }
.Ltmp6:
0x24e: {  	(pc) =	sbr.rel @p1 .LBB2_12-.Ltmp6, $4  }
0x24f: {  	s9 =	sshll.u32 s9, $0x3  }
0x250: {  	s9 =	sand.u32 $0x1FFFFC00, s9  }
0x251: {  	[tilespmem:s8+$0x1A8F0] =	vst v1;
	s29 =	simm.s32 $0x1A800;
	s26 =	sadd.s32 s2, s9  }
0x252: {  	[hbm4b:s26+s3] =	stream.linear.scatter [tilespmem:s29], [sflag:$0x8], $0x2000, $0x38;
	[tilespmem:$0x1C800] =	vst v63  }
0x253: {  	s7 =	sand.u32 $0x3FFFFE00, s7  }
.Ltmp7:
0x254: {  	s8 =	simm.s32 $0x12800;
	s5 =	sadd.s32 $0x1, s5;
	(pc) =	sbr.rel .LBB2_2-.Ltmp7, $4  }
0x255: {  	s1 =	sadd.s32 $0x8000, s1;
	s13 =	sadd.s32 $0x200, s13;
	s0 =	sadd.s32 $0x8000, s0  }
0x256: {  	s12 =	sadd.s32 $0x200, s12;
	s10 =	sadd.s32 $0x8000, s10;
	s30 =	sadd.s32 $0x200, s30  }
0x257: {  	s11 =	sadd.s32 $0x8000, s11;
	s31 =	sadd.s32 $0x200, s31;
	s7 =	sadd.s32 $0x380, s7  }
0x258: {  	[tilespmem:s8], [sflag:$0x4] =	stream.indirect.gather [hbm4b:s6+s28], $0x40, s7, s28, $0xb8;
	[tilespmem:$0x1C800] =	vst v63  }
.LBB2_13:
0x259: {  	_ =	sfence.sel $0x180000  }
0x25a: {  	[bflag:$0x0] =	sbarrier.arrive $0xFFFF  }
0x25b: {  	_ =	strace $0x90000047  }
0x25c: {  	s0 =	stileid.u32;
	[bflag:$0x2] =	sbarrier.arrive $0xFFFF  }
0x25d: {  	p0 =	sne.s32 s0, $0x0;
	s0 =	rddreg [dreg:$0x2]  }
0x25e: {  	s0 =	sadd.s32 @!p0 $0x100000, s0  }
0x25f: {  	[sflag:s0] =	ssyncadd.tile.s32 @!p0 $0x1;
	_ =	shalt  }
.Lfunc_end2:
_tile_overlayer_lowered:
.L_overlay_start_2:
0x260: {  	(tag) =	ssettag $0x2  }
0x261: {  	s0 =	rddreg [dreg:$0x0];
	s2 =	stileid.u32  }
0x262: {  	s1 =	rddreg [dreg:$0x1];
	p0 =	sne.s32 s2, $0x0  }
0x263: {  	s3 =	rddreg [dreg:$0x2];
	[bflag:$0x3] =	sbarrier.arrive $0xFFFF;
	s2 =	simm.s32 @!p0 $0x1C09  }
0x264: {  	[timem:s3], [sflag:s2] =	dma.local @!p0 [hbm:s0], s1  }
0x265: {  	s0 =	simm.s32 @!p0 $0x9  }
0x266: {  	_ =	swait.ge @!p0 [sflag:s0], s1  }
0x267: {  	s1 =	ssub.s32 @!p0 $0x0, s1;
	[sflag:s0] =	ssyncset.done @!p0 $0x0  }
0x268: {  	[sflag:s0] =	ssyncadd.s32 @!p0 s1  }
0x269: {  	[bflag:$0x3] =	sbarrier.arrive $0xFFFF  }
0x26a: {  	_ =	shalt  }

// kernel: sparse-core-data-format-call.cloned.1.call-start
scs
called_computation_lowered:
.L_overlay_start_0:
0x0: {  	s2 =	sld [smem:$0x3FD9]  }
0x1: {  	s3 =	sld [smem:$0x3FFE];
	_ =	sdelay $0x1  }
0x2: {  	s1 =	srdreg.scid  }
0x3: {  	s0 =	sand.u32 $0x1, s1  }
0x4: {  	s18 =	sshll.u32 s0, $0xA;
	s2 =	sadd.s32 s3, s2  }
0x5: {  	s2 =	sadd.s32 s2, s18  }
0x6: {  	[smem:$0x3FC5] =	sst s2  }
0x7: {  	_ = 	snop  }
0x8: {  	s2 =	sld [smem:$0x3FD0];
	(tm) =	ssettm $0x1  }
0x9: {  	s19 =	sld [smem:$0x3FFB];
	_ =	sdelay $0x3  }
0xa: {  	_ =	strace s19  }
0xb: {  	s3 =	sld [smem:$0x3FFC];
	_ =	sdelay $0x3  }
0xc: {  	_ =	strace s3  }
0xd: {  	s3 =	sld [smem:$0x3FFD];
	_ =	sdelay $0x3  }
0xe: {  	_ =	strace s3  }
0xf: {  	_ =	strace $0x8FFFFFFF  }
0x10: {  	s20 =	sld [smem:$0x3FDB];
	_ =	sdelay $0x1  }
0x11: {  	s4 =	simm.s32 $_scs_section_size  }
0x12: {  	s5 =	simm.s32 $_size__tile_overlayer_lowered;
	s6 =	simm.s32 $_tile_overlayer_lowered  }
0x13: {  	s23 =	simm.s32 $0x1BFF;
	s22 =	sshll.u32 s6, $0x1;
	s3 =	sadd.s32 s4, s20  }
0x14: {  	s7 =	simm.s32 $0x0;
	s21 =	sshll.u32 s5, $0x1;
	s5 =	sadd.s32 s22, s3  }
0x15: {  	[timem:s7], [sflag:s23] =	dma.local [hbm:s5], s21  }
0x16: {  	_ =	swait.ge [sflag:s23], s21  }
0x17: {  	s4 =	ssub.s32 $0x0, s21;
	[sflag:s23] =	ssyncset.done $0x0  }
0x18: {  	[sflag:s23] =	ssyncadd.s32 s4;
	_ =	sdelay $0x1  }
0x19: {  	s24 =	simm.s32 $0x1B8B  }
0x1a: {  	_ =	swait.ge [sflag:s24], $0x1  }
0x1b: {  	[sflag:s24] =	ssyncset.done $0x0  }
0x1c: {  	s26 =	simm.s32 $0x1B8E;
	s25 =	sld [smem:$0x3FFE];
	[sflag:s24] =	ssyncadd.s32 $0xFFFFFFFF  }
0x1d: {  	s27 =	simm.s32 $execute0_lowered;
	[smem:$0x3FD2] =	sst s26  }
0x1e: {  	s5 =	sshll.u32 s27, $0x1;
	_ =	strace $0x80000049;
	[dreg:$0x1] =	wrdreg $0xFFFFFFFF  }
0x1f: {  	s28 =	simm.s32 $_size_execute0_lowered;
	s3 =	sadd.s32 s3, s5;
	[dreg:$0x0] =	wrdreg $0x0  }
0x20: {  	s5 =	sshll.u32 s28, $0x1;
	[dreg:$0x2] =	wrdreg s3  }
0x21: {  	[dreg:$0x3] =	wrdreg s5  }
0x22: {  	[dreg:$0x4] =	wrdreg $0xC0  }
0x23: {  	_ =	task [dreg:s7], $0x5FFFF  }
0x24: {  	[dreg:$0x1] =	wrdreg $0xFFFFFFFF  }
0x25: {  	[dreg:$0x0] =	wrdreg $0x60  }
0x26: {  	[dreg:$0x2] =	wrdreg s25  }
0x27: {  	[dreg:$0x3] =	wrdreg s2  }
0x28: {  	[dreg:$0x4] =	wrdreg $0x9  }
0x29: {  	_ =	task.clear_ibuf [dreg:s7], $0x5FFFF;
	_ =	strace $0x90000049  }
0x2a: {  	s29 =	simm.s32 $0x9;
	_ =	strace $0x8000004B  }
0x2b: {  	_ =	swait.ge [sflag:s29], $0x1  }
0x2c: {  	[sflag:s29] =	ssyncadd.s32 $0xFFFFFFFF  }
0x2d: {  	_ =	strace $0x9000004B  }
0x2e: {  	_ =	sfence  }
0x2f: {  	s30 =	sld [smem:$0x0];
	_ =	sdelay $0x2  }
0x30: {  	s31 =	sshll.u32 s1, $0xD;
	s1 =	sshrl.u32 s1, $0x2  }
0x31: {  	s3 =	sand.u32 $0x4000, s31;
	s1 =	sadd.s32 s1, s30  }
0x32: {  	s0 =	sor.u32 s3, s0;
	s1 =	sshll.u32 s1, $0x11  }
0x33: {  	s0 =	sor.u32 s1, s0  }
0x34: {  	s0 =	sadd.s32 $0x8F2B, s0  }
0x35: {  	[sflag:s0] =	ssyncadd.remote.s32 $0x1  }
0x36: {  	_ =	sfence.sel $0xFFFF  }
0x37: {  	[dreg:$0x0] =	wrdreg $0xFFFFFFFF;
	(pc) =	sbr.abs _section_cstart, $3  }
0x38: {  	[dreg:$0x1] =	wrdreg $0xFFFFFFFF  }
0x39: {  	_ =	task.clear_ibuf [dreg:s7], $0x2FFFF;
	_ =	strace $0x9FFFFFFF  }
0x3a: {  	(tm) =	ssettm $0x7FFFFFFF  }
0x3b: {  	_ =	shalt  }
tec
execute0_lowered:
.L_overlay_start_1:
0x0: {  	(tag) =	ssettag $0x1  }
0x1: {  	s0 =	srdreg.scid  }
0x2: {  	s1 =	sshll.u32 s0, $0x4  }
0x3: {  	s0 =	stileid.u32;
	s1 =	sand.u32 $0x10, s1  }
0x4: {  	s1 =	sor.u32 s0, s1  }
0x5: {  	s6 =	rddreg [dreg:$0x0];
	s4 =	simm.s32 $0x1;
	s2 =	sshll.u32 s1, $0x7  }
0x6: {  	s7 =	simm.s32 $0x2;
	s12 =	simm.s32 $0x0;
	s1 =	ssub.s32 $0x1000, s2  }
0x7: {  	s8 =	simm.s32 $0x8000;
	s13 =	simm.s32 $0x0;
	s3 =	sand.u32 $0xF80, s1  }
0x8: {  	s9 =	simm.s32 $0x0;
	s5 =	sshrl.u32 s1, $0xC;
	p0 =	sne.s32 s3, $0x0  }
.Ltmp0:
0x9: {  	s1 =	rddreg [dreg:$0x2];
	s4 =	simm.s32 @!p0 $0x0;
	(pc) =	sbr.rel .LBB1_1-.Ltmp0, $4  }
0xa: {  	s11 =	simm.s32 $0x0;
	s3 =	rddreg [dreg:$0x1];
	s5 =	sadd.s32 s4, s5  }
0xb: {  	_ =	strace $0x8000004A;
	s4 =	simm.s32 $0x1;
	s5 =	smul.u32 $0xC8, s5  }
0xc: {  	s6 =	sadd.s32 $0x800, s6;
	s10 =	smov.u32 s2;
	[sflag:s4] =	ssyncpa.u1 $0x0  }
0xd: {  	p0 =	por $0x0, $0x0;
	[sflag:s7] =	ssyncpa.u1 $0x0;
	s7 =	sor.u32 $0x1, s5  }
.LBB1_4:
0xe: {  	s16 =	sshll.u32 s13, $0x3;
	s17 =	sand.u32 $0x78, s13  }
0xf: {  	s30 =	sand.u32 $0x7E00, s13;
	s12 =	sshll.u32 s12, $0xF;
	s16 =	sand.u32 $0xC00, s16  }
0x10: {  	[tilespmem:s15+$0x810 ss:$0x81] =	vst.msk $0xffff, v2;
	s31 =	sand.u32 $0x7, s13;
	s16 =	sor.u32 s17, s16;
	s17 =	sadd.s32 s3, s30  }
0x11: {  	[tilespmem:s15+$0x1020 ss:$0x81] =	vst.msk $0xffff, v0;
	s13 =	sshll.u32 s31, $0x12;
	s12 =	sadd.s32 s12, s17;
	s16 =	sshrl.u32 s16, $0x3  }
0x12: {  	[tilespmem:s15+$0x0 ss:$0x81] =	vst.msk $0xffff, v1;
	s13 =	sor.u32 $0x400, s13;
	s12 =	sadd.s32 s16, s12  }
0x13: {  	[hbm4b:s12+s13] =	stream.strided.scatter [tilespmem:s14], [sflag:$0x2], $0x2000, s8, s13, $0x20;
	[tilespmem:$0x8080] =	vst v63  }
.LBB1_5:
0x14: {  	s14 =	sadd.s32 $0x1, s9  }
0x15: {  	s12 =	sadd.s32 $0x1000, s10;
	s16 =	smov.u32 s10;
	p2 =	sgt.s32 s14, $0xC7  }
0x16: {  	s16 =	smov.u32 @p2 s12  }
0x17: {  	s14 =	simm.s32 @p2 $0x0;
	p2 =	sgt.s32 s16, $0xFFF  }
0x18: {  	s16 =	smov.u32 @p2 s2;
	p2 =	sne.s32 s11, s7  }
.Ltmp1:
0x19: {  	p1 =	slt.u32 s11, $0x2;
	(pc) =	sbr.rel @!p2 .LBB1_6-.Ltmp1, $4  }
0x1a: {  	s15 =	simm.s32 @!p1 $0x2  }
0x1b: {  	s13 =	smov.u32 s10;
	p0 =	por !p0, !p0;
	_ =	swait.ge @!p1 [sflag:s15], $0x2000  }
0x1c: {  	s12 =	smov.u32 s9;
	[sflag:s15] =	ssyncset.done @!p1 $0x0;
	s9 =	smov.u32 s14  }
0x1d: {  	s11 =	sadd.s32 $0x1, s11;
	[sflag:s15] =	ssyncadd.s32 @!p1 $0xFFFFE000;
	s10 =	smov.u32 s16  }
.LBB1_1:
0x1e: {  	p1 =	sge.u32 s11, s5  }
0x1f: {  	s14 =	sand.u32 @!p1 $0x1FFFFFF, s9  }
0x20: {  	s15 =	smulhi.u32 @!p1 $0x147AE15, s14;
	_ =	sdelay $0x1  }
0x21: {  	s15 =	smul.u32 @!p1 $0xC8, s15  }
0x22: {  	s16 =	sxor.u32 @!p1 $0xFFFFFFFF, s11;
	s17 =	smul.u32 @!p1 $0xC80, s10  }
0x23: {  	s31 =	sadd.s32 $0xFFFFFFFF, s11;
	s16 =	sshll.u32 @!p1 s16, $0xD;
	s14 =	ssub.s32 @!p1 s14, s15  }
0x24: {  	s15 =	sand.u32 @!p1 $0x2000, s16;
	s16 =	sadd.s32 @!p1 s6, s17;
	s14 =	sshll.u32 @!p1 s14, $0x4  }
0x25: {  	s17 =	simm.s32 @!p1 $0x6400;
	s14 =	sadd.s32 @!p1 s14, s16;
	s16 =	simm.s32 @!p1 $0x40  }
0x26: {  	[tilespmem:s15], [sflag:$0x1] =	stream.strided.gather @!p1 [hbm4b:s14+s16], $0x2000, s17, s16, $0x38;
	[tilespmem:$0x8080] =	vst v63  }
0x27: {  	p1 =	sge.u32 s31, s5  }
.Ltmp2:
0x28: {  	_ = 	snop;
	(pc) =	sbr.rel @p1 .LBB1_5-.Ltmp2, $1  }
0x29: {  	_ =	sdelay $0x3  }
0x2a: {  	s14 =	simm.s32 $0x1  }
0x2b: {  	_ =	swait.ge [sflag:s4], $0x2000;
	s14 =	simm.s32 @!p0 $0x0  }
0x2c: {  	[sflag:s4] =	ssyncset.done $0x0;
	s15 =	sshll.u32 s14, $0xD  }
0x2d: {  	[sflag:s4] =	ssyncadd.s32 $0xFFFFE000;
	s18 =	sor.u32 $0x20, s15  }
0x2e: {  	s14 =	smul.u32 $0x8100, s14;
	v3 =	vld [tilespmem:s18+$0x10]  }
0x2f: {  	s30 =	sand.u32 $0x1, s11;
	v2 =	vld [tilespmem:s18+$0xFFFFFFF0]  }
0x30: {  	s15 =	smul.u32 $0x8100, s30;
	s14 =	sshrl.u32 s14, $0x2;
	v0 =	vld [tilespmem:s18+$0x0]  }
0x31: {  	v1 =	vld [tilespmem:s18+$0xFFFFFFE0];
	s16 =	sor.u32 $0x4000, s14  }
0x32: {  	s31 =	sshrl.u32 s15, $0x2;
	s15 =	sadd.s32 $0x0, s16  }
0x33: {  	s17 =	simm.s32 $0x4;
	s18 =	sadd.s32 $0x40, s18;
	s14 =	sor.u32 $0x4000, s31;
	[tilespmem:s15+$0x1830 ss:$0x81] =	vst.msk $0xffff, v3  }
.LBB1_3:
0x34: {  	v3 =	vld [tilespmem:s18+$0x10];
	p1 =	sne.s32 s17, $0x1FC;
	[tilespmem:s15+$0x810 ss:$0x81] =	vst.msk $0xffff, v2;
	s19 =	smov.u32 s17;
	s17 =	sadd.s32 $0x4, s17  }
.Ltmp3:
0x35: {  	v2 =	vld [tilespmem:s18+$0xFFFFFFF0];
	[tilespmem:s15+$0x1020 ss:$0x81] =	vst.msk $0xffff, v0;
	(pc) =	sbr.rel @p1 .LBB1_3-.Ltmp3, $4  }
0x36: {  	v0 =	vld [tilespmem:s18+$0x0];
	[tilespmem:s15+$0x0 ss:$0x81] =	vst.msk $0xffff, v1  }
0x37: {  	s15 =	sshra.s32 s19, $0x2;
	v1 =	vld [tilespmem:s18+$0xFFFFFFE0]  }
0x38: {  	s15 =	sadd.s32 s15, s16  }
0x39: {  	s18 =	sadd.s32 $0x40, s18;
	[tilespmem:s15+$0x1830 ss:$0x81] =	vst.msk $0xffff, v3  }
.Ltmp4:
0x3a: {  	_ = 	snop;
	(pc) =	sbr.rel .LBB1_4-.Ltmp4, $1  }
0x3b: {  	_ =	sdelay $0x3  }
.LBB1_6:
0x3c: {  	_ =	sfence.sel $0x180000  }
0x3d: {  	s2 =	simm.s32 $0x1;
	[bflag:$0x0] =	sbarrier.arrive $0xFFFF  }
0x3e: {  	s31 =	simm.s32 $0x2;
	[sflag:s2] =	ssyncpa.u1 $0x1  }
0x3f: {  	[sflag:s31] =	ssyncpa.u1 $0x1  }
0x40: {  	p0 =	sne.s32 s0, $0x0;
	_ =	strace $0x9000004A  }
0x41: {  	s0 =	sadd.s32 @!p0 $0x100000, s1;
	[bflag:$0x2] =	sbarrier.arrive $0xFFFF  }
0x42: {  	[sflag:s0] =	ssyncadd.tile.s32 @!p0 $0x1;
	_ =	shalt  }
.Lfunc_end1:
_tile_overlayer_lowered:
.L_overlay_start_2:
0x43: {  	(tag) =	ssettag $0x2  }
0x44: {  	s0 =	rddreg [dreg:$0x0];
	s2 =	stileid.u32  }
0x45: {  	s1 =	rddreg [dreg:$0x1];
	p0 =	sne.s32 s2, $0x0  }
0x46: {  	s3 =	rddreg [dreg:$0x2];
	[bflag:$0x3] =	sbarrier.arrive $0xFFFF;
	s2 =	simm.s32 @!p0 $0x1C01  }
0x47: {  	[timem:s3], [sflag:s2] =	dma.local @!p0 [hbm:s0], s1  }
0x48: {  	s0 =	simm.s32 @!p0 $0x1  }
0x49: {  	_ =	swait.ge @!p0 [sflag:s0], s1  }
0x4a: {  	s1 =	ssub.s32 @!p0 $0x0, s1;
	[sflag:s0] =	ssyncset.done @!p0 $0x0  }
0x4b: {  	[sflag:s0] =	ssyncadd.s32 @!p0 s1  }
0x4c: {  	[bflag:$0x3] =	sbarrier.arrive $0xFFFF  }
0x4d: {  	_ =	shalt  }

</sc_bundles>
